<compile_context>
chip_gen: v7x
topology: tpu7x:2x2x1
jax: 0.10.2.dev20260603
libtpu: 0.0.44.dev20260713+nightly
codegen_flags: <defaults>
</compile_context>

<pallas_src>
import functools

import jax
import jax.numpy as jnp
from jax import lax
from jax.experimental import pallas as pl
from jax.experimental.pallas import tpu as pltpu
from jax.experimental.pallas import tpu_sc as plsc

D = 64
L = 16
NC, NS = 2, 16
NW = NC * NS
HIST = 200
BB = 128
NG = BB // L


def _sc_body(ids_hbm, tbl_hbm, out_hbm, idxT_v, stage_v, rows2, trT2,
             gsem, wsem):
    wid = lax.axis_index("s") * NC + lax.axis_index("c")
    batch = ids_hbm.shape[0]
    blocks_per_w = batch // BB // NW
    iota = lax.iota(jnp.int32, L)
    bvecs = [iota + g * L for g in range(NG)]

    dchunk = [((iota + k * L) // 8, (iota + k * L) % 8) for k in range(D // L)]

    def _transpose(rs, ws):
        @plsc.parallel_loop(0, BB, unroll=8)
        def _(b):
            bvec = jnp.full((L,), b, jnp.int32)
            for k in range(D // L):
                vals = rows2[rs, b, pl.ds(k * L, L)]
                plsc.store_scatter(
                    trT2.at[ws], [dchunk[k][0], dchunk[k][1], bvec], vals)

    def blk_body(blk, carry):
        bt = wid * blocks_per_w + blk
        b0 = bt * BB

        def stage_body(st, c):
            pltpu.sync_copy(ids_hbm.at[pl.ds(b0 + st * L, L)], stage_v)

            @plsc.parallel_loop(0, HIST, unroll=8)
            def _(t):
                vals = plsc.load_gather(
                    stage_v, [iota, jnp.full((L,), t, jnp.int32)])
                idxT_v[t, pl.ds(st * L, L)] = vals

            return c

        lax.fori_loop(0, NG, stage_body, 0)

        def _step(t, rs, ws):
            @pl.when(t < HIST - 3)
            def _():
                pltpu.async_copy(
                    tbl_hbm.at[idxT_v.at[t + 3]], rows2.at[(rs + 3) % 4],
                    gsem)

            pltpu.make_async_copy(
                tbl_hbm.at[idxT_v.at[0]], rows2.at[rs], gsem).wait()

            @pl.when(t >= 2)
            def _():
                pltpu.make_async_copy(
                    trT2.at[ws, :, :, pl.ds(0, BB)],
                    out_hbm.at[0, :, bt], wsem).wait()

            _transpose(rs, ws)
            pltpu.async_copy(
                trT2.at[ws, :, :, pl.ds(0, BB)], out_hbm.at[t, :, bt], wsem)

        for p in range(3):
            pltpu.async_copy(tbl_hbm.at[idxT_v.at[p]], rows2.at[p], gsem)

        def quad_body(i, c):
            for p in range(4):
                _step(4 * i + p, p, p % 2)
            return c

        lax.fori_loop(0, HIST // 4, quad_body, 0)

        for s in range(2):
            pltpu.make_async_copy(
                trT2.at[s, :, :, pl.ds(0, BB)],
                out_hbm.at[0, :, bt], wsem).wait()
        return carry

    lax.fori_loop(0, blocks_per_w, blk_body, 0)


@functools.lru_cache(maxsize=None)
def _make_sc_call(batch, hist):
    mesh = plsc.VectorSubcoreMesh(core_axis_name="c", subcore_axis_name="s")
    return pl.kernel(
        _sc_body,
        out_type=jax.ShapeDtypeStruct((hist, D // 8, batch // BB, 8, BB),
                                      jnp.float32),
        mesh=mesh,
        scratch_types=[
            pltpu.VMEM((HIST, BB), jnp.int32),
            pltpu.VMEM((L, HIST), jnp.int32),
            pltpu.VMEM((4, BB, D), jnp.float32),
            pltpu.VMEM((2, D // 8, 8, BB + 1), jnp.float32),
            pltpu.SemaphoreType.DMA,
            pltpu.SemaphoreType.DMA,
        ],
        compiler_params=pltpu.CompilerParams(
            use_tc_tiling_on_sc=False, needs_layout_passes=False),
    )


@jax.jit
def kernel(input_ids, orig_table, new_table):
    b, h = input_ids.shape
    ids = input_ids.astype(jnp.int32)
    table = jnp.concatenate(
        [orig_table.reshape(-1), new_table.reshape(-1)]).reshape(-1, D)
    out4 = _make_sc_call(b, h)(ids, table)
    x = lax.transpose(out4, (2, 4, 0, 1, 3))
    return x.reshape(b, h, D)

# --- scband reference (transcript-rebuilt; emitter-appended) ---
"""Pipeline reference for scband-combined-latent-embedding-65970697666854 (READ-ONLY COPY).

The authoritative reference and input builder live on the scoring server;
editing this copy changes nothing except your own understanding.
"""

import jax, jax.numpy as jnp
import numpy as np

ORIG_VOCAB = 1000000
NEW_VOCAB = 1000
EMBED_DIM = 64
BATCH = 16384
HIST = 200

def setup_inputs(seed: int = 0) -> dict:
    key = jax.random.key(seed)
    k1, k2, k3 = jax.random.split(key, 3)
    input_ids = jax.random.randint(k1, (BATCH, HIST), 0, ORIG_VOCAB + NEW_VOCAB, dtype=jnp.int64 if jax.config.jax_enable_x64 else jnp.int32)
    orig_table = jax.random.normal(k2, (ORIG_VOCAB, EMBED_DIM), dtype=jnp.float32) * 0.02
    new_table = jax.random.normal(k3, (NEW_VOCAB, EMBED_DIM), dtype=jnp.float32) * 0.02
    return {"input_ids": input_ids, "orig_table": orig_table, "new_table": new_table}

def reference(input_ids, orig_table, new_table):
    orig_n = orig_table.shape[0]
    original_mask = input_ids < orig_n
    # indices routed to the appropriate table; masked-out lanes read row 0 (discarded by where)
    orig_ids = jnp.where(original_mask, input_ids, 0)
    new_ids = jnp.where(original_mask, 0, input_ids - orig_n)
    orig_emb = jnp.take(orig_table, orig_ids, axis=0)
    new_emb = jnp.take(new_table, new_ids, axis=0)
    output = jnp.where(original_mask[..., None], orig_emb, new_emb)
    return output

if False:  # reference __main__ guard neutralized (emitter)
    out = reference(**setup_inputs())
    print(out.shape, out.dtype)

if __name__ == "__main__":
    import jax
    _d = setup_inputs()
    print(jax.jit(kernel)(*tuple(_d.values())))

</pallas_src>

<mosaic_0001>
#map = affine_map<(d0, d1) -> (0, 0)>
#map1 = affine_map<(d0, d1) -> (0, 0, 0, 0, 0)>
module attributes {stable_mosaic.version = 14 : i64} {
  func.func @_sc_body(%arg0: i32, %arg1: i32, %arg2: memref<16384x200xi32, #tpu.memory_space<hbm>>, %arg3: memref<1001000x64xf32, #tpu.memory_space<hbm>>, %arg4: memref<200x8x128x8x128xf32, #tpu.memory_space<hbm>>, %arg5: memref<200x128xi32, #tpu.memory_space<vmem>>, %arg6: memref<16x200xi32, #tpu.memory_space<vmem>>, %arg7: memref<4x128x64xf32, #tpu.memory_space<vmem>>, %arg8: memref<2x8x8x129xf32, #tpu.memory_space<vmem>>, %arg9: memref<!tpu.dma_semaphore, #tpu.memory_space<semaphore_mem>>, %arg10: memref<!tpu.dma_semaphore, #tpu.memory_space<semaphore_mem>>) attributes {dimension_semantics = [#tpu.dimension_semantics<core_parallel>, #tpu.dimension_semantics<subcore_parallel>], iteration_bounds = array<i64: 2, 16>, scalar_prefetch = 0 : i64, scratch_operands = 6 : i64, tpu.core_type = #tpu.core_type<sc_vector_subcore>, window_params = [{transform_indices = #map}, {transform_indices = #map}, {transform_indices = #map1}]} {
    %mul3A = arith.constant 2 : i32
    %mul3A_0 = arith.muli %arg1, %mul3A : i32
    %add3A = arith.addi %mul3A_0, %arg0 : i32
    %iota3A = tpu.iota {dimensions = array<i32: 0>} : vector<16xi32>
    %add3A_1 = arith.constant 0 : i32
    %add3A_2 = vector.broadcast %add3A_1 : i32 to vector<16xi32>
    %add3A_3 = arith.addi %iota3A, %add3A_2 : vector<16xi32>
    %add3A_4 = arith.constant 16 : i32
    %add3A_5 = vector.broadcast %add3A_4 : i32 to vector<16xi32>
    %add3A_6 = arith.addi %iota3A, %add3A_5 : vector<16xi32>
    %add3A_7 = arith.constant 32 : i32
    %add3A_8 = vector.broadcast %add3A_7 : i32 to vector<16xi32>
    %add3A_9 = arith.addi %iota3A, %add3A_8 : vector<16xi32>
    %add3A_10 = arith.constant 48 : i32
    %add3A_11 = vector.broadcast %add3A_10 : i32 to vector<16xi32>
    %add3A_12 = arith.addi %iota3A, %add3A_11 : vector<16xi32>
    %add3A_13 = arith.constant 64 : i32
    %add3A_14 = vector.broadcast %add3A_13 : i32 to vector<16xi32>
    %add3A_15 = arith.addi %iota3A, %add3A_14 : vector<16xi32>
    %add3A_16 = arith.constant 80 : i32
    %add3A_17 = vector.broadcast %add3A_16 : i32 to vector<16xi32>
    %add3A_18 = arith.addi %iota3A, %add3A_17 : vector<16xi32>
    %add3A_19 = arith.constant 96 : i32
    %add3A_20 = vector.broadcast %add3A_19 : i32 to vector<16xi32>
    %add3A_21 = arith.addi %iota3A, %add3A_20 : vector<16xi32>
    %add3A_22 = arith.constant 112 : i32
    %add3A_23 = vector.broadcast %add3A_22 : i32 to vector<16xi32>
    %add3A_24 = arith.addi %iota3A, %add3A_23 : vector<16xi32>
    %add3A_25 = arith.constant 0 : i32
    %add3A_26 = vector.broadcast %add3A_25 : i32 to vector<16xi32>
    %add3A_27 = arith.addi %iota3A, %add3A_26 : vector<16xi32>
    %jit3A = arith.constant 8 : i32
    %div3A = vector.broadcast %jit3A : i32 to vector<16xi32>
    %div3A_28 = arith.divsi %add3A_27, %div3A : vector<16xi32>
    %sign3A = arith.constant 0 : i32
    %sign3A_29 = vector.broadcast %sign3A : i32 to vector<16xi32>
    %sign3A_30 = arith.cmpi sgt, %add3A_27, %sign3A_29 : vector<16xi32>
    %sign3A_31 = arith.extui %sign3A_30 : vector<16xi1> to vector<16xi32>
    %sign3A_32 = arith.constant 0 : i32
    %sign3A_33 = vector.broadcast %sign3A_32 : i32 to vector<16xi32>
    %sign3A_34 = arith.cmpi slt, %add3A_27, %sign3A_33 : vector<16xi32>
    %sign3A_35 = arith.extui %sign3A_34 : vector<16xi1> to vector<16xi32>
    %sign3A_36 = arith.subi %sign3A_31, %sign3A_35 : vector<16xi32>
    %sign3A_37 = arith.constant 0 : i32
    %sign3A_38 = arith.cmpi sgt, %jit3A, %sign3A_37 : i32
    %sign3A_39 = arith.extui %sign3A_38 : i1 to i32
    %sign3A_40 = arith.constant 0 : i32
    %sign3A_41 = arith.cmpi slt, %jit3A, %sign3A_40 : i32
    %sign3A_42 = arith.extui %sign3A_41 : i1 to i32
    %sign3A_43 = arith.subi %sign3A_39, %sign3A_42 : i32
    %ne3A = vector.broadcast %sign3A_43 : i32 to vector<16xi32>
    %ne3A_44 = arith.cmpi ne, %sign3A_36, %ne3A : vector<16xi32>
    %rem3A = vector.broadcast %jit3A : i32 to vector<16xi32>
    %rem3A_45 = arith.remsi %add3A_27, %rem3A : vector<16xi32>
    %ne3A_46 = arith.constant 0 : i32
    %ne3A_47 = vector.broadcast %ne3A_46 : i32 to vector<16xi32>
    %ne3A_48 = arith.cmpi ne, %rem3A_45, %ne3A_47 : vector<16xi32>
    %and3A = arith.andi %ne3A_44, %ne3A_48 : vector<16xi1>
    %sub3A = arith.constant 1 : i32
    %sub3A_49 = vector.broadcast %sub3A : i32 to vector<16xi32>
    %sub3A_50 = arith.subi %div3A_28, %sub3A_49 : vector<16xi32>
    %select_n3A = arith.select %and3A, %sub3A_50, %div3A_28 : vector<16xi1>, vector<16xi32>
    %add3A_51 = arith.constant 0 : i32
    %add3A_52 = vector.broadcast %add3A_51 : i32 to vector<16xi32>
    %add3A_53 = arith.addi %iota3A, %add3A_52 : vector<16xi32>
    %jit3A_54 = arith.constant 8 : i32
    %eq3A = arith.constant 0 : i32
    %eq3A_55 = arith.cmpi eq, %jit3A_54, %eq3A : i32
    %jit3A_56 = arith.constant 1 : i32
    %select_n3A_57 = arith.select %eq3A_55, %jit3A_56, %jit3A_54 : i32
    %rem3A_58 = vector.broadcast %select_n3A_57 : i32 to vector<16xi32>
    %rem3A_59 = arith.remsi %add3A_53, %rem3A_58 : vector<16xi32>
    %ne3A_60 = arith.constant 0 : i32
    %ne3A_61 = vector.broadcast %ne3A_60 : i32 to vector<16xi32>
    %ne3A_62 = arith.cmpi ne, %rem3A_59, %ne3A_61 : vector<16xi32>
    %lt3A = arith.constant 0 : i32
    %lt3A_63 = vector.broadcast %lt3A : i32 to vector<16xi32>
    %lt3A_64 = arith.cmpi slt, %rem3A_59, %lt3A_63 : vector<16xi32>
    %lt3A_65 = arith.constant 0 : i32
    %lt3A_66 = arith.cmpi slt, %select_n3A_57, %lt3A_65 : i32
    %ne3A_67 = vector.broadcast %lt3A_66 : i1 to vector<16xi1>
    %ne3A_68 = vector.broadcast %ne3A_67 : vector<16xi1> to vector<16xi1>
    %ne3A_69 = arith.xori %lt3A_64, %ne3A_68 : vector<16xi1>
    %and3A_70 = arith.andi %ne3A_69, %ne3A_62 : vector<16xi1>
    %add3A_71 = vector.broadcast %select_n3A_57 : i32 to vector<16xi32>
    %add3A_72 = arith.addi %rem3A_59, %add3A_71 : vector<16xi32>
    %select_n3A_73 = arith.select %and3A_70, %add3A_72, %rem3A_59 : vector<16xi1>, vector<16xi32>
    %add3A_74 = arith.constant 16 : i32
    %add3A_75 = vector.broadcast %add3A_74 : i32 to vector<16xi32>
    %add3A_76 = arith.addi %iota3A, %add3A_75 : vector<16xi32>
    %jit3A_77 = arith.constant 8 : i32
    %div3A_78 = vector.broadcast %jit3A_77 : i32 to vector<16xi32>
    %div3A_79 = arith.divsi %add3A_76, %div3A_78 : vector<16xi32>
    %sign3A_80 = arith.constant 0 : i32
    %sign3A_81 = vector.broadcast %sign3A_80 : i32 to vector<16xi32>
    %sign3A_82 = arith.cmpi sgt, %add3A_76, %sign3A_81 : vector<16xi32>
    %sign3A_83 = arith.extui %sign3A_82 : vector<16xi1> to vector<16xi32>
    %sign3A_84 = arith.constant 0 : i32
    %sign3A_85 = vector.broadcast %sign3A_84 : i32 to vector<16xi32>
    %sign3A_86 = arith.cmpi slt, %add3A_76, %sign3A_85 : vector<16xi32>
    %sign3A_87 = arith.extui %sign3A_86 : vector<16xi1> to vector<16xi32>
    %sign3A_88 = arith.subi %sign3A_83, %sign3A_87 : vector<16xi32>
    %sign3A_89 = arith.constant 0 : i32
    %sign3A_90 = arith.cmpi sgt, %jit3A_77, %sign3A_89 : i32
    %sign3A_91 = arith.extui %sign3A_90 : i1 to i32
    %sign3A_92 = arith.constant 0 : i32
    %sign3A_93 = arith.cmpi slt, %jit3A_77, %sign3A_92 : i32
    %sign3A_94 = arith.extui %sign3A_93 : i1 to i32
    %sign3A_95 = arith.subi %sign3A_91, %sign3A_94 : i32
    %ne3A_96 = vector.broadcast %sign3A_95 : i32 to vector<16xi32>
    %ne3A_97 = arith.cmpi ne, %sign3A_88, %ne3A_96 : vector<16xi32>
    %rem3A_98 = vector.broadcast %jit3A_77 : i32 to vector<16xi32>
    %rem3A_99 = arith.remsi %add3A_76, %rem3A_98 : vector<16xi32>
    %ne3A_100 = arith.constant 0 : i32
    %ne3A_101 = vector.broadcast %ne3A_100 : i32 to vector<16xi32>
    %ne3A_102 = arith.cmpi ne, %rem3A_99, %ne3A_101 : vector<16xi32>
    %and3A_103 = arith.andi %ne3A_97, %ne3A_102 : vector<16xi1>
    %sub3A_104 = arith.constant 1 : i32
    %sub3A_105 = vector.broadcast %sub3A_104 : i32 to vector<16xi32>
    %sub3A_106 = arith.subi %div3A_79, %sub3A_105 : vector<16xi32>
    %select_n3A_107 = arith.select %and3A_103, %sub3A_106, %div3A_79 : vector<16xi1>, vector<16xi32>
    %add3A_108 = arith.constant 16 : i32
    %add3A_109 = vector.broadcast %add3A_108 : i32 to vector<16xi32>
    %add3A_110 = arith.addi %iota3A, %add3A_109 : vector<16xi32>
    %jit3A_111 = arith.constant 8 : i32
    %eq3A_112 = arith.constant 0 : i32
    %eq3A_113 = arith.cmpi eq, %jit3A_111, %eq3A_112 : i32
    %jit3A_114 = arith.constant 1 : i32
    %select_n3A_115 = arith.select %eq3A_113, %jit3A_114, %jit3A_111 : i32
    %rem3A_116 = vector.broadcast %select_n3A_115 : i32 to vector<16xi32>
    %rem3A_117 = arith.remsi %add3A_110, %rem3A_116 : vector<16xi32>
    %ne3A_118 = arith.constant 0 : i32
    %ne3A_119 = vector.broadcast %ne3A_118 : i32 to vector<16xi32>
    %ne3A_120 = arith.cmpi ne, %rem3A_117, %ne3A_119 : vector<16xi32>
    %lt3A_121 = arith.constant 0 : i32
    %lt3A_122 = vector.broadcast %lt3A_121 : i32 to vector<16xi32>
    %lt3A_123 = arith.cmpi slt, %rem3A_117, %lt3A_122 : vector<16xi32>
    %lt3A_124 = arith.constant 0 : i32
    %lt3A_125 = arith.cmpi slt, %select_n3A_115, %lt3A_124 : i32
    %ne3A_126 = vector.broadcast %lt3A_125 : i1 to vector<16xi1>
    %ne3A_127 = vector.broadcast %ne3A_126 : vector<16xi1> to vector<16xi1>
    %ne3A_128 = arith.xori %lt3A_123, %ne3A_127 : vector<16xi1>
    %and3A_129 = arith.andi %ne3A_128, %ne3A_120 : vector<16xi1>
    %add3A_130 = vector.broadcast %select_n3A_115 : i32 to vector<16xi32>
    %add3A_131 = arith.addi %rem3A_117, %add3A_130 : vector<16xi32>
    %select_n3A_132 = arith.select %and3A_129, %add3A_131, %rem3A_117 : vector<16xi1>, vector<16xi32>
    %add3A_133 = arith.constant 32 : i32
    %add3A_134 = vector.broadcast %add3A_133 : i32 to vector<16xi32>
    %add3A_135 = arith.addi %iota3A, %add3A_134 : vector<16xi32>
    %jit3A_136 = arith.constant 8 : i32
    %div3A_137 = vector.broadcast %jit3A_136 : i32 to vector<16xi32>
    %div3A_138 = arith.divsi %add3A_135, %div3A_137 : vector<16xi32>
    %sign3A_139 = arith.constant 0 : i32
    %sign3A_140 = vector.broadcast %sign3A_139 : i32 to vector<16xi32>
    %sign3A_141 = arith.cmpi sgt, %add3A_135, %sign3A_140 : vector<16xi32>
    %sign3A_142 = arith.extui %sign3A_141 : vector<16xi1> to vector<16xi32>
    %sign3A_143 = arith.constant 0 : i32
    %sign3A_144 = vector.broadcast %sign3A_143 : i32 to vector<16xi32>
    %sign3A_145 = arith.cmpi slt, %add3A_135, %sign3A_144 : vector<16xi32>
    %sign3A_146 = arith.extui %sign3A_145 : vector<16xi1> to vector<16xi32>
    %sign3A_147 = arith.subi %sign3A_142, %sign3A_146 : vector<16xi32>
    %sign3A_148 = arith.constant 0 : i32
    %sign3A_149 = arith.cmpi sgt, %jit3A_136, %sign3A_148 : i32
    %sign3A_150 = arith.extui %sign3A_149 : i1 to i32
    %sign3A_151 = arith.constant 0 : i32
    %sign3A_152 = arith.cmpi slt, %jit3A_136, %sign3A_151 : i32
    %sign3A_153 = arith.extui %sign3A_152 : i1 to i32
    %sign3A_154 = arith.subi %sign3A_150, %sign3A_153 : i32
    %ne3A_155 = vector.broadcast %sign3A_154 : i32 to vector<16xi32>
    %ne3A_156 = arith.cmpi ne, %sign3A_147, %ne3A_155 : vector<16xi32>
    %rem3A_157 = vector.broadcast %jit3A_136 : i32 to vector<16xi32>
    %rem3A_158 = arith.remsi %add3A_135, %rem3A_157 : vector<16xi32>
    %ne3A_159 = arith.constant 0 : i32
    %ne3A_160 = vector.broadcast %ne3A_159 : i32 to vector<16xi32>
    %ne3A_161 = arith.cmpi ne, %rem3A_158, %ne3A_160 : vector<16xi32>
    %and3A_162 = arith.andi %ne3A_156, %ne3A_161 : vector<16xi1>
    %sub3A_163 = arith.constant 1 : i32
    %sub3A_164 = vector.broadcast %sub3A_163 : i32 to vector<16xi32>
    %sub3A_165 = arith.subi %div3A_138, %sub3A_164 : vector<16xi32>
    %select_n3A_166 = arith.select %and3A_162, %sub3A_165, %div3A_138 : vector<16xi1>, vector<16xi32>
    %add3A_167 = arith.constant 32 : i32
    %add3A_168 = vector.broadcast %add3A_167 : i32 to vector<16xi32>
    %add3A_169 = arith.addi %iota3A, %add3A_168 : vector<16xi32>
    %jit3A_170 = arith.constant 8 : i32
    %eq3A_171 = arith.constant 0 : i32
    %eq3A_172 = arith.cmpi eq, %jit3A_170, %eq3A_171 : i32
    %jit3A_173 = arith.constant 1 : i32
    %select_n3A_174 = arith.select %eq3A_172, %jit3A_173, %jit3A_170 : i32
    %rem3A_175 = vector.broadcast %select_n3A_174 : i32 to vector<16xi32>
    %rem3A_176 = arith.remsi %add3A_169, %rem3A_175 : vector<16xi32>
    %ne3A_177 = arith.constant 0 : i32
    %ne3A_178 = vector.broadcast %ne3A_177 : i32 to vector<16xi32>
    %ne3A_179 = arith.cmpi ne, %rem3A_176, %ne3A_178 : vector<16xi32>
    %lt3A_180 = arith.constant 0 : i32
    %lt3A_181 = vector.broadcast %lt3A_180 : i32 to vector<16xi32>
    %lt3A_182 = arith.cmpi slt, %rem3A_176, %lt3A_181 : vector<16xi32>
    %lt3A_183 = arith.constant 0 : i32
    %lt3A_184 = arith.cmpi slt, %select_n3A_174, %lt3A_183 : i32
    %ne3A_185 = vector.broadcast %lt3A_184 : i1 to vector<16xi1>
    %ne3A_186 = vector.broadcast %ne3A_185 : vector<16xi1> to vector<16xi1>
    %ne3A_187 = arith.xori %lt3A_182, %ne3A_186 : vector<16xi1>
    %and3A_188 = arith.andi %ne3A_187, %ne3A_179 : vector<16xi1>
    %add3A_189 = vector.broadcast %select_n3A_174 : i32 to vector<16xi32>
    %add3A_190 = arith.addi %rem3A_176, %add3A_189 : vector<16xi32>
    %select_n3A_191 = arith.select %and3A_188, %add3A_190, %rem3A_176 : vector<16xi1>, vector<16xi32>
    %add3A_192 = arith.constant 48 : i32
    %add3A_193 = vector.broadcast %add3A_192 : i32 to vector<16xi32>
    %add3A_194 = arith.addi %iota3A, %add3A_193 : vector<16xi32>
    %jit3A_195 = arith.constant 8 : i32
    %div3A_196 = vector.broadcast %jit3A_195 : i32 to vector<16xi32>
    %div3A_197 = arith.divsi %add3A_194, %div3A_196 : vector<16xi32>
    %sign3A_198 = arith.constant 0 : i32
    %sign3A_199 = vector.broadcast %sign3A_198 : i32 to vector<16xi32>
    %sign3A_200 = arith.cmpi sgt, %add3A_194, %sign3A_199 : vector<16xi32>
    %sign3A_201 = arith.extui %sign3A_200 : vector<16xi1> to vector<16xi32>
    %sign3A_202 = arith.constant 0 : i32
    %sign3A_203 = vector.broadcast %sign3A_202 : i32 to vector<16xi32>
    %sign3A_204 = arith.cmpi slt, %add3A_194, %sign3A_203 : vector<16xi32>
    %sign3A_205 = arith.extui %sign3A_204 : vector<16xi1> to vector<16xi32>
    %sign3A_206 = arith.subi %sign3A_201, %sign3A_205 : vector<16xi32>
    %sign3A_207 = arith.constant 0 : i32
    %sign3A_208 = arith.cmpi sgt, %jit3A_195, %sign3A_207 : i32
    %sign3A_209 = arith.extui %sign3A_208 : i1 to i32
    %sign3A_210 = arith.constant 0 : i32
    %sign3A_211 = arith.cmpi slt, %jit3A_195, %sign3A_210 : i32
    %sign3A_212 = arith.extui %sign3A_211 : i1 to i32
    %sign3A_213 = arith.subi %sign3A_209, %sign3A_212 : i32
    %ne3A_214 = vector.broadcast %sign3A_213 : i32 to vector<16xi32>
    %ne3A_215 = arith.cmpi ne, %sign3A_206, %ne3A_214 : vector<16xi32>
    %rem3A_216 = vector.broadcast %jit3A_195 : i32 to vector<16xi32>
    %rem3A_217 = arith.remsi %add3A_194, %rem3A_216 : vector<16xi32>
    %ne3A_218 = arith.constant 0 : i32
    %ne3A_219 = vector.broadcast %ne3A_218 : i32 to vector<16xi32>
    %ne3A_220 = arith.cmpi ne, %rem3A_217, %ne3A_219 : vector<16xi32>
    %and3A_221 = arith.andi %ne3A_215, %ne3A_220 : vector<16xi1>
    %sub3A_222 = arith.constant 1 : i32
    %sub3A_223 = vector.broadcast %sub3A_222 : i32 to vector<16xi32>
    %sub3A_224 = arith.subi %div3A_197, %sub3A_223 : vector<16xi32>
    %select_n3A_225 = arith.select %and3A_221, %sub3A_224, %div3A_197 : vector<16xi1>, vector<16xi32>
    %add3A_226 = arith.constant 48 : i32
    %add3A_227 = vector.broadcast %add3A_226 : i32 to vector<16xi32>
    %add3A_228 = arith.addi %iota3A, %add3A_227 : vector<16xi32>
    %jit3A_229 = arith.constant 8 : i32
    %eq3A_230 = arith.constant 0 : i32
    %eq3A_231 = arith.cmpi eq, %jit3A_229, %eq3A_230 : i32
    %jit3A_232 = arith.constant 1 : i32
    %select_n3A_233 = arith.select %eq3A_231, %jit3A_232, %jit3A_229 : i32
    %rem3A_234 = vector.broadcast %select_n3A_233 : i32 to vector<16xi32>
    %rem3A_235 = arith.remsi %add3A_228, %rem3A_234 : vector<16xi32>
    %ne3A_236 = arith.constant 0 : i32
    %ne3A_237 = vector.broadcast %ne3A_236 : i32 to vector<16xi32>
    %ne3A_238 = arith.cmpi ne, %rem3A_235, %ne3A_237 : vector<16xi32>
    %lt3A_239 = arith.constant 0 : i32
    %lt3A_240 = vector.broadcast %lt3A_239 : i32 to vector<16xi32>
    %lt3A_241 = arith.cmpi slt, %rem3A_235, %lt3A_240 : vector<16xi32>
    %lt3A_242 = arith.constant 0 : i32
    %lt3A_243 = arith.cmpi slt, %select_n3A_233, %lt3A_242 : i32
    %ne3A_244 = vector.broadcast %lt3A_243 : i1 to vector<16xi1>
    %ne3A_245 = vector.broadcast %ne3A_244 : vector<16xi1> to vector<16xi1>
    %ne3A_246 = arith.xori %lt3A_241, %ne3A_245 : vector<16xi1>
    %and3A_247 = arith.andi %ne3A_246, %ne3A_238 : vector<16xi1>
    %add3A_248 = vector.broadcast %select_n3A_233 : i32 to vector<16xi32>
    %add3A_249 = arith.addi %rem3A_235, %add3A_248 : vector<16xi32>
    %select_n3A_250 = arith.select %and3A_247, %add3A_249, %rem3A_235 : vector<16xi1>, vector<16xi32>
    %scan3A = arith.constant 0 : i32
    %scan3A_251 = arith.constant 0 : i32
    %scan3A_252 = arith.constant 4 : i32
    %scan3A_253 = arith.addi %scan3A_251, %scan3A_252 : i32
    %scan3A_254 = arith.constant 1 : i32
    scf.for %scan3A_256 = %scan3A_251 to %scan3A_253 step %scan3A_254  : i32 {
      %mul3A_257 = arith.constant 4 : i32
      %mul3A_258 = arith.muli %add3A, %mul3A_257 : i32
      %add3A_259 = arith.addi %mul3A_258, %scan3A_256 : i32
      %mul3A_260 = arith.constant 128 : i32
      %mul3A_261 = arith.muli %add3A_259, %mul3A_260 : i32
      %scan3A_262 = arith.constant 0 : i32
      %scan3A_263 = arith.constant 0 : i32
      %scan3A_264 = arith.constant 8 : i32
      %scan3A_265 = arith.addi %scan3A_263, %scan3A_264 : i32
      %scan3A_266 = arith.constant 1 : i32
      scf.for %scan3A_352 = %scan3A_263 to %scan3A_265 step %scan3A_266  : i32 {
        %mul3A_353 = arith.constant 16 : i32
        %mul3A_354 = arith.muli %scan3A_352, %mul3A_353 : i32
        %add3A_355 = arith.addi %mul3A_261, %mul3A_354 : i32
        "tpu.region"() ({
          %run_scoped3A = tpu.sem_alloc : memref<!tpu.dma_semaphore, #tpu.memory_space<semaphore_mem>>
          %dma_start3A_358 = arith.constant 0 : i32
          %dma_start3A_359 = tpu.memref_slice %arg2[%add3A_355, %dma_start3A_358] : memref<16384x200xi32, #tpu.memory_space<hbm>> -> memref<16x200xi32, #tpu.memory_space<hbm>>
          %dma_start3A_360 = arith.constant 0 : i32
          %dma_start3A_361 = tpu.memref_slice %arg2[%add3A_355, %dma_start3A_360] : memref<16384x200xi32, #tpu.memory_space<hbm>> -> memref<16x200xi32, #tpu.memory_space<hbm>>
          tpu.enqueue_dma source(%dma_start3A_361 : memref<16x200xi32, #tpu.memory_space<hbm>>) target(%arg6 : memref<16x200xi32, #tpu.memory_space<vmem>>) target_semaphore(%run_scoped3A : memref<!tpu.dma_semaphore, #tpu.memory_space<semaphore_mem>>)
          %dma_wait3A_362 = arith.constant 0 : i32
          %dma_wait3A_363 = tpu.memref_slice %arg2[%add3A_355, %dma_wait3A_362] : memref<16384x200xi32, #tpu.memory_space<hbm>> -> memref<16x200xi32, #tpu.memory_space<hbm>>
          %dma_wait3A_364 = arith.constant 0 : i32
          %dma_wait3A_365 = tpu.memref_slice %arg2[%add3A_355, %dma_wait3A_364] : memref<16384x200xi32, #tpu.memory_space<hbm>> -> memref<16x200xi32, #tpu.memory_space<hbm>>
          tpu.wait_dma2 semaphore(%run_scoped3A : memref<!tpu.dma_semaphore, #tpu.memory_space<semaphore_mem>>) src(%dma_wait3A_365 : memref<16x200xi32, #tpu.memory_space<hbm>>) dst(%arg6 : memref<16x200xi32, #tpu.memory_space<vmem>>)
          tpu.yield
        }) : () -> ()
        %parallel_loop3A = arith.constant 0 : i32
        %parallel_loop3A_356 = arith.constant 200 : i32
        %parallel_loop3A_357 = arith.constant 1 : i32
        scf.for %parallel_loop3A_358 = %parallel_loop3A to %parallel_loop3A_356 step %parallel_loop3A_357  : i32 {
          %parallel_loop3A_359 = vector.broadcast %parallel_loop3A_358 : i32 to vector<16xi32>
          %parallel_loop3A_360 = tpu.vector_load_idx %arg6[%iota3A, %parallel_loop3A_359] : memref<16x200xi32, #tpu.memory_space<vmem>>[vector<16xi32>, vector<16xi32>], vector<16xi32>,
          %parallel_loop3A_361 = arith.constant 16 : i32
          %parallel_loop3A_362 = arith.muli %scan3A_352, %parallel_loop3A_361 : i32
          %parallel_loop3A_363 = arith.index_cast %parallel_loop3A_358 : i32 to index
          %parallel_loop3A_364 = arith.index_cast %parallel_loop3A_362 : i32 to index
          %parallel_loop3A_365 = tpu.vector_load %arg5[%parallel_loop3A_363, %parallel_loop3A_364] {strides = array<i32>} : memref<200x128xi32, #tpu.memory_space<vmem>>, vector<16xi32>,
          tpu.vector_store %arg5[%parallel_loop3A_363, %parallel_loop3A_364], %parallel_loop3A_360 {strides = array<i32>} : memref<200x128xi32, #tpu.memory_space<vmem>>, vector<16xi32>,
        } {sc.loop_unroll_factor = 8 : i64, sc.parallel_access}
      }
      %scan3A_267 = arith.constant 8 : i32
      %dma_start3A = arith.constant 0 : i32
      %dma_start3A_268 = arith.constant 0 : i32
      %dma_start3A_269 = arith.constant 0 : i32
      %dma_start3A_270 = arith.constant 0 : i32
      %dma_start3A_271 = tpu.memref_slice %arg7[%dma_start3A_268, %dma_start3A_269, %dma_start3A_270] : memref<4x128x64xf32, #tpu.memory_space<vmem>> -> memref<1x128x64xf32, #tpu.memory_space<vmem>>
      %dma_start3A_272 = tpu.memref_squeeze %dma_start3A_271 : memref<1x128x64xf32, #tpu.memory_space<vmem>> -> memref<128x64xf32, #tpu.memory_space<vmem>>
      %dma_start3A_273 = arith.constant 0 : i32
      %dma_start3A_274 = tpu.memref_slice %arg5[%dma_start3A, %dma_start3A_273] : memref<200x128xi32, #tpu.memory_space<vmem>> -> memref<1x128xi32, #tpu.memory_space<vmem>>
      %dma_start3A_275 = tpu.memref_squeeze %dma_start3A_274 : memref<1x128xi32, #tpu.memory_space<vmem>> -> memref<128xi32, #tpu.memory_space<vmem>>
      %dma_start3A_276 = arith.constant 0 : i32
      %dma_start3A_277 = arith.constant 0 : i32
      %dma_start3A_278 = tpu.memref_slice %arg3[%dma_start3A_276, %dma_start3A_277] : memref<1001000x64xf32, #tpu.memory_space<hbm>> -> memref<1001000x64xf32, #tpu.memory_space<hbm>>
      tpu.enqueue_indirect_dma source(%dma_start3A_278 : memref<1001000x64xf32, #tpu.memory_space<hbm>>) target(%dma_start3A_272 : memref<128x64xf32, #tpu.memory_space<vmem>>) offsets(%dma_start3A_275 : memref<128xi32, #tpu.memory_space<vmem>>) semaphore(%arg9 : memref<!tpu.dma_semaphore, #tpu.memory_space<semaphore_mem>>)
      %dma_start3A_279 = arith.constant 1 : i32
      %dma_start3A_280 = arith.constant 1 : i32
      %dma_start3A_281 = arith.constant 0 : i32
      %dma_start3A_282 = arith.constant 0 : i32
      %dma_start3A_283 = tpu.memref_slice %arg7[%dma_start3A_280, %dma_start3A_281, %dma_start3A_282] : memref<4x128x64xf32, #tpu.memory_space<vmem>> -> memref<1x128x64xf32, #tpu.memory_space<vmem>>
      %dma_start3A_284 = tpu.memref_squeeze %dma_start3A_283 : memref<1x128x64xf32, #tpu.memory_space<vmem>> -> memref<128x64xf32, #tpu.memory_space<vmem>>
      %dma_start3A_285 = arith.constant 0 : i32
      %dma_start3A_286 = tpu.memref_slice %arg5[%dma_start3A_279, %dma_start3A_285] : memref<200x128xi32, #tpu.memory_space<vmem>> -> memref<1x128xi32, #tpu.memory_space<vmem>>
      %dma_start3A_287 = tpu.memref_squeeze %dma_start3A_286 : memref<1x128xi32, #tpu.memory_space<vmem>> -> memref<128xi32, #tpu.memory_space<vmem>>
      %dma_start3A_288 = arith.constant 0 : i32
      %dma_start3A_289 = arith.constant 0 : i32
      %dma_start3A_290 = tpu.memref_slice %arg3[%dma_start3A_288, %dma_start3A_289] : memref<1001000x64xf32, #tpu.memory_space<hbm>> -> memref<1001000x64xf32, #tpu.memory_space<hbm>>
      tpu.enqueue_indirect_dma source(%dma_start3A_290 : memref<1001000x64xf32, #tpu.memory_space<hbm>>) target(%dma_start3A_284 : memref<128x64xf32, #tpu.memory_space<vmem>>) offsets(%dma_start3A_287 : memref<128xi32, #tpu.memory_space<vmem>>) semaphore(%arg9 : memref<!tpu.dma_semaphore, #tpu.memory_space<semaphore_mem>>)
      %dma_start3A_291 = arith.constant 2 : i32
      %dma_start3A_292 = arith.constant 2 : i32
      %dma_start3A_293 = arith.constant 0 : i32
      %dma_start3A_294 = arith.constant 0 : i32
      %dma_start3A_295 = tpu.memref_slice %arg7[%dma_start3A_292, %dma_start3A_293, %dma_start3A_294] : memref<4x128x64xf32, #tpu.memory_space<vmem>> -> memref<1x128x64xf32, #tpu.memory_space<vmem>>
      %dma_start3A_296 = tpu.memref_squeeze %dma_start3A_295 : memref<1x128x64xf32, #tpu.memory_space<vmem>> -> memref<128x64xf32, #tpu.memory_space<vmem>>
      %dma_start3A_297 = arith.constant 0 : i32
      %dma_start3A_298 = tpu.memref_slice %arg5[%dma_start3A_291, %dma_start3A_297] : memref<200x128xi32, #tpu.memory_space<vmem>> -> memref<1x128xi32, #tpu.memory_space<vmem>>
      %dma_start3A_299 = tpu.memref_squeeze %dma_start3A_298 : memref<1x128xi32, #tpu.memory_space<vmem>> -> memref<128xi32, #tpu.memory_space<vmem>>
      %dma_start3A_300 = arith.constant 0 : i32
      %dma_start3A_301 = arith.constant 0 : i32
      %dma_start3A_302 = tpu.memref_slice %arg3[%dma_start3A_300, %dma_start3A_301] : memref<1001000x64xf32, #tpu.memory_space<hbm>> -> memref<1001000x64xf32, #tpu.memory_space<hbm>>
      tpu.enqueue_indirect_dma source(%dma_start3A_302 : memref<1001000x64xf32, #tpu.memory_space<hbm>>) target(%dma_start3A_296 : memref<128x64xf32, #tpu.memory_space<vmem>>) offsets(%dma_start3A_299 : memref<128xi32, #tpu.memory_space<vmem>>) semaphore(%arg9 : memref<!tpu.dma_semaphore, #tpu.memory_space<semaphore_mem>>)
      %scan3A_303 = arith.constant 0 : i32
      %scan3A_304 = arith.constant 0 : i32
      %scan3A_305 = arith.constant 50 : i32
      %scan3A_306 = arith.addi %scan3A_304, %scan3A_305 : i32
      %scan3A_307 = arith.constant 1 : i32
      scf.for %scan3A_352 = %scan3A_304 to %scan3A_306 step %scan3A_307  : i32 {
        %mul3A_353 = arith.constant 4 : i32
        %mul3A_354 = arith.muli %mul3A_353, %scan3A_352 : i32
        %add3A_355 = arith.constant 0 : i32
        %add3A_356 = arith.addi %mul3A_354, %add3A_355 : i32
        %lt3A_357 = arith.constant 197 : i32
        %lt3A_358 = arith.cmpi slt, %add3A_356, %lt3A_357 : i32
        %convert_element_type3A = arith.extui %lt3A_358 : i1 to i32
        %cond3A = arith.constant 0 : i32
        %cond3A_359 = arith.cmpi ne, %convert_element_type3A, %cond3A : i32
        scf.if %cond3A_359 {
          %add3A_549 = arith.constant 3 : i32
          %add3A_550 = arith.addi %add3A_356, %add3A_549 : i32
          %dma_start3A_551 = arith.constant 3 : i32
          %dma_start3A_552 = arith.constant 0 : i32
          %dma_start3A_553 = arith.constant 0 : i32
          %dma_start3A_554 = tpu.memref_slice %arg7[%dma_start3A_551, %dma_start3A_552, %dma_start3A_553] : memref<4x128x64xf32, #tpu.memory_space<vmem>> -> memref<1x128x64xf32, #tpu.memory_space<vmem>>
          %dma_start3A_555 = tpu.memref_squeeze %dma_start3A_554 : memref<1x128x64xf32, #tpu.memory_space<vmem>> -> memref<128x64xf32, #tpu.memory_space<vmem>>
          %dma_start3A_556 = arith.constant 0 : i32
          %dma_start3A_557 = tpu.memref_slice %arg5[%add3A_550, %dma_start3A_556] : memref<200x128xi32, #tpu.memory_space<vmem>> -> memref<1x128xi32, #tpu.memory_space<vmem>>
          %dma_start3A_558 = tpu.memref_squeeze %dma_start3A_557 : memref<1x128xi32, #tpu.memory_space<vmem>> -> memref<128xi32, #tpu.memory_space<vmem>>
          %dma_start3A_559 = arith.constant 0 : i32
          %dma_start3A_560 = arith.constant 0 : i32
          %dma_start3A_561 = tpu.memref_slice %arg3[%dma_start3A_559, %dma_start3A_560] : memref<1001000x64xf32, #tpu.memory_space<hbm>> -> memref<1001000x64xf32, #tpu.memory_space<hbm>>
          tpu.enqueue_indirect_dma source(%dma_start3A_561 : memref<1001000x64xf32, #tpu.memory_space<hbm>>) target(%dma_start3A_555 : memref<128x64xf32, #tpu.memory_space<vmem>>) offsets(%dma_start3A_558 : memref<128xi32, #tpu.memory_space<vmem>>) semaphore(%arg9 : memref<!tpu.dma_semaphore, #tpu.memory_space<semaphore_mem>>)
        } else {
        }
        %dma_wait3A_360 = arith.constant 0 : i32
        %dma_wait3A_361 = arith.constant 0 : i32
        %dma_wait3A_362 = arith.constant 0 : i32
        %dma_wait3A_363 = arith.constant 0 : i32
        %dma_wait3A_364 = tpu.memref_slice %arg7[%dma_wait3A_361, %dma_wait3A_362, %dma_wait3A_363] : memref<4x128x64xf32, #tpu.memory_space<vmem>> -> memref<1x128x64xf32, #tpu.memory_space<vmem>>
        %dma_wait3A_365 = tpu.memref_squeeze %dma_wait3A_364 : memref<1x128x64xf32, #tpu.memory_space<vmem>> -> memref<128x64xf32, #tpu.memory_space<vmem>>
        %dma_wait3A_366 = arith.constant 0 : i32
        %dma_wait3A_367 = tpu.memref_slice %arg5[%dma_wait3A_360, %dma_wait3A_366] : memref<200x128xi32, #tpu.memory_space<vmem>> -> memref<1x128xi32, #tpu.memory_space<vmem>>
        %dma_wait3A_368 = tpu.memref_squeeze %dma_wait3A_367 : memref<1x128xi32, #tpu.memory_space<vmem>> -> memref<128xi32, #tpu.memory_space<vmem>>
        %dma_wait3A_369 = arith.constant 0 : i32
        %dma_wait3A_370 = arith.constant 0 : i32
        %dma_wait3A_371 = tpu.memref_slice %arg3[%dma_wait3A_369, %dma_wait3A_370] : memref<1001000x64xf32, #tpu.memory_space<hbm>> -> memref<1001000x64xf32, #tpu.memory_space<hbm>>
        tpu.wait_indirect_dma semaphore(%arg9 : memref<!tpu.dma_semaphore, #tpu.memory_space<semaphore_mem>>) src(%dma_wait3A_371 : memref<1001000x64xf32, #tpu.memory_space<hbm>>) dst(%dma_wait3A_365 : memref<128x64xf32, #tpu.memory_space<vmem>>)
        %ge3A = arith.constant 2 : i32
        %ge3A_372 = arith.cmpi sge, %add3A_356, %ge3A : i32
        %convert_element_type3A_373 = arith.extui %ge3A_372 : i1 to i32
        %cond3A_374 = arith.constant 0 : i32
        %cond3A_375 = arith.cmpi ne, %convert_element_type3A_373, %cond3A_374 : i32
        scf.if %cond3A_375 {
          %dma_wait3A_549 = arith.constant 0 : i32
          %dma_wait3A_550 = arith.constant 0 : i32
          %dma_wait3A_551 = arith.constant 0 : i32
          %dma_wait3A_552 = arith.constant 0 : i32
          %dma_wait3A_553 = arith.constant 0 : i32
          %dma_wait3A_554 = tpu.memref_slice %arg8[%dma_wait3A_549, %dma_wait3A_551, %dma_wait3A_552, %dma_wait3A_553] : memref<2x8x8x129xf32, #tpu.memory_space<vmem>> -> memref<1x8x8x128xf32, #tpu.memory_space<vmem>>
          %dma_wait3A_555 = tpu.memref_squeeze %dma_wait3A_554 : memref<1x8x8x128xf32, #tpu.memory_space<vmem>> -> memref<8x8x128xf32, #tpu.memory_space<vmem>>
          %dma_wait3A_556 = arith.constant 0 : i32
          %dma_wait3A_557 = arith.constant 0 : i32
          %dma_wait3A_558 = arith.constant 0 : i32
          %dma_wait3A_559 = tpu.memref_slice %arg4[%dma_wait3A_550, %dma_wait3A_556, %add3A_259, %dma_wait3A_557, %dma_wait3A_558] : memref<200x8x128x8x128xf32, #tpu.memory_space<hbm>> -> memref<1x8x1x8x128xf32, #tpu.memory_space<hbm>>
          %dma_wait3A_560 = tpu.memref_squeeze %dma_wait3A_559 : memref<1x8x1x8x128xf32, #tpu.memory_space<hbm>> -> memref<8x8x128xf32, #tpu.memory_space<hbm>>
          %dma_wait3A_561 = arith.constant 0 : i32
          %dma_wait3A_562 = arith.constant 0 : i32
          %dma_wait3A_563 = arith.constant 0 : i32
          %dma_wait3A_564 = tpu.memref_slice %arg4[%dma_wait3A_550, %dma_wait3A_561, %add3A_259, %dma_wait3A_562, %dma_wait3A_563] : memref<200x8x128x8x128xf32, #tpu.memory_space<hbm>> -> memref<1x8x1x8x128xf32, #tpu.memory_space<hbm>>
          %dma_wait3A_565 = tpu.memref_squeeze %dma_wait3A_564 : memref<1x8x1x8x128xf32, #tpu.memory_space<hbm>> -> memref<8x8x128xf32, #tpu.memory_space<hbm>>
          %dma_wait3A_566 = arith.constant 0 : i32
          %dma_wait3A_567 = arith.constant 0 : i32
          %dma_wait3A_568 = arith.constant 0 : i32
          %dma_wait3A_569 = tpu.memref_slice %arg8[%dma_wait3A_549, %dma_wait3A_566, %dma_wait3A_567, %dma_wait3A_568] : memref<2x8x8x129xf32, #tpu.memory_space<vmem>> -> memref<1x8x8x128xf32, #tpu.memory_space<vmem>>
          %dma_wait3A_570 = tpu.memref_squeeze %dma_wait3A_569 : memref<1x8x8x128xf32, #tpu.memory_space<vmem>> -> memref<8x8x128xf32, #tpu.memory_space<vmem>>
          tpu.wait_dma2 semaphore(%arg10 : memref<!tpu.dma_semaphore, #tpu.memory_space<semaphore_mem>>) src(%dma_wait3A_570 : memref<8x8x128xf32, #tpu.memory_space<vmem>>) dst(%dma_wait3A_565 : memref<8x8x128xf32, #tpu.memory_space<hbm>>)
        } else {
        }
        %parallel_loop3A = arith.constant 0 : i32
        %parallel_loop3A_376 = arith.constant 128 : i32
        %parallel_loop3A_377 = arith.constant 1 : i32
        scf.for %parallel_loop3A_549 = %parallel_loop3A to %parallel_loop3A_376 step %parallel_loop3A_377  : i32 {
          %parallel_loop3A_550 = vector.broadcast %parallel_loop3A_549 : i32 to vector<16xi32>
          %parallel_loop3A_551 = arith.constant 0 : i32
          %parallel_loop3A_552 = arith.index_cast %parallel_loop3A_551 : i32 to index
          %parallel_loop3A_553 = arith.index_cast %parallel_loop3A_549 : i32 to index
          %parallel_loop3A_554 = arith.constant 0 : index
          %parallel_loop3A_555 = tpu.vector_load %arg7[%parallel_loop3A_552, %parallel_loop3A_553, %parallel_loop3A_554] {strides = array<i32>} : memref<4x128x64xf32, #tpu.memory_space<vmem>>, vector<16xf32>,
          %parallel_loop3A_556 = arith.constant 0 : i32
          %parallel_loop3A_557 = arith.constant 0 : i32
          %parallel_loop3A_558 = arith.constant 0 : i32
          %parallel_loop3A_559 = arith.constant 0 : i32
          %parallel_loop3A_560 = tpu.memref_slice %arg8[%parallel_loop3A_556, %parallel_loop3A_557, %parallel_loop3A_558, %parallel_loop3A_559] : memref<2x8x8x129xf32, #tpu.memory_space<vmem>> -> memref<1x8x8x129xf32, #tpu.memory_space<vmem>>
          %parallel_loop3A_561 = tpu.memref_squeeze %parallel_loop3A_560 : memref<1x8x8x129xf32, #tpu.memory_space<vmem>> -> memref<8x8x129xf32, #tpu.memory_space<vmem>>
          tpu.vector_store_idx %parallel_loop3A_561[%select_n3A, %select_n3A_73, %parallel_loop3A_550], %parallel_loop3A_555 : memref<8x8x129xf32, #tpu.memory_space<vmem>>[vector<16xi32>, vector<16xi32>, vector<16xi32>], vector<16xf32>,
          %parallel_loop3A_562 = arith.constant 0 : i32
          %parallel_loop3A_563 = arith.index_cast %parallel_loop3A_562 : i32 to index
          %parallel_loop3A_564 = arith.index_cast %parallel_loop3A_549 : i32 to index
          %parallel_loop3A_565 = arith.constant 16 : index
          %parallel_loop3A_566 = tpu.vector_load %arg7[%parallel_loop3A_563, %parallel_loop3A_564, %parallel_loop3A_565] {strides = array<i32>} : memref<4x128x64xf32, #tpu.memory_space<vmem>>, vector<16xf32>,
          %parallel_loop3A_567 = arith.constant 0 : i32
          %parallel_loop3A_568 = arith.constant 0 : i32
          %parallel_loop3A_569 = arith.constant 0 : i32
          %parallel_loop3A_570 = arith.constant 0 : i32
          %parallel_loop3A_571 = tpu.memref_slice %arg8[%parallel_loop3A_567, %parallel_loop3A_568, %parallel_loop3A_569, %parallel_loop3A_570] : memref<2x8x8x129xf32, #tpu.memory_space<vmem>> -> memref<1x8x8x129xf32, #tpu.memory_space<vmem>>
          %parallel_loop3A_572 = tpu.memref_squeeze %parallel_loop3A_571 : memref<1x8x8x129xf32, #tpu.memory_space<vmem>> -> memref<8x8x129xf32, #tpu.memory_space<vmem>>
          tpu.vector_store_idx %parallel_loop3A_572[%select_n3A_107, %select_n3A_132, %parallel_loop3A_550], %parallel_loop3A_566 : memref<8x8x129xf32, #tpu.memory_space<vmem>>[vector<16xi32>, vector<16xi32>, vector<16xi32>], vector<16xf32>,
          %parallel_loop3A_573 = arith.constant 0 : i32
          %parallel_loop3A_574 = arith.index_cast %parallel_loop3A_573 : i32 to index
          %parallel_loop3A_575 = arith.index_cast %parallel_loop3A_549 : i32 to index
          %parallel_loop3A_576 = arith.constant 32 : index
          %parallel_loop3A_577 = tpu.vector_load %arg7[%parallel_loop3A_574, %parallel_loop3A_575, %parallel_loop3A_576] {strides = array<i32>} : memref<4x128x64xf32, #tpu.memory_space<vmem>>, vector<16xf32>,
          %parallel_loop3A_578 = arith.constant 0 : i32
          %parallel_loop3A_579 = arith.constant 0 : i32
          %parallel_loop3A_580 = arith.constant 0 : i32
          %parallel_loop3A_581 = arith.constant 0 : i32
          %parallel_loop3A_582 = tpu.memref_slice %arg8[%parallel_loop3A_578, %parallel_loop3A_579, %parallel_loop3A_580, %parallel_loop3A_581] : memref<2x8x8x129xf32, #tpu.memory_space<vmem>> -> memref<1x8x8x129xf32, #tpu.memory_space<vmem>>
          %parallel_loop3A_583 = tpu.memref_squeeze %parallel_loop3A_582 : memref<1x8x8x129xf32, #tpu.memory_space<vmem>> -> memref<8x8x129xf32, #tpu.memory_space<vmem>>
          tpu.vector_store_idx %parallel_loop3A_583[%select_n3A_166, %select_n3A_191, %parallel_loop3A_550], %parallel_loop3A_577 : memref<8x8x129xf32, #tpu.memory_space<vmem>>[vector<16xi32>, vector<16xi32>, vector<16xi32>], vector<16xf32>,
          %parallel_loop3A_584 = arith.constant 0 : i32
          %parallel_loop3A_585 = arith.index_cast %parallel_loop3A_584 : i32 to index
          %parallel_loop3A_586 = arith.index_cast %parallel_loop3A_549 : i32 to index
          %parallel_loop3A_587 = arith.constant 48 : index
          %parallel_loop3A_588 = tpu.vector_load %arg7[%parallel_loop3A_585, %parallel_loop3A_586, %parallel_loop3A_587] {strides = array<i32>} : memref<4x128x64xf32, #tpu.memory_space<vmem>>, vector<16xf32>,
          %parallel_loop3A_589 = arith.constant 0 : i32
          %parallel_loop3A_590 = arith.constant 0 : i32
          %parallel_loop3A_591 = arith.constant 0 : i32
          %parallel_loop3A_592 = arith.constant 0 : i32
          %parallel_loop3A_593 = tpu.memref_slice %arg8[%parallel_loop3A_589, %parallel_loop3A_590, %parallel_loop3A_591, %parallel_loop3A_592] : memref<2x8x8x129xf32, #tpu.memory_space<vmem>> -> memref<1x8x8x129xf32, #tpu.memory_space<vmem>>
          %parallel_loop3A_594 = tpu.memref_squeeze %parallel_loop3A_593 : memref<1x8x8x129xf32, #tpu.memory_space<vmem>> -> memref<8x8x129xf32, #tpu.memory_space<vmem>>
          tpu.vector_store_idx %parallel_loop3A_594[%select_n3A_225, %select_n3A_250, %parallel_loop3A_550], %parallel_loop3A_588 : memref<8x8x129xf32, #tpu.memory_space<vmem>>[vector<16xi32>, vector<16xi32>, vector<16xi32>], vector<16xf32>,
        } {sc.loop_unroll_factor = 8 : i64, sc.parallel_access}
        %dma_start3A_378 = arith.constant 0 : i32
        %dma_start3A_379 = arith.constant 0 : i32
        %dma_start3A_380 = arith.constant 0 : i32
        %dma_start3A_381 = arith.constant 0 : i32
        %dma_start3A_382 = tpu.memref_slice %arg8[%dma_start3A_378, %dma_start3A_379, %dma_start3A_380, %dma_start3A_381] : memref<2x8x8x129xf32, #tpu.memory_space<vmem>> -> memref<1x8x8x128xf32, #tpu.memory_space<vmem>>
        %dma_start3A_383 = tpu.memref_squeeze %dma_start3A_382 : memref<1x8x8x128xf32, #tpu.memory_space<vmem>> -> memref<8x8x128xf32, #tpu.memory_space<vmem>>
        %dma_start3A_384 = arith.constant 0 : i32
        %dma_start3A_385 = arith.constant 0 : i32
        %dma_start3A_386 = arith.constant 0 : i32
        %dma_start3A_387 = tpu.memref_slice %arg4[%add3A_356, %dma_start3A_384, %add3A_259, %dma_start3A_385, %dma_start3A_386] : memref<200x8x128x8x128xf32, #tpu.memory_space<hbm>> -> memref<1x8x1x8x128xf32, #tpu.memory_space<hbm>>
        %dma_start3A_388 = tpu.memref_squeeze %dma_start3A_387 : memref<1x8x1x8x128xf32, #tpu.memory_space<hbm>> -> memref<8x8x128xf32, #tpu.memory_space<hbm>>
        %dma_start3A_389 = arith.constant 0 : i32
        %dma_start3A_390 = arith.constant 0 : i32
        %dma_start3A_391 = arith.constant 0 : i32
        %dma_start3A_392 = tpu.memref_slice %arg4[%add3A_356, %dma_start3A_389, %add3A_259, %dma_start3A_390, %dma_start3A_391] : memref<200x8x128x8x128xf32, #tpu.memory_space<hbm>> -> memref<1x8x1x8x128xf32, #tpu.memory_space<hbm>>
        %dma_start3A_393 = tpu.memref_squeeze %dma_start3A_392 : memref<1x8x1x8x128xf32, #tpu.memory_space<hbm>> -> memref<8x8x128xf32, #tpu.memory_space<hbm>>
        %dma_start3A_394 = arith.constant 0 : i32
        %dma_start3A_395 = arith.constant 0 : i32
        %dma_start3A_396 = arith.constant 0 : i32
        %dma_start3A_397 = tpu.memref_slice %arg8[%dma_start3A_378, %dma_start3A_394, %dma_start3A_395, %dma_start3A_396] : memref<2x8x8x129xf32, #tpu.memory_space<vmem>> -> memref<1x8x8x128xf32, #tpu.memory_space<vmem>>
        %dma_start3A_398 = tpu.memref_squeeze %dma_start3A_397 : memref<1x8x8x128xf32, #tpu.memory_space<vmem>> -> memref<8x8x128xf32, #tpu.memory_space<vmem>>
        tpu.enqueue_dma source(%dma_start3A_398 : memref<8x8x128xf32, #tpu.memory_space<vmem>>) target(%dma_start3A_393 : memref<8x8x128xf32, #tpu.memory_space<hbm>>) target_semaphore(%arg10 : memref<!tpu.dma_semaphore, #tpu.memory_space<semaphore_mem>>)
        %mul3A_399 = arith.constant 4 : i32
        %mul3A_400 = arith.muli %mul3A_399, %scan3A_352 : i32
        %add3A_401 = arith.constant 1 : i32
        %add3A_402 = arith.addi %mul3A_400, %add3A_401 : i32
        %lt3A_403 = arith.constant 197 : i32
        %lt3A_404 = arith.cmpi slt, %add3A_402, %lt3A_403 : i32
        %convert_element_type3A_405 = arith.extui %lt3A_404 : i1 to i32
        %cond3A_406 = arith.constant 0 : i32
        %cond3A_407 = arith.cmpi ne, %convert_element_type3A_405, %cond3A_406 : i32
        scf.if %cond3A_407 {
          %add3A_549 = arith.constant 3 : i32
          %add3A_550 = arith.addi %add3A_402, %add3A_549 : i32
          %dma_start3A_551 = arith.constant 0 : i32
          %dma_start3A_552 = arith.constant 0 : i32
          %dma_start3A_553 = arith.constant 0 : i32
          %dma_start3A_554 = tpu.memref_slice %arg7[%dma_start3A_551, %dma_start3A_552, %dma_start3A_553] : memref<4x128x64xf32, #tpu.memory_space<vmem>> -> memref<1x128x64xf32, #tpu.memory_space<vmem>>
          %dma_start3A_555 = tpu.memref_squeeze %dma_start3A_554 : memref<1x128x64xf32, #tpu.memory_space<vmem>> -> memref<128x64xf32, #tpu.memory_space<vmem>>
          %dma_start3A_556 = arith.constant 0 : i32
          %dma_start3A_557 = tpu.memref_slice %arg5[%add3A_550, %dma_start3A_556] : memref<200x128xi32, #tpu.memory_space<vmem>> -> memref<1x128xi32, #tpu.memory_space<vmem>>
          %dma_start3A_558 = tpu.memref_squeeze %dma_start3A_557 : memref<1x128xi32, #tpu.memory_space<vmem>> -> memref<128xi32, #tpu.memory_space<vmem>>
          %dma_start3A_559 = arith.constant 0 : i32
          %dma_start3A_560 = arith.constant 0 : i32
          %dma_start3A_561 = tpu.memref_slice %arg3[%dma_start3A_559, %dma_start3A_560] : memref<1001000x64xf32, #tpu.memory_space<hbm>> -> memref<1001000x64xf32, #tpu.memory_space<hbm>>
          tpu.enqueue_indirect_dma source(%dma_start3A_561 : memref<1001000x64xf32, #tpu.memory_space<hbm>>) target(%dma_start3A_555 : memref<128x64xf32, #tpu.memory_space<vmem>>) offsets(%dma_start3A_558 : memref<128xi32, #tpu.memory_space<vmem>>) semaphore(%arg9 : memref<!tpu.dma_semaphore, #tpu.memory_space<semaphore_mem>>)
        } else {
        }
        %dma_wait3A_408 = arith.constant 0 : i32
        %dma_wait3A_409 = arith.constant 1 : i32
        %dma_wait3A_410 = arith.constant 0 : i32
        %dma_wait3A_411 = arith.constant 0 : i32
        %dma_wait3A_412 = tpu.memref_slice %arg7[%dma_wait3A_409, %dma_wait3A_410, %dma_wait3A_411] : memref<4x128x64xf32, #tpu.memory_space<vmem>> -> memref<1x128x64xf32, #tpu.memory_space<vmem>>
        %dma_wait3A_413 = tpu.memref_squeeze %dma_wait3A_412 : memref<1x128x64xf32, #tpu.memory_space<vmem>> -> memref<128x64xf32, #tpu.memory_space<vmem>>
        %dma_wait3A_414 = arith.constant 0 : i32
        %dma_wait3A_415 = tpu.memref_slice %arg5[%dma_wait3A_408, %dma_wait3A_414] : memref<200x128xi32, #tpu.memory_space<vmem>> -> memref<1x128xi32, #tpu.memory_space<vmem>>
        %dma_wait3A_416 = tpu.memref_squeeze %dma_wait3A_415 : memref<1x128xi32, #tpu.memory_space<vmem>> -> memref<128xi32, #tpu.memory_space<vmem>>
        %dma_wait3A_417 = arith.constant 0 : i32
        %dma_wait3A_418 = arith.constant 0 : i32
        %dma_wait3A_419 = tpu.memref_slice %arg3[%dma_wait3A_417, %dma_wait3A_418] : memref<1001000x64xf32, #tpu.memory_space<hbm>> -> memref<1001000x64xf32, #tpu.memory_space<hbm>>
        tpu.wait_indirect_dma semaphore(%arg9 : memref<!tpu.dma_semaphore, #tpu.memory_space<semaphore_mem>>) src(%dma_wait3A_419 : memref<1001000x64xf32, #tpu.memory_space<hbm>>) dst(%dma_wait3A_413 : memref<128x64xf32, #tpu.memory_space<vmem>>)
        %ge3A_420 = arith.constant 2 : i32
        %ge3A_421 = arith.cmpi sge, %add3A_402, %ge3A_420 : i32
        %convert_element_type3A_422 = arith.extui %ge3A_421 : i1 to i32
        %cond3A_423 = arith.constant 0 : i32
        %cond3A_424 = arith.cmpi ne, %convert_element_type3A_422, %cond3A_423 : i32
        scf.if %cond3A_424 {
          %dma_wait3A_549 = arith.constant 1 : i32
          %dma_wait3A_550 = arith.constant 0 : i32
          %dma_wait3A_551 = arith.constant 0 : i32
          %dma_wait3A_552 = arith.constant 0 : i32
          %dma_wait3A_553 = arith.constant 0 : i32
          %dma_wait3A_554 = tpu.memref_slice %arg8[%dma_wait3A_549, %dma_wait3A_551, %dma_wait3A_552, %dma_wait3A_553] : memref<2x8x8x129xf32, #tpu.memory_space<vmem>> -> memref<1x8x8x128xf32, #tpu.memory_space<vmem>>
          %dma_wait3A_555 = tpu.memref_squeeze %dma_wait3A_554 : memref<1x8x8x128xf32, #tpu.memory_space<vmem>> -> memref<8x8x128xf32, #tpu.memory_space<vmem>>
          %dma_wait3A_556 = arith.constant 0 : i32
          %dma_wait3A_557 = arith.constant 0 : i32
          %dma_wait3A_558 = arith.constant 0 : i32
          %dma_wait3A_559 = tpu.memref_slice %arg4[%dma_wait3A_550, %dma_wait3A_556, %add3A_259, %dma_wait3A_557, %dma_wait3A_558] : memref<200x8x128x8x128xf32, #tpu.memory_space<hbm>> -> memref<1x8x1x8x128xf32, #tpu.memory_space<hbm>>
          %dma_wait3A_560 = tpu.memref_squeeze %dma_wait3A_559 : memref<1x8x1x8x128xf32, #tpu.memory_space<hbm>> -> memref<8x8x128xf32, #tpu.memory_space<hbm>>
          %dma_wait3A_561 = arith.constant 0 : i32
          %dma_wait3A_562 = arith.constant 0 : i32
          %dma_wait3A_563 = arith.constant 0 : i32
          %dma_wait3A_564 = tpu.memref_slice %arg4[%dma_wait3A_550, %dma_wait3A_561, %add3A_259, %dma_wait3A_562, %dma_wait3A_563] : memref<200x8x128x8x128xf32, #tpu.memory_space<hbm>> -> memref<1x8x1x8x128xf32, #tpu.memory_space<hbm>>
          %dma_wait3A_565 = tpu.memref_squeeze %dma_wait3A_564 : memref<1x8x1x8x128xf32, #tpu.memory_space<hbm>> -> memref<8x8x128xf32, #tpu.memory_space<hbm>>
          %dma_wait3A_566 = arith.constant 0 : i32
          %dma_wait3A_567 = arith.constant 0 : i32
          %dma_wait3A_568 = arith.constant 0 : i32
          %dma_wait3A_569 = tpu.memref_slice %arg8[%dma_wait3A_549, %dma_wait3A_566, %dma_wait3A_567, %dma_wait3A_568] : memref<2x8x8x129xf32, #tpu.memory_space<vmem>> -> memref<1x8x8x128xf32, #tpu.memory_space<vmem>>
          %dma_wait3A_570 = tpu.memref_squeeze %dma_wait3A_569 : memref<1x8x8x128xf32, #tpu.memory_space<vmem>> -> memref<8x8x128xf32, #tpu.memory_space<vmem>>
          tpu.wait_dma2 semaphore(%arg10 : memref<!tpu.dma_semaphore, #tpu.memory_space<semaphore_mem>>) src(%dma_wait3A_570 : memref<8x8x128xf32, #tpu.memory_space<vmem>>) dst(%dma_wait3A_565 : memref<8x8x128xf32, #tpu.memory_space<hbm>>)
        } else {
        }
        %parallel_loop3A_425 = arith.constant 0 : i32
        %parallel_loop3A_426 = arith.constant 128 : i32
        %parallel_loop3A_427 = arith.constant 1 : i32
        scf.for %parallel_loop3A_549 = %parallel_loop3A_425 to %parallel_loop3A_426 step %parallel_loop3A_427  : i32 {
          %parallel_loop3A_550 = vector.broadcast %parallel_loop3A_549 : i32 to vector<16xi32>
          %parallel_loop3A_551 = arith.constant 1 : i32
          %parallel_loop3A_552 = arith.index_cast %parallel_loop3A_551 : i32 to index
          %parallel_loop3A_553 = arith.index_cast %parallel_loop3A_549 : i32 to index
          %parallel_loop3A_554 = arith.constant 0 : index
          %parallel_loop3A_555 = tpu.vector_load %arg7[%parallel_loop3A_552, %parallel_loop3A_553, %parallel_loop3A_554] {strides = array<i32>} : memref<4x128x64xf32, #tpu.memory_space<vmem>>, vector<16xf32>,
          %parallel_loop3A_556 = arith.constant 1 : i32
          %parallel_loop3A_557 = arith.constant 0 : i32
          %parallel_loop3A_558 = arith.constant 0 : i32
          %parallel_loop3A_559 = arith.constant 0 : i32
          %parallel_loop3A_560 = tpu.memref_slice %arg8[%parallel_loop3A_556, %parallel_loop3A_557, %parallel_loop3A_558, %parallel_loop3A_559] : memref<2x8x8x129xf32, #tpu.memory_space<vmem>> -> memref<1x8x8x129xf32, #tpu.memory_space<vmem>>
          %parallel_loop3A_561 = tpu.memref_squeeze %parallel_loop3A_560 : memref<1x8x8x129xf32, #tpu.memory_space<vmem>> -> memref<8x8x129xf32, #tpu.memory_space<vmem>>
          tpu.vector_store_idx %parallel_loop3A_561[%select_n3A, %select_n3A_73, %parallel_loop3A_550], %parallel_loop3A_555 : memref<8x8x129xf32, #tpu.memory_space<vmem>>[vector<16xi32>, vector<16xi32>, vector<16xi32>], vector<16xf32>,
          %parallel_loop3A_562 = arith.constant 1 : i32
          %parallel_loop3A_563 = arith.index_cast %parallel_loop3A_562 : i32 to index
          %parallel_loop3A_564 = arith.index_cast %parallel_loop3A_549 : i32 to index
          %parallel_loop3A_565 = arith.constant 16 : index
          %parallel_loop3A_566 = tpu.vector_load %arg7[%parallel_loop3A_563, %parallel_loop3A_564, %parallel_loop3A_565] {strides = array<i32>} : memref<4x128x64xf32, #tpu.memory_space<vmem>>, vector<16xf32>,
          %parallel_loop3A_567 = arith.constant 1 : i32
          %parallel_loop3A_568 = arith.constant 0 : i32
          %parallel_loop3A_569 = arith.constant 0 : i32
          %parallel_loop3A_570 = arith.constant 0 : i32
          %parallel_loop3A_571 = tpu.memref_slice %arg8[%parallel_loop3A_567, %parallel_loop3A_568, %parallel_loop3A_569, %parallel_loop3A_570] : memref<2x8x8x129xf32, #tpu.memory_space<vmem>> -> memref<1x8x8x129xf32, #tpu.memory_space<vmem>>
          %parallel_loop3A_572 = tpu.memref_squeeze %parallel_loop3A_571 : memref<1x8x8x129xf32, #tpu.memory_space<vmem>> -> memref<8x8x129xf32, #tpu.memory_space<vmem>>
          tpu.vector_store_idx %parallel_loop3A_572[%select_n3A_107, %select_n3A_132, %parallel_loop3A_550], %parallel_loop3A_566 : memref<8x8x129xf32, #tpu.memory_space<vmem>>[vector<16xi32>, vector<16xi32>, vector<16xi32>], vector<16xf32>,
          %parallel_loop3A_573 = arith.constant 1 : i32
          %parallel_loop3A_574 = arith.index_cast %parallel_loop3A_573 : i32 to index
          %parallel_loop3A_575 = arith.index_cast %parallel_loop3A_549 : i32 to index
          %parallel_loop3A_576 = arith.constant 32 : index
          %parallel_loop3A_577 = tpu.vector_load %arg7[%parallel_loop3A_574, %parallel_loop3A_575, %parallel_loop3A_576] {strides = array<i32>} : memref<4x128x64xf32, #tpu.memory_space<vmem>>, vector<16xf32>,
          %parallel_loop3A_578 = arith.constant 1 : i32
          %parallel_loop3A_579 = arith.constant 0 : i32
          %parallel_loop3A_580 = arith.constant 0 : i32
          %parallel_loop3A_581 = arith.constant 0 : i32
          %parallel_loop3A_582 = tpu.memref_slice %arg8[%parallel_loop3A_578, %parallel_loop3A_579, %parallel_loop3A_580, %parallel_loop3A_581] : memref<2x8x8x129xf32, #tpu.memory_space<vmem>> -> memref<1x8x8x129xf32, #tpu.memory_space<vmem>>
          %parallel_loop3A_583 = tpu.memref_squeeze %parallel_loop3A_582 : memref<1x8x8x129xf32, #tpu.memory_space<vmem>> -> memref<8x8x129xf32, #tpu.memory_space<vmem>>
          tpu.vector_store_idx %parallel_loop3A_583[%select_n3A_166, %select_n3A_191, %parallel_loop3A_550], %parallel_loop3A_577 : memref<8x8x129xf32, #tpu.memory_space<vmem>>[vector<16xi32>, vector<16xi32>, vector<16xi32>], vector<16xf32>,
          %parallel_loop3A_584 = arith.constant 1 : i32
          %parallel_loop3A_585 = arith.index_cast %parallel_loop3A_584 : i32 to index
          %parallel_loop3A_586 = arith.index_cast %parallel_loop3A_549 : i32 to index
          %parallel_loop3A_587 = arith.constant 48 : index
          %parallel_loop3A_588 = tpu.vector_load %arg7[%parallel_loop3A_585, %parallel_loop3A_586, %parallel_loop3A_587] {strides = array<i32>} : memref<4x128x64xf32, #tpu.memory_space<vmem>>, vector<16xf32>,
          %parallel_loop3A_589 = arith.constant 1 : i32
          %parallel_loop3A_590 = arith.constant 0 : i32
          %parallel_loop3A_591 = arith.constant 0 : i32
          %parallel_loop3A_592 = arith.constant 0 : i32
          %parallel_loop3A_593 = tpu.memref_slice %arg8[%parallel_loop3A_589, %parallel_loop3A_590, %parallel_loop3A_591, %parallel_loop3A_592] : memref<2x8x8x129xf32, #tpu.memory_space<vmem>> -> memref<1x8x8x129xf32, #tpu.memory_space<vmem>>
          %parallel_loop3A_594 = tpu.memref_squeeze %parallel_loop3A_593 : memref<1x8x8x129xf32, #tpu.memory_space<vmem>> -> memref<8x8x129xf32, #tpu.memory_space<vmem>>
          tpu.vector_store_idx %parallel_loop3A_594[%select_n3A_225, %select_n3A_250, %parallel_loop3A_550], %parallel_loop3A_588 : memref<8x8x129xf32, #tpu.memory_space<vmem>>[vector<16xi32>, vector<16xi32>, vector<16xi32>], vector<16xf32>,
        } {sc.loop_unroll_factor = 8 : i64, sc.parallel_access}
        %dma_start3A_428 = arith.constant 1 : i32
        %dma_start3A_429 = arith.constant 0 : i32
        %dma_start3A_430 = arith.constant 0 : i32
        %dma_start3A_431 = arith.constant 0 : i32
        %dma_start3A_432 = tpu.memref_slice %arg8[%dma_start3A_428, %dma_start3A_429, %dma_start3A_430, %dma_start3A_431] : memref<2x8x8x129xf32, #tpu.memory_space<vmem>> -> memref<1x8x8x128xf32, #tpu.memory_space<vmem>>
        %dma_start3A_433 = tpu.memref_squeeze %dma_start3A_432 : memref<1x8x8x128xf32, #tpu.memory_space<vmem>> -> memref<8x8x128xf32, #tpu.memory_space<vmem>>
        %dma_start3A_434 = arith.constant 0 : i32
        %dma_start3A_435 = arith.constant 0 : i32
        %dma_start3A_436 = arith.constant 0 : i32
        %dma_start3A_437 = tpu.memref_slice %arg4[%add3A_402, %dma_start3A_434, %add3A_259, %dma_start3A_435, %dma_start3A_436] : memref<200x8x128x8x128xf32, #tpu.memory_space<hbm>> -> memref<1x8x1x8x128xf32, #tpu.memory_space<hbm>>
        %dma_start3A_438 = tpu.memref_squeeze %dma_start3A_437 : memref<1x8x1x8x128xf32, #tpu.memory_space<hbm>> -> memref<8x8x128xf32, #tpu.memory_space<hbm>>
        %dma_start3A_439 = arith.constant 0 : i32
        %dma_start3A_440 = arith.constant 0 : i32
        %dma_start3A_441 = arith.constant 0 : i32
        %dma_start3A_442 = tpu.memref_slice %arg4[%add3A_402, %dma_start3A_439, %add3A_259, %dma_start3A_440, %dma_start3A_441] : memref<200x8x128x8x128xf32, #tpu.memory_space<hbm>> -> memref<1x8x1x8x128xf32, #tpu.memory_space<hbm>>
        %dma_start3A_443 = tpu.memref_squeeze %dma_start3A_442 : memref<1x8x1x8x128xf32, #tpu.memory_space<hbm>> -> memref<8x8x128xf32, #tpu.memory_space<hbm>>
        %dma_start3A_444 = arith.constant 0 : i32
        %dma_start3A_445 = arith.constant 0 : i32
        %dma_start3A_446 = arith.constant 0 : i32
        %dma_start3A_447 = tpu.memref_slice %arg8[%dma_start3A_428, %dma_start3A_444, %dma_start3A_445, %dma_start3A_446] : memref<2x8x8x129xf32, #tpu.memory_space<vmem>> -> memref<1x8x8x128xf32, #tpu.memory_space<vmem>>
        %dma_start3A_448 = tpu.memref_squeeze %dma_start3A_447 : memref<1x8x8x128xf32, #tpu.memory_space<vmem>> -> memref<8x8x128xf32, #tpu.memory_space<vmem>>
        tpu.enqueue_dma source(%dma_start3A_448 : memref<8x8x128xf32, #tpu.memory_space<vmem>>) target(%dma_start3A_443 : memref<8x8x128xf32, #tpu.memory_space<hbm>>) target_semaphore(%arg10 : memref<!tpu.dma_semaphore, #tpu.memory_space<semaphore_mem>>)
        %mul3A_449 = arith.constant 4 : i32
        %mul3A_450 = arith.muli %mul3A_449, %scan3A_352 : i32
        %add3A_451 = arith.constant 2 : i32
        %add3A_452 = arith.addi %mul3A_450, %add3A_451 : i32
        %lt3A_453 = arith.constant 197 : i32
        %lt3A_454 = arith.cmpi slt, %add3A_452, %lt3A_453 : i32
        %convert_element_type3A_455 = arith.extui %lt3A_454 : i1 to i32
        %cond3A_456 = arith.constant 0 : i32
        %cond3A_457 = arith.cmpi ne, %convert_element_type3A_455, %cond3A_456 : i32
        scf.if %cond3A_457 {
          %add3A_549 = arith.constant 3 : i32
          %add3A_550 = arith.addi %add3A_452, %add3A_549 : i32
          %dma_start3A_551 = arith.constant 1 : i32
          %dma_start3A_552 = arith.constant 0 : i32
          %dma_start3A_553 = arith.constant 0 : i32
          %dma_start3A_554 = tpu.memref_slice %arg7[%dma_start3A_551, %dma_start3A_552, %dma_start3A_553] : memref<4x128x64xf32, #tpu.memory_space<vmem>> -> memref<1x128x64xf32, #tpu.memory_space<vmem>>
          %dma_start3A_555 = tpu.memref_squeeze %dma_start3A_554 : memref<1x128x64xf32, #tpu.memory_space<vmem>> -> memref<128x64xf32, #tpu.memory_space<vmem>>
          %dma_start3A_556 = arith.constant 0 : i32
          %dma_start3A_557 = tpu.memref_slice %arg5[%add3A_550, %dma_start3A_556] : memref<200x128xi32, #tpu.memory_space<vmem>> -> memref<1x128xi32, #tpu.memory_space<vmem>>
          %dma_start3A_558 = tpu.memref_squeeze %dma_start3A_557 : memref<1x128xi32, #tpu.memory_space<vmem>> -> memref<128xi32, #tpu.memory_space<vmem>>
          %dma_start3A_559 = arith.constant 0 : i32
          %dma_start3A_560 = arith.constant 0 : i32
          %dma_start3A_561 = tpu.memref_slice %arg3[%dma_start3A_559, %dma_start3A_560] : memref<1001000x64xf32, #tpu.memory_space<hbm>> -> memref<1001000x64xf32, #tpu.memory_space<hbm>>
          tpu.enqueue_indirect_dma source(%dma_start3A_561 : memref<1001000x64xf32, #tpu.memory_space<hbm>>) target(%dma_start3A_555 : memref<128x64xf32, #tpu.memory_space<vmem>>) offsets(%dma_start3A_558 : memref<128xi32, #tpu.memory_space<vmem>>) semaphore(%arg9 : memref<!tpu.dma_semaphore, #tpu.memory_space<semaphore_mem>>)
        } else {
        }
        %dma_wait3A_458 = arith.constant 0 : i32
        %dma_wait3A_459 = arith.constant 2 : i32
        %dma_wait3A_460 = arith.constant 0 : i32
        %dma_wait3A_461 = arith.constant 0 : i32
        %dma_wait3A_462 = tpu.memref_slice %arg7[%dma_wait3A_459, %dma_wait3A_460, %dma_wait3A_461] : memref<4x128x64xf32, #tpu.memory_space<vmem>> -> memref<1x128x64xf32, #tpu.memory_space<vmem>>
        %dma_wait3A_463 = tpu.memref_squeeze %dma_wait3A_462 : memref<1x128x64xf32, #tpu.memory_space<vmem>> -> memref<128x64xf32, #tpu.memory_space<vmem>>
        %dma_wait3A_464 = arith.constant 0 : i32
        %dma_wait3A_465 = tpu.memref_slice %arg5[%dma_wait3A_458, %dma_wait3A_464] : memref<200x128xi32, #tpu.memory_space<vmem>> -> memref<1x128xi32, #tpu.memory_space<vmem>>
        %dma_wait3A_466 = tpu.memref_squeeze %dma_wait3A_465 : memref<1x128xi32, #tpu.memory_space<vmem>> -> memref<128xi32, #tpu.memory_space<vmem>>
        %dma_wait3A_467 = arith.constant 0 : i32
        %dma_wait3A_468 = arith.constant 0 : i32
        %dma_wait3A_469 = tpu.memref_slice %arg3[%dma_wait3A_467, %dma_wait3A_468] : memref<1001000x64xf32, #tpu.memory_space<hbm>> -> memref<1001000x64xf32, #tpu.memory_space<hbm>>
        tpu.wait_indirect_dma semaphore(%arg9 : memref<!tpu.dma_semaphore, #tpu.memory_space<semaphore_mem>>) src(%dma_wait3A_469 : memref<1001000x64xf32, #tpu.memory_space<hbm>>) dst(%dma_wait3A_463 : memref<128x64xf32, #tpu.memory_space<vmem>>)
        %ge3A_470 = arith.constant 2 : i32
        %ge3A_471 = arith.cmpi sge, %add3A_452, %ge3A_470 : i32
        %convert_element_type3A_472 = arith.extui %ge3A_471 : i1 to i32
        %cond3A_473 = arith.constant 0 : i32
        %cond3A_474 = arith.cmpi ne, %convert_element_type3A_472, %cond3A_473 : i32
        scf.if %cond3A_474 {
          %dma_wait3A_549 = arith.constant 0 : i32
          %dma_wait3A_550 = arith.constant 0 : i32
          %dma_wait3A_551 = arith.constant 0 : i32
          %dma_wait3A_552 = arith.constant 0 : i32
          %dma_wait3A_553 = arith.constant 0 : i32
          %dma_wait3A_554 = tpu.memref_slice %arg8[%dma_wait3A_549, %dma_wait3A_551, %dma_wait3A_552, %dma_wait3A_553] : memref<2x8x8x129xf32, #tpu.memory_space<vmem>> -> memref<1x8x8x128xf32, #tpu.memory_space<vmem>>
          %dma_wait3A_555 = tpu.memref_squeeze %dma_wait3A_554 : memref<1x8x8x128xf32, #tpu.memory_space<vmem>> -> memref<8x8x128xf32, #tpu.memory_space<vmem>>
          %dma_wait3A_556 = arith.constant 0 : i32
          %dma_wait3A_557 = arith.constant 0 : i32
          %dma_wait3A_558 = arith.constant 0 : i32
          %dma_wait3A_559 = tpu.memref_slice %arg4[%dma_wait3A_550, %dma_wait3A_556, %add3A_259, %dma_wait3A_557, %dma_wait3A_558] : memref<200x8x128x8x128xf32, #tpu.memory_space<hbm>> -> memref<1x8x1x8x128xf32, #tpu.memory_space<hbm>>
          %dma_wait3A_560 = tpu.memref_squeeze %dma_wait3A_559 : memref<1x8x1x8x128xf32, #tpu.memory_space<hbm>> -> memref<8x8x128xf32, #tpu.memory_space<hbm>>
          %dma_wait3A_561 = arith.constant 0 : i32
          %dma_wait3A_562 = arith.constant 0 : i32
          %dma_wait3A_563 = arith.constant 0 : i32
          %dma_wait3A_564 = tpu.memref_slice %arg4[%dma_wait3A_550, %dma_wait3A_561, %add3A_259, %dma_wait3A_562, %dma_wait3A_563] : memref<200x8x128x8x128xf32, #tpu.memory_space<hbm>> -> memref<1x8x1x8x128xf32, #tpu.memory_space<hbm>>
          %dma_wait3A_565 = tpu.memref_squeeze %dma_wait3A_564 : memref<1x8x1x8x128xf32, #tpu.memory_space<hbm>> -> memref<8x8x128xf32, #tpu.memory_space<hbm>>
          %dma_wait3A_566 = arith.constant 0 : i32
          %dma_wait3A_567 = arith.constant 0 : i32
          %dma_wait3A_568 = arith.constant 0 : i32
          %dma_wait3A_569 = tpu.memref_slice %arg8[%dma_wait3A_549, %dma_wait3A_566, %dma_wait3A_567, %dma_wait3A_568] : memref<2x8x8x129xf32, #tpu.memory_space<vmem>> -> memref<1x8x8x128xf32, #tpu.memory_space<vmem>>
          %dma_wait3A_570 = tpu.memref_squeeze %dma_wait3A_569 : memref<1x8x8x128xf32, #tpu.memory_space<vmem>> -> memref<8x8x128xf32, #tpu.memory_space<vmem>>
          tpu.wait_dma2 semaphore(%arg10 : memref<!tpu.dma_semaphore, #tpu.memory_space<semaphore_mem>>) src(%dma_wait3A_570 : memref<8x8x128xf32, #tpu.memory_space<vmem>>) dst(%dma_wait3A_565 : memref<8x8x128xf32, #tpu.memory_space<hbm>>)
        } else {
        }
        %parallel_loop3A_475 = arith.constant 0 : i32
        %parallel_loop3A_476 = arith.constant 128 : i32
        %parallel_loop3A_477 = arith.constant 1 : i32
        scf.for %parallel_loop3A_549 = %parallel_loop3A_475 to %parallel_loop3A_476 step %parallel_loop3A_477  : i32 {
          %parallel_loop3A_550 = vector.broadcast %parallel_loop3A_549 : i32 to vector<16xi32>
          %parallel_loop3A_551 = arith.constant 2 : i32
          %parallel_loop3A_552 = arith.index_cast %parallel_loop3A_551 : i32 to index
          %parallel_loop3A_553 = arith.index_cast %parallel_loop3A_549 : i32 to index
          %parallel_loop3A_554 = arith.constant 0 : index
          %parallel_loop3A_555 = tpu.vector_load %arg7[%parallel_loop3A_552, %parallel_loop3A_553, %parallel_loop3A_554] {strides = array<i32>} : memref<4x128x64xf32, #tpu.memory_space<vmem>>, vector<16xf32>,
          %parallel_loop3A_556 = arith.constant 0 : i32
          %parallel_loop3A_557 = arith.constant 0 : i32
          %parallel_loop3A_558 = arith.constant 0 : i32
          %parallel_loop3A_559 = arith.constant 0 : i32
          %parallel_loop3A_560 = tpu.memref_slice %arg8[%parallel_loop3A_556, %parallel_loop3A_557, %parallel_loop3A_558, %parallel_loop3A_559] : memref<2x8x8x129xf32, #tpu.memory_space<vmem>> -> memref<1x8x8x129xf32, #tpu.memory_space<vmem>>
          %parallel_loop3A_561 = tpu.memref_squeeze %parallel_loop3A_560 : memref<1x8x8x129xf32, #tpu.memory_space<vmem>> -> memref<8x8x129xf32, #tpu.memory_space<vmem>>
          tpu.vector_store_idx %parallel_loop3A_561[%select_n3A, %select_n3A_73, %parallel_loop3A_550], %parallel_loop3A_555 : memref<8x8x129xf32, #tpu.memory_space<vmem>>[vector<16xi32>, vector<16xi32>, vector<16xi32>], vector<16xf32>,
          %parallel_loop3A_562 = arith.constant 2 : i32
          %parallel_loop3A_563 = arith.index_cast %parallel_loop3A_562 : i32 to index
          %parallel_loop3A_564 = arith.index_cast %parallel_loop3A_549 : i32 to index
          %parallel_loop3A_565 = arith.constant 16 : index
          %parallel_loop3A_566 = tpu.vector_load %arg7[%parallel_loop3A_563, %parallel_loop3A_564, %parallel_loop3A_565] {strides = array<i32>} : memref<4x128x64xf32, #tpu.memory_space<vmem>>, vector<16xf32>,
          %parallel_loop3A_567 = arith.constant 0 : i32
          %parallel_loop3A_568 = arith.constant 0 : i32
          %parallel_loop3A_569 = arith.constant 0 : i32
          %parallel_loop3A_570 = arith.constant 0 : i32
          %parallel_loop3A_571 = tpu.memref_slice %arg8[%parallel_loop3A_567, %parallel_loop3A_568, %parallel_loop3A_569, %parallel_loop3A_570] : memref<2x8x8x129xf32, #tpu.memory_space<vmem>> -> memref<1x8x8x129xf32, #tpu.memory_space<vmem>>
          %parallel_loop3A_572 = tpu.memref_squeeze %parallel_loop3A_571 : memref<1x8x8x129xf32, #tpu.memory_space<vmem>> -> memref<8x8x129xf32, #tpu.memory_space<vmem>>
          tpu.vector_store_idx %parallel_loop3A_572[%select_n3A_107, %select_n3A_132, %parallel_loop3A_550], %parallel_loop3A_566 : memref<8x8x129xf32, #tpu.memory_space<vmem>>[vector<16xi32>, vector<16xi32>, vector<16xi32>], vector<16xf32>,
          %parallel_loop3A_573 = arith.constant 2 : i32
          %parallel_loop3A_574 = arith.index_cast %parallel_loop3A_573 : i32 to index
          %parallel_loop3A_575 = arith.index_cast %parallel_loop3A_549 : i32 to index
          %parallel_loop3A_576 = arith.constant 32 : index
          %parallel_loop3A_577 = tpu.vector_load %arg7[%parallel_loop3A_574, %parallel_loop3A_575, %parallel_loop3A_576] {strides = array<i32>} : memref<4x128x64xf32, #tpu.memory_space<vmem>>, vector<16xf32>,
          %parallel_loop3A_578 = arith.constant 0 : i32
          %parallel_loop3A_579 = arith.constant 0 : i32
          %parallel_loop3A_580 = arith.constant 0 : i32
          %parallel_loop3A_581 = arith.constant 0 : i32
          %parallel_loop3A_582 = tpu.memref_slice %arg8[%parallel_loop3A_578, %parallel_loop3A_579, %parallel_loop3A_580, %parallel_loop3A_581] : memref<2x8x8x129xf32, #tpu.memory_space<vmem>> -> memref<1x8x8x129xf32, #tpu.memory_space<vmem>>
          %parallel_loop3A_583 = tpu.memref_squeeze %parallel_loop3A_582 : memref<1x8x8x129xf32, #tpu.memory_space<vmem>> -> memref<8x8x129xf32, #tpu.memory_space<vmem>>
          tpu.vector_store_idx %parallel_loop3A_583[%select_n3A_166, %select_n3A_191, %parallel_loop3A_550], %parallel_loop3A_577 : memref<8x8x129xf32, #tpu.memory_space<vmem>>[vector<16xi32>, vector<16xi32>, vector<16xi32>], vector<16xf32>,
          %parallel_loop3A_584 = arith.constant 2 : i32
          %parallel_loop3A_585 = arith.index_cast %parallel_loop3A_584 : i32 to index
          %parallel_loop3A_586 = arith.index_cast %parallel_loop3A_549 : i32 to index
          %parallel_loop3A_587 = arith.constant 48 : index
          %parallel_loop3A_588 = tpu.vector_load %arg7[%parallel_loop3A_585, %parallel_loop3A_586, %parallel_loop3A_587] {strides = array<i32>} : memref<4x128x64xf32, #tpu.memory_space<vmem>>, vector<16xf32>,
          %parallel_loop3A_589 = arith.constant 0 : i32
          %parallel_loop3A_590 = arith.constant 0 : i32
          %parallel_loop3A_591 = arith.constant 0 : i32
          %parallel_loop3A_592 = arith.constant 0 : i32
          %parallel_loop3A_593 = tpu.memref_slice %arg8[%parallel_loop3A_589, %parallel_loop3A_590, %parallel_loop3A_591, %parallel_loop3A_592] : memref<2x8x8x129xf32, #tpu.memory_space<vmem>> -> memref<1x8x8x129xf32, #tpu.memory_space<vmem>>
          %parallel_loop3A_594 = tpu.memref_squeeze %parallel_loop3A_593 : memref<1x8x8x129xf32, #tpu.memory_space<vmem>> -> memref<8x8x129xf32, #tpu.memory_space<vmem>>
          tpu.vector_store_idx %parallel_loop3A_594[%select_n3A_225, %select_n3A_250, %parallel_loop3A_550], %parallel_loop3A_588 : memref<8x8x129xf32, #tpu.memory_space<vmem>>[vector<16xi32>, vector<16xi32>, vector<16xi32>], vector<16xf32>,
        } {sc.loop_unroll_factor = 8 : i64, sc.parallel_access}
        %dma_start3A_478 = arith.constant 0 : i32
        %dma_start3A_479 = arith.constant 0 : i32
        %dma_start3A_480 = arith.constant 0 : i32
        %dma_start3A_481 = arith.constant 0 : i32
        %dma_start3A_482 = tpu.memref_slice %arg8[%dma_start3A_478, %dma_start3A_479, %dma_start3A_480, %dma_start3A_481] : memref<2x8x8x129xf32, #tpu.memory_space<vmem>> -> memref<1x8x8x128xf32, #tpu.memory_space<vmem>>
        %dma_start3A_483 = tpu.memref_squeeze %dma_start3A_482 : memref<1x8x8x128xf32, #tpu.memory_space<vmem>> -> memref<8x8x128xf32, #tpu.memory_space<vmem>>
        %dma_start3A_484 = arith.constant 0 : i32
        %dma_start3A_485 = arith.constant 0 : i32
        %dma_start3A_486 = arith.constant 0 : i32
        %dma_start3A_487 = tpu.memref_slice %arg4[%add3A_452, %dma_start3A_484, %add3A_259, %dma_start3A_485, %dma_start3A_486] : memref<200x8x128x8x128xf32, #tpu.memory_space<hbm>> -> memref<1x8x1x8x128xf32, #tpu.memory_space<hbm>>
        %dma_start3A_488 = tpu.memref_squeeze %dma_start3A_487 : memref<1x8x1x8x128xf32, #tpu.memory_space<hbm>> -> memref<8x8x128xf32, #tpu.memory_space<hbm>>
        %dma_start3A_489 = arith.constant 0 : i32
        %dma_start3A_490 = arith.constant 0 : i32
        %dma_start3A_491 = arith.constant 0 : i32
        %dma_start3A_492 = tpu.memref_slice %arg4[%add3A_452, %dma_start3A_489, %add3A_259, %dma_start3A_490, %dma_start3A_491] : memref<200x8x128x8x128xf32, #tpu.memory_space<hbm>> -> memref<1x8x1x8x128xf32, #tpu.memory_space<hbm>>
        %dma_start3A_493 = tpu.memref_squeeze %dma_start3A_492 : memref<1x8x1x8x128xf32, #tpu.memory_space<hbm>> -> memref<8x8x128xf32, #tpu.memory_space<hbm>>
        %dma_start3A_494 = arith.constant 0 : i32
        %dma_start3A_495 = arith.constant 0 : i32
        %dma_start3A_496 = arith.constant 0 : i32
        %dma_start3A_497 = tpu.memref_slice %arg8[%dma_start3A_478, %dma_start3A_494, %dma_start3A_495, %dma_start3A_496] : memref<2x8x8x129xf32, #tpu.memory_space<vmem>> -> memref<1x8x8x128xf32, #tpu.memory_space<vmem>>
        %dma_start3A_498 = tpu.memref_squeeze %dma_start3A_497 : memref<1x8x8x128xf32, #tpu.memory_space<vmem>> -> memref<8x8x128xf32, #tpu.memory_space<vmem>>
        tpu.enqueue_dma source(%dma_start3A_498 : memref<8x8x128xf32, #tpu.memory_space<vmem>>) target(%dma_start3A_493 : memref<8x8x128xf32, #tpu.memory_space<hbm>>) target_semaphore(%arg10 : memref<!tpu.dma_semaphore, #tpu.memory_space<semaphore_mem>>)
        %mul3A_499 = arith.constant 4 : i32
        %mul3A_500 = arith.muli %mul3A_499, %scan3A_352 : i32
        %add3A_501 = arith.constant 3 : i32
        %add3A_502 = arith.addi %mul3A_500, %add3A_501 : i32
        %lt3A_503 = arith.constant 197 : i32
        %lt3A_504 = arith.cmpi slt, %add3A_502, %lt3A_503 : i32
        %convert_element_type3A_505 = arith.extui %lt3A_504 : i1 to i32
        %cond3A_506 = arith.constant 0 : i32
        %cond3A_507 = arith.cmpi ne, %convert_element_type3A_505, %cond3A_506 : i32
        scf.if %cond3A_507 {
          %add3A_549 = arith.constant 3 : i32
          %add3A_550 = arith.addi %add3A_502, %add3A_549 : i32
          %dma_start3A_551 = arith.constant 2 : i32
          %dma_start3A_552 = arith.constant 0 : i32
          %dma_start3A_553 = arith.constant 0 : i32
          %dma_start3A_554 = tpu.memref_slice %arg7[%dma_start3A_551, %dma_start3A_552, %dma_start3A_553] : memref<4x128x64xf32, #tpu.memory_space<vmem>> -> memref<1x128x64xf32, #tpu.memory_space<vmem>>
          %dma_start3A_555 = tpu.memref_squeeze %dma_start3A_554 : memref<1x128x64xf32, #tpu.memory_space<vmem>> -> memref<128x64xf32, #tpu.memory_space<vmem>>
          %dma_start3A_556 = arith.constant 0 : i32
          %dma_start3A_557 = tpu.memref_slice %arg5[%add3A_550, %dma_start3A_556] : memref<200x128xi32, #tpu.memory_space<vmem>> -> memref<1x128xi32, #tpu.memory_space<vmem>>
          %dma_start3A_558 = tpu.memref_squeeze %dma_start3A_557 : memref<1x128xi32, #tpu.memory_space<vmem>> -> memref<128xi32, #tpu.memory_space<vmem>>
          %dma_start3A_559 = arith.constant 0 : i32
          %dma_start3A_560 = arith.constant 0 : i32
          %dma_start3A_561 = tpu.memref_slice %arg3[%dma_start3A_559, %dma_start3A_560] : memref<1001000x64xf32, #tpu.memory_space<hbm>> -> memref<1001000x64xf32, #tpu.memory_space<hbm>>
          tpu.enqueue_indirect_dma source(%dma_start3A_561 : memref<1001000x64xf32, #tpu.memory_space<hbm>>) target(%dma_start3A_555 : memref<128x64xf32, #tpu.memory_space<vmem>>) offsets(%dma_start3A_558 : memref<128xi32, #tpu.memory_space<vmem>>) semaphore(%arg9 : memref<!tpu.dma_semaphore, #tpu.memory_space<semaphore_mem>>)
        } else {
        }
        %dma_wait3A_508 = arith.constant 0 : i32
        %dma_wait3A_509 = arith.constant 3 : i32
        %dma_wait3A_510 = arith.constant 0 : i32
        %dma_wait3A_511 = arith.constant 0 : i32
        %dma_wait3A_512 = tpu.memref_slice %arg7[%dma_wait3A_509, %dma_wait3A_510, %dma_wait3A_511] : memref<4x128x64xf32, #tpu.memory_space<vmem>> -> memref<1x128x64xf32, #tpu.memory_space<vmem>>
        %dma_wait3A_513 = tpu.memref_squeeze %dma_wait3A_512 : memref<1x128x64xf32, #tpu.memory_space<vmem>> -> memref<128x64xf32, #tpu.memory_space<vmem>>
        %dma_wait3A_514 = arith.constant 0 : i32
        %dma_wait3A_515 = tpu.memref_slice %arg5[%dma_wait3A_508, %dma_wait3A_514] : memref<200x128xi32, #tpu.memory_space<vmem>> -> memref<1x128xi32, #tpu.memory_space<vmem>>
        %dma_wait3A_516 = tpu.memref_squeeze %dma_wait3A_515 : memref<1x128xi32, #tpu.memory_space<vmem>> -> memref<128xi32, #tpu.memory_space<vmem>>
        %dma_wait3A_517 = arith.constant 0 : i32
        %dma_wait3A_518 = arith.constant 0 : i32
        %dma_wait3A_519 = tpu.memref_slice %arg3[%dma_wait3A_517, %dma_wait3A_518] : memref<1001000x64xf32, #tpu.memory_space<hbm>> -> memref<1001000x64xf32, #tpu.memory_space<hbm>>
        tpu.wait_indirect_dma semaphore(%arg9 : memref<!tpu.dma_semaphore, #tpu.memory_space<semaphore_mem>>) src(%dma_wait3A_519 : memref<1001000x64xf32, #tpu.memory_space<hbm>>) dst(%dma_wait3A_513 : memref<128x64xf32, #tpu.memory_space<vmem>>)
        %ge3A_520 = arith.constant 2 : i32
        %ge3A_521 = arith.cmpi sge, %add3A_502, %ge3A_520 : i32
        %convert_element_type3A_522 = arith.extui %ge3A_521 : i1 to i32
        %cond3A_523 = arith.constant 0 : i32
        %cond3A_524 = arith.cmpi ne, %convert_element_type3A_522, %cond3A_523 : i32
        scf.if %cond3A_524 {
          %dma_wait3A_549 = arith.constant 1 : i32
          %dma_wait3A_550 = arith.constant 0 : i32
          %dma_wait3A_551 = arith.constant 0 : i32
          %dma_wait3A_552 = arith.constant 0 : i32
          %dma_wait3A_553 = arith.constant 0 : i32
          %dma_wait3A_554 = tpu.memref_slice %arg8[%dma_wait3A_549, %dma_wait3A_551, %dma_wait3A_552, %dma_wait3A_553] : memref<2x8x8x129xf32, #tpu.memory_space<vmem>> -> memref<1x8x8x128xf32, #tpu.memory_space<vmem>>
          %dma_wait3A_555 = tpu.memref_squeeze %dma_wait3A_554 : memref<1x8x8x128xf32, #tpu.memory_space<vmem>> -> memref<8x8x128xf32, #tpu.memory_space<vmem>>
          %dma_wait3A_556 = arith.constant 0 : i32
          %dma_wait3A_557 = arith.constant 0 : i32
          %dma_wait3A_558 = arith.constant 0 : i32
          %dma_wait3A_559 = tpu.memref_slice %arg4[%dma_wait3A_550, %dma_wait3A_556, %add3A_259, %dma_wait3A_557, %dma_wait3A_558] : memref<200x8x128x8x128xf32, #tpu.memory_space<hbm>> -> memref<1x8x1x8x128xf32, #tpu.memory_space<hbm>>
          %dma_wait3A_560 = tpu.memref_squeeze %dma_wait3A_559 : memref<1x8x1x8x128xf32, #tpu.memory_space<hbm>> -> memref<8x8x128xf32, #tpu.memory_space<hbm>>
          %dma_wait3A_561 = arith.constant 0 : i32
          %dma_wait3A_562 = arith.constant 0 : i32
          %dma_wait3A_563 = arith.constant 0 : i32
          %dma_wait3A_564 = tpu.memref_slice %arg4[%dma_wait3A_550, %dma_wait3A_561, %add3A_259, %dma_wait3A_562, %dma_wait3A_563] : memref<200x8x128x8x128xf32, #tpu.memory_space<hbm>> -> memref<1x8x1x8x128xf32, #tpu.memory_space<hbm>>
          %dma_wait3A_565 = tpu.memref_squeeze %dma_wait3A_564 : memref<1x8x1x8x128xf32, #tpu.memory_space<hbm>> -> memref<8x8x128xf32, #tpu.memory_space<hbm>>
          %dma_wait3A_566 = arith.constant 0 : i32
          %dma_wait3A_567 = arith.constant 0 : i32
          %dma_wait3A_568 = arith.constant 0 : i32
          %dma_wait3A_569 = tpu.memref_slice %arg8[%dma_wait3A_549, %dma_wait3A_566, %dma_wait3A_567, %dma_wait3A_568] : memref<2x8x8x129xf32, #tpu.memory_space<vmem>> -> memref<1x8x8x128xf32, #tpu.memory_space<vmem>>
          %dma_wait3A_570 = tpu.memref_squeeze %dma_wait3A_569 : memref<1x8x8x128xf32, #tpu.memory_space<vmem>> -> memref<8x8x128xf32, #tpu.memory_space<vmem>>
          tpu.wait_dma2 semaphore(%arg10 : memref<!tpu.dma_semaphore, #tpu.memory_space<semaphore_mem>>) src(%dma_wait3A_570 : memref<8x8x128xf32, #tpu.memory_space<vmem>>) dst(%dma_wait3A_565 : memref<8x8x128xf32, #tpu.memory_space<hbm>>)
        } else {
        }
        %parallel_loop3A_525 = arith.constant 0 : i32
        %parallel_loop3A_526 = arith.constant 128 : i32
        %parallel_loop3A_527 = arith.constant 1 : i32
        scf.for %parallel_loop3A_549 = %parallel_loop3A_525 to %parallel_loop3A_526 step %parallel_loop3A_527  : i32 {
          %parallel_loop3A_550 = vector.broadcast %parallel_loop3A_549 : i32 to vector<16xi32>
          %parallel_loop3A_551 = arith.constant 3 : i32
          %parallel_loop3A_552 = arith.index_cast %parallel_loop3A_551 : i32 to index
          %parallel_loop3A_553 = arith.index_cast %parallel_loop3A_549 : i32 to index
          %parallel_loop3A_554 = arith.constant 0 : index
          %parallel_loop3A_555 = tpu.vector_load %arg7[%parallel_loop3A_552, %parallel_loop3A_553, %parallel_loop3A_554] {strides = array<i32>} : memref<4x128x64xf32, #tpu.memory_space<vmem>>, vector<16xf32>,
          %parallel_loop3A_556 = arith.constant 1 : i32
          %parallel_loop3A_557 = arith.constant 0 : i32
          %parallel_loop3A_558 = arith.constant 0 : i32
          %parallel_loop3A_559 = arith.constant 0 : i32
          %parallel_loop3A_560 = tpu.memref_slice %arg8[%parallel_loop3A_556, %parallel_loop3A_557, %parallel_loop3A_558, %parallel_loop3A_559] : memref<2x8x8x129xf32, #tpu.memory_space<vmem>> -> memref<1x8x8x129xf32, #tpu.memory_space<vmem>>
          %parallel_loop3A_561 = tpu.memref_squeeze %parallel_loop3A_560 : memref<1x8x8x129xf32, #tpu.memory_space<vmem>> -> memref<8x8x129xf32, #tpu.memory_space<vmem>>
          tpu.vector_store_idx %parallel_loop3A_561[%select_n3A, %select_n3A_73, %parallel_loop3A_550], %parallel_loop3A_555 : memref<8x8x129xf32, #tpu.memory_space<vmem>>[vector<16xi32>, vector<16xi32>, vector<16xi32>], vector<16xf32>,
          %parallel_loop3A_562 = arith.constant 3 : i32
          %parallel_loop3A_563 = arith.index_cast %parallel_loop3A_562 : i32 to index
          %parallel_loop3A_564 = arith.index_cast %parallel_loop3A_549 : i32 to index
          %parallel_loop3A_565 = arith.constant 16 : index
          %parallel_loop3A_566 = tpu.vector_load %arg7[%parallel_loop3A_563, %parallel_loop3A_564, %parallel_loop3A_565] {strides = array<i32>} : memref<4x128x64xf32, #tpu.memory_space<vmem>>, vector<16xf32>,
          %parallel_loop3A_567 = arith.constant 1 : i32
          %parallel_loop3A_568 = arith.constant 0 : i32
          %parallel_loop3A_569 = arith.constant 0 : i32
          %parallel_loop3A_570 = arith.constant 0 : i32
          %parallel_loop3A_571 = tpu.memref_slice %arg8[%parallel_loop3A_567, %parallel_loop3A_568, %parallel_loop3A_569, %parallel_loop3A_570] : memref<2x8x8x129xf32, #tpu.memory_space<vmem>> -> memref<1x8x8x129xf32, #tpu.memory_space<vmem>>
          %parallel_loop3A_572 = tpu.memref_squeeze %parallel_loop3A_571 : memref<1x8x8x129xf32, #tpu.memory_space<vmem>> -> memref<8x8x129xf32, #tpu.memory_space<vmem>>
          tpu.vector_store_idx %parallel_loop3A_572[%select_n3A_107, %select_n3A_132, %parallel_loop3A_550], %parallel_loop3A_566 : memref<8x8x129xf32, #tpu.memory_space<vmem>>[vector<16xi32>, vector<16xi32>, vector<16xi32>], vector<16xf32>,
          %parallel_loop3A_573 = arith.constant 3 : i32
          %parallel_loop3A_574 = arith.index_cast %parallel_loop3A_573 : i32 to index
          %parallel_loop3A_575 = arith.index_cast %parallel_loop3A_549 : i32 to index
          %parallel_loop3A_576 = arith.constant 32 : index
          %parallel_loop3A_577 = tpu.vector_load %arg7[%parallel_loop3A_574, %parallel_loop3A_575, %parallel_loop3A_576] {strides = array<i32>} : memref<4x128x64xf32, #tpu.memory_space<vmem>>, vector<16xf32>,
          %parallel_loop3A_578 = arith.constant 1 : i32
          %parallel_loop3A_579 = arith.constant 0 : i32
          %parallel_loop3A_580 = arith.constant 0 : i32
          %parallel_loop3A_581 = arith.constant 0 : i32
          %parallel_loop3A_582 = tpu.memref_slice %arg8[%parallel_loop3A_578, %parallel_loop3A_579, %parallel_loop3A_580, %parallel_loop3A_581] : memref<2x8x8x129xf32, #tpu.memory_space<vmem>> -> memref<1x8x8x129xf32, #tpu.memory_space<vmem>>
          %parallel_loop3A_583 = tpu.memref_squeeze %parallel_loop3A_582 : memref<1x8x8x129xf32, #tpu.memory_space<vmem>> -> memref<8x8x129xf32, #tpu.memory_space<vmem>>
          tpu.vector_store_idx %parallel_loop3A_583[%select_n3A_166, %select_n3A_191, %parallel_loop3A_550], %parallel_loop3A_577 : memref<8x8x129xf32, #tpu.memory_space<vmem>>[vector<16xi32>, vector<16xi32>, vector<16xi32>], vector<16xf32>,
          %parallel_loop3A_584 = arith.constant 3 : i32
          %parallel_loop3A_585 = arith.index_cast %parallel_loop3A_584 : i32 to index
          %parallel_loop3A_586 = arith.index_cast %parallel_loop3A_549 : i32 to index
          %parallel_loop3A_587 = arith.constant 48 : index
          %parallel_loop3A_588 = tpu.vector_load %arg7[%parallel_loop3A_585, %parallel_loop3A_586, %parallel_loop3A_587] {strides = array<i32>} : memref<4x128x64xf32, #tpu.memory_space<vmem>>, vector<16xf32>,
          %parallel_loop3A_589 = arith.constant 1 : i32
          %parallel_loop3A_590 = arith.constant 0 : i32
          %parallel_loop3A_591 = arith.constant 0 : i32
          %parallel_loop3A_592 = arith.constant 0 : i32
          %parallel_loop3A_593 = tpu.memref_slice %arg8[%parallel_loop3A_589, %parallel_loop3A_590, %parallel_loop3A_591, %parallel_loop3A_592] : memref<2x8x8x129xf32, #tpu.memory_space<vmem>> -> memref<1x8x8x129xf32, #tpu.memory_space<vmem>>
          %parallel_loop3A_594 = tpu.memref_squeeze %parallel_loop3A_593 : memref<1x8x8x129xf32, #tpu.memory_space<vmem>> -> memref<8x8x129xf32, #tpu.memory_space<vmem>>
          tpu.vector_store_idx %parallel_loop3A_594[%select_n3A_225, %select_n3A_250, %parallel_loop3A_550], %parallel_loop3A_588 : memref<8x8x129xf32, #tpu.memory_space<vmem>>[vector<16xi32>, vector<16xi32>, vector<16xi32>], vector<16xf32>,
        } {sc.loop_unroll_factor = 8 : i64, sc.parallel_access}
        %dma_start3A_528 = arith.constant 1 : i32
        %dma_start3A_529 = arith.constant 0 : i32
        %dma_start3A_530 = arith.constant 0 : i32
        %dma_start3A_531 = arith.constant 0 : i32
        %dma_start3A_532 = tpu.memref_slice %arg8[%dma_start3A_528, %dma_start3A_529, %dma_start3A_530, %dma_start3A_531] : memref<2x8x8x129xf32, #tpu.memory_space<vmem>> -> memref<1x8x8x128xf32, #tpu.memory_space<vmem>>
        %dma_start3A_533 = tpu.memref_squeeze %dma_start3A_532 : memref<1x8x8x128xf32, #tpu.memory_space<vmem>> -> memref<8x8x128xf32, #tpu.memory_space<vmem>>
        %dma_start3A_534 = arith.constant 0 : i32
        %dma_start3A_535 = arith.constant 0 : i32
        %dma_start3A_536 = arith.constant 0 : i32
        %dma_start3A_537 = tpu.memref_slice %arg4[%add3A_502, %dma_start3A_534, %add3A_259, %dma_start3A_535, %dma_start3A_536] : memref<200x8x128x8x128xf32, #tpu.memory_space<hbm>> -> memref<1x8x1x8x128xf32, #tpu.memory_space<hbm>>
        %dma_start3A_538 = tpu.memref_squeeze %dma_start3A_537 : memref<1x8x1x8x128xf32, #tpu.memory_space<hbm>> -> memref<8x8x128xf32, #tpu.memory_space<hbm>>
        %dma_start3A_539 = arith.constant 0 : i32
        %dma_start3A_540 = arith.constant 0 : i32
        %dma_start3A_541 = arith.constant 0 : i32
        %dma_start3A_542 = tpu.memref_slice %arg4[%add3A_502, %dma_start3A_539, %add3A_259, %dma_start3A_540, %dma_start3A_541] : memref<200x8x128x8x128xf32, #tpu.memory_space<hbm>> -> memref<1x8x1x8x128xf32, #tpu.memory_space<hbm>>
        %dma_start3A_543 = tpu.memref_squeeze %dma_start3A_542 : memref<1x8x1x8x128xf32, #tpu.memory_space<hbm>> -> memref<8x8x128xf32, #tpu.memory_space<hbm>>
        %dma_start3A_544 = arith.constant 0 : i32
        %dma_start3A_545 = arith.constant 0 : i32
        %dma_start3A_546 = arith.constant 0 : i32
        %dma_start3A_547 = tpu.memref_slice %arg8[%dma_start3A_528, %dma_start3A_544, %dma_start3A_545, %dma_start3A_546] : memref<2x8x8x129xf32, #tpu.memory_space<vmem>> -> memref<1x8x8x128xf32, #tpu.memory_space<vmem>>
        %dma_start3A_548 = tpu.memref_squeeze %dma_start3A_547 : memref<1x8x8x128xf32, #tpu.memory_space<vmem>> -> memref<8x8x128xf32, #tpu.memory_space<vmem>>
        tpu.enqueue_dma source(%dma_start3A_548 : memref<8x8x128xf32, #tpu.memory_space<vmem>>) target(%dma_start3A_543 : memref<8x8x128xf32, #tpu.memory_space<hbm>>) target_semaphore(%arg10 : memref<!tpu.dma_semaphore, #tpu.memory_space<semaphore_mem>>)
      }
      %scan3A_308 = arith.constant 50 : i32
      %dma_wait3A = arith.constant 0 : i32
      %dma_wait3A_309 = arith.constant 0 : i32
      %dma_wait3A_310 = arith.constant 0 : i32
      %dma_wait3A_311 = arith.constant 0 : i32
      %dma_wait3A_312 = arith.constant 0 : i32
      %dma_wait3A_313 = tpu.memref_slice %arg8[%dma_wait3A, %dma_wait3A_310, %dma_wait3A_311, %dma_wait3A_312] : memref<2x8x8x129xf32, #tpu.memory_space<vmem>> -> memref<1x8x8x128xf32, #tpu.memory_space<vmem>>
      %dma_wait3A_314 = tpu.memref_squeeze %dma_wait3A_313 : memref<1x8x8x128xf32, #tpu.memory_space<vmem>> -> memref<8x8x128xf32, #tpu.memory_space<vmem>>
      %dma_wait3A_315 = arith.constant 0 : i32
      %dma_wait3A_316 = arith.constant 0 : i32
      %dma_wait3A_317 = arith.constant 0 : i32
      %dma_wait3A_318 = tpu.memref_slice %arg4[%dma_wait3A_309, %dma_wait3A_315, %add3A_259, %dma_wait3A_316, %dma_wait3A_317] : memref<200x8x128x8x128xf32, #tpu.memory_space<hbm>> -> memref<1x8x1x8x128xf32, #tpu.memory_space<hbm>>
      %dma_wait3A_319 = tpu.memref_squeeze %dma_wait3A_318 : memref<1x8x1x8x128xf32, #tpu.memory_space<hbm>> -> memref<8x8x128xf32, #tpu.memory_space<hbm>>
      %dma_wait3A_320 = arith.constant 0 : i32
      %dma_wait3A_321 = arith.constant 0 : i32
      %dma_wait3A_322 = arith.constant 0 : i32
      %dma_wait3A_323 = tpu.memref_slice %arg4[%dma_wait3A_309, %dma_wait3A_320, %add3A_259, %dma_wait3A_321, %dma_wait3A_322] : memref<200x8x128x8x128xf32, #tpu.memory_space<hbm>> -> memref<1x8x1x8x128xf32, #tpu.memory_space<hbm>>
      %dma_wait3A_324 = tpu.memref_squeeze %dma_wait3A_323 : memref<1x8x1x8x128xf32, #tpu.memory_space<hbm>> -> memref<8x8x128xf32, #tpu.memory_space<hbm>>
      %dma_wait3A_325 = arith.constant 0 : i32
      %dma_wait3A_326 = arith.constant 0 : i32
      %dma_wait3A_327 = arith.constant 0 : i32
      %dma_wait3A_328 = tpu.memref_slice %arg8[%dma_wait3A, %dma_wait3A_325, %dma_wait3A_326, %dma_wait3A_327] : memref<2x8x8x129xf32, #tpu.memory_space<vmem>> -> memref<1x8x8x128xf32, #tpu.memory_space<vmem>>
      %dma_wait3A_329 = tpu.memref_squeeze %dma_wait3A_328 : memref<1x8x8x128xf32, #tpu.memory_space<vmem>> -> memref<8x8x128xf32, #tpu.memory_space<vmem>>
      tpu.wait_dma2 semaphore(%arg10 : memref<!tpu.dma_semaphore, #tpu.memory_space<semaphore_mem>>) src(%dma_wait3A_329 : memref<8x8x128xf32, #tpu.memory_space<vmem>>) dst(%dma_wait3A_324 : memref<8x8x128xf32, #tpu.memory_space<hbm>>)
      %dma_wait3A_330 = arith.constant 1 : i32
      %dma_wait3A_331 = arith.constant 0 : i32
      %dma_wait3A_332 = arith.constant 0 : i32
      %dma_wait3A_333 = arith.constant 0 : i32
      %dma_wait3A_334 = arith.constant 0 : i32
      %dma_wait3A_335 = tpu.memref_slice %arg8[%dma_wait3A_330, %dma_wait3A_332, %dma_wait3A_333, %dma_wait3A_334] : memref<2x8x8x129xf32, #tpu.memory_space<vmem>> -> memref<1x8x8x128xf32, #tpu.memory_space<vmem>>
      %dma_wait3A_336 = tpu.memref_squeeze %dma_wait3A_335 : memref<1x8x8x128xf32, #tpu.memory_space<vmem>> -> memref<8x8x128xf32, #tpu.memory_space<vmem>>
      %dma_wait3A_337 = arith.constant 0 : i32
      %dma_wait3A_338 = arith.constant 0 : i32
      %dma_wait3A_339 = arith.constant 0 : i32
      %dma_wait3A_340 = tpu.memref_slice %arg4[%dma_wait3A_331, %dma_wait3A_337, %add3A_259, %dma_wait3A_338, %dma_wait3A_339] : memref<200x8x128x8x128xf32, #tpu.memory_space<hbm>> -> memref<1x8x1x8x128xf32, #tpu.memory_space<hbm>>
      %dma_wait3A_341 = tpu.memref_squeeze %dma_wait3A_340 : memref<1x8x1x8x128xf32, #tpu.memory_space<hbm>> -> memref<8x8x128xf32, #tpu.memory_space<hbm>>
      %dma_wait3A_342 = arith.constant 0 : i32
      %dma_wait3A_343 = arith.constant 0 : i32
      %dma_wait3A_344 = arith.constant 0 : i32
      %dma_wait3A_345 = tpu.memref_slice %arg4[%dma_wait3A_331, %dma_wait3A_342, %add3A_259, %dma_wait3A_343, %dma_wait3A_344] : memref<200x8x128x8x128xf32, #tpu.memory_space<hbm>> -> memref<1x8x1x8x128xf32, #tpu.memory_space<hbm>>
      %dma_wait3A_346 = tpu.memref_squeeze %dma_wait3A_345 : memref<1x8x1x8x128xf32, #tpu.memory_space<hbm>> -> memref<8x8x128xf32, #tpu.memory_space<hbm>>
      %dma_wait3A_347 = arith.constant 0 : i32
      %dma_wait3A_348 = arith.constant 0 : i32
      %dma_wait3A_349 = arith.constant 0 : i32
      %dma_wait3A_350 = tpu.memref_slice %arg8[%dma_wait3A_330, %dma_wait3A_347, %dma_wait3A_348, %dma_wait3A_349] : memref<2x8x8x129xf32, #tpu.memory_space<vmem>> -> memref<1x8x8x128xf32, #tpu.memory_space<vmem>>
      %dma_wait3A_351 = tpu.memref_squeeze %dma_wait3A_350 : memref<1x8x8x128xf32, #tpu.memory_space<vmem>> -> memref<8x8x128xf32, #tpu.memory_space<vmem>>
      tpu.wait_dma2 semaphore(%arg10 : memref<!tpu.dma_semaphore, #tpu.memory_space<semaphore_mem>>) src(%dma_wait3A_351 : memref<8x8x128xf32, #tpu.memory_space<vmem>>) dst(%dma_wait3A_346 : memref<8x8x128xf32, #tpu.memory_space<hbm>>)
    }
    %scan3A_255 = arith.constant 4 : i32
    return
  }
}

</mosaic_0001>

<sc_bundles>
// kernel: kernel.3.cloned.1.call-start
scs
__scs_entry_jumppad:
0x0: {  	(pc) =	sbr.rel $0x88, $3  }
0x1: {  	(tag) =	ssettag $0x0;
	lr =	simm.s32 $0x1  }
0x2: {  	[smem:$0x3F9E] =	sst lr;
	_ =	strace $0xD0000000  }
0x3: {  	_ = 	snop  }
0x4: {  	_ = 	snop  }
0x5: {  	_ = 	snop  }
0x6: {  	_ = 	snop  }
0x7: {  	_ = 	snop  }
__scs_overlays_trampoline_lowered:
0x8: {  	[smem:$0x3FAD] =	sst s0  }
0x9: {  	[smem:$0x3FAE] =	sst s1  }
0xa: {  	[smem:$0x3FAF] =	sst s2  }
0xb: {  	[smem:$0x3FB0] =	sst s3  }
0xc: {  	[smem:$0x3FB1] =	sst s4  }
0xd: {  	[smem:$0x3FB2] =	sst s5  }
0xe: {  	[smem:$0x3FB3] =	sst s6  }
0xf: {  	[smem:$0x3FB4] =	sst s7  }
0x10: {  	[smem:$0x3FB5] =	sst s8  }
0x11: {  	[smem:$0x3FB6] =	sst s9;
	s0 =	simm.s32 @!p0 $0x0  }
0x12: {  	s1 =	sld [smem:$0x3F9C];
	s0 =	simm.s32 @p0 $0x1  }
0x13: {  	[smem:$0x3FB7] =	sst s0;
	s0 =	simm.s32 @!p1 $0x0  }
0x14: {  	s2 =	sld [smem:$0x3F9B];
	s0 =	simm.s32 @p1 $0x1  }
0x15: {  	[smem:$0x3FB8] =	sst s0;
	s0 =	simm.s32 @!p2 $0x0  }
0x16: {  	s3 =	sld [smem:$0x3FDB];
	s0 =	simm.s32 @p2 $0x1  }
0x17: {  	s4 =	simm.s32 $0x1BF5;
	[smem:$0x3FBA] =	sst s0  }
0x18: {  	s0 =	sld [smem:$0x3F9D];
	_ =	swait.ge [sflag:s4], $0x0  }
0x19: {  	s7 =	sld [smem:$0x3F9E]  }
0x1a: {  	s8 =	sadd.s32 $0xFFFFE003, lr  }
0x1b: {  	s9 =	sadd.s32 $0xFFFFFEF7, lr;
	s5 =	simm.s32 $0xFFFFFFFF;
	p2 =	slt.u32 s8, $0xFFFFF086  }
0x1c: {  	p1 =	slt.u32 s9, $0xF7A;
	s5 =	simm.s32 @!p2 $0x0  }
0x1d: {  	s5 =	simm.s32 @p1 $0x1;
	p0 =	seq.s32 s7, s2  }
0x1e: {  	s7 =	smul.u32 @!p0 $0xF7A, s2;
	p2 =	seq.s32 @!p0 s5, $0x0  }
0x1f: {  	s9 =	smul.u32 $0xF7A, s1;
	s8 =	simm.s32 @!p0 $0x1BF5;
	p2 =	por !p2, p0  }
0x20: {  	[sflag:s8] =	ssyncset.s32 @!p0 $0xFFFFF086;
	s6 =	sadd.s32 @!p0 s3, s7;
	s7 =	simm.s32 @!p0 $0x108  }
0x21: {  	s3 =	sadd.s32 s3, s9;
	s6 =	sadd.s32 @!p0 $0x88, s6;
	s7 =	simm.s32 @p2 $0x1082  }
0x22: {  	[simem:s7], [sflag:s8] =	dma.local @!p0 [hbm:s6], $0xF7A  }
0x23: {  	s9 =	sor.u32 $0xD0000000, s2;
	s6 =	simm.s32 $0x108;
	_ =	swait.ge @!p0 [sflag:s8], $0x0  }
0x24: {  	s3 =	sadd.s32 $0x88, s3;
	s6 =	simm.s32 @!p1 $0x1082;
	[sflag:s4] =	ssyncset.s32 $0xFFFFF086  }
0x25: {  	[simem:s6], [sflag:s4] =	dma.local [hbm:s3], $0xF7A  }
0x26: {  	[smem:$0x3F9E] =	sst s1;
	(tag) =	ssettag s2;
	_ =	strace s9  }
0x27: {  	s1 =	sld [smem:$0x3FAE]  }
0x28: {  	s2 =	sld [smem:$0x3FAF]  }
0x29: {  	s4 =	sld [smem:$0x3FB1]  }
0x2a: {  	p0 =	seq.s32 s5, $0x0;
	s5 =	sld [smem:$0x3FB2]  }
0x2b: {  	s6 =	sld [smem:$0x3FB3]  }
0x2c: {  	s7 =	sld [smem:$0x3FB4]  }
0x2d: {  	s3 =	simm.s32 $0x108;
	s8 =	sld [smem:$0x3FB5]  }
0x2e: {  	s3 =	simm.s32 @!p0 $0x1082;
	s9 =	sld [smem:$0x3FB6]  }
0x2f: {  	lr =	sadd.s32 s0, s3;
	s0 =	sld [smem:$0x3FAD]  }
0x30: {  	s3 =	sld [smem:$0x3FB0]  }
0x31: {  	[smem:$0x3FB9] =	sst s10  }
0x32: {  	s10 =	sld [smem:$0x3FB7];
	_ =	sdelay $0x3  }
0x33: {  	p0 =	seq.s32 s10, $0x1;
	s10 =	sld [smem:$0x3FB9];
	_ =	sdelay $0x3  }
0x34: {  	[smem:$0x3FB9] =	sst s10  }
0x35: {  	s10 =	sld [smem:$0x3FB8];
	_ =	sdelay $0x3  }
0x36: {  	p1 =	seq.s32 s10, $0x1;
	s10 =	sld [smem:$0x3FB9];
	_ =	sdelay $0x3  }
0x37: {  	[smem:$0x3FB9] =	sst s10  }
0x38: {  	s10 =	sld [smem:$0x3FBA]  }
0x39: {  	_ = 	snop;
	(pc) =	sbr.ind lr, $3  }
0x3a: {  	_ = 	snop  }
0x3b: {  	_ = 	snop  }
0x3c: {  	p2 =	seq.s32 s10, $0x1;
	s10 =	sld [smem:$0x3FB9]  }
0x3d: {  	_ =	shalt  }
0x3e: {  	_ =	shalt  }
0x3f: {  	_ =	shalt  }
0x40: {  	_ =	shalt  }
0x41: {  	_ =	shalt  }
0x42: {  	_ =	shalt  }
0x43: {  	_ =	shalt  }
0x44: {  	_ =	shalt  }
0x45: {  	_ =	shalt  }
0x46: {  	_ =	shalt  }
0x47: {  	_ =	shalt  }
0x48: {  	_ =	shalt  }
0x49: {  	_ =	shalt  }
0x4a: {  	_ =	shalt  }
0x4b: {  	_ =	shalt  }
0x4c: {  	_ =	shalt  }
0x4d: {  	_ =	shalt  }
0x4e: {  	_ =	shalt  }
0x4f: {  	_ =	shalt  }
0x50: {  	_ =	shalt  }
0x51: {  	_ =	shalt  }
0x52: {  	_ =	shalt  }
0x53: {  	_ =	shalt  }
0x54: {  	_ =	shalt  }
0x55: {  	_ =	shalt  }
0x56: {  	_ =	shalt  }
0x57: {  	_ =	shalt  }
0x58: {  	_ =	shalt  }
0x59: {  	_ =	shalt  }
0x5a: {  	_ =	shalt  }
0x5b: {  	_ =	shalt  }
0x5c: {  	_ =	shalt  }
0x5d: {  	_ =	shalt  }
0x5e: {  	_ =	shalt  }
0x5f: {  	_ =	shalt  }
0x60: {  	_ =	shalt  }
0x61: {  	_ =	shalt  }
0x62: {  	_ =	shalt  }
0x63: {  	_ =	shalt  }
0x64: {  	_ =	shalt  }
0x65: {  	_ =	shalt  }
0x66: {  	_ =	shalt  }
0x67: {  	_ =	shalt  }
0x68: {  	_ =	shalt  }
0x69: {  	_ =	shalt  }
0x6a: {  	_ =	shalt  }
0x6b: {  	_ =	shalt  }
0x6c: {  	_ =	shalt  }
0x6d: {  	_ =	shalt  }
0x6e: {  	_ =	shalt  }
0x6f: {  	_ =	shalt  }
0x70: {  	_ =	shalt  }
0x71: {  	_ =	shalt  }
0x72: {  	_ =	shalt  }
0x73: {  	_ =	shalt  }
0x74: {  	_ =	shalt  }
0x75: {  	_ =	shalt  }
0x76: {  	_ =	shalt  }
0x77: {  	_ =	shalt  }
0x78: {  	_ =	shalt  }
0x79: {  	_ =	shalt  }
0x7a: {  	_ =	shalt  }
0x7b: {  	_ =	shalt  }
0x7c: {  	_ =	shalt  }
0x7d: {  	_ =	shalt  }
0x7e: {  	_ =	shalt  }
0x7f: {  	_ =	shalt  }
0x80: {  	_ =	shalt  }
0x81: {  	_ =	shalt  }
0x82: {  	_ =	shalt  }
0x83: {  	_ =	shalt  }
0x84: {  	_ =	shalt  }
0x85: {  	_ =	shalt  }
0x86: {  	_ =	shalt  }
0x87: {  	_ =	shalt  }
.Lfunc_end0:
.L_simem_size_0:
called_computation_lowered:
.L_overlay_start_0:
0x88: {  	s2 =	sld [smem:$0x3FD9]  }
0x89: {  	s3 =	sld [smem:$0x3FFE];
	_ =	sdelay $0x1  }
0x8a: {  	s1 =	srdreg.scid  }
0x8b: {  	s0 =	sand.u32 $0x1, s1  }
0x8c: {  	s17 =	sshll.u32 s0, $0xA;
	s2 =	sadd.s32 s3, s2  }
0x8d: {  	s2 =	sadd.s32 s2, s17  }
0x8e: {  	[smem:$0x3FC5] =	sst s2  }
0x8f: {  	_ = 	snop  }
0x90: {  	s2 =	sld [smem:$0x3FD0];
	(tm) =	ssettm $0x1  }
0x91: {  	s18 =	sld [smem:$0x3FFB];
	_ =	sdelay $0x3  }
0x92: {  	_ =	strace s18  }
0x93: {  	s3 =	sld [smem:$0x3FFC];
	_ =	sdelay $0x3  }
0x94: {  	_ =	strace s3  }
0x95: {  	s3 =	sld [smem:$0x3FFD];
	_ =	sdelay $0x3  }
0x96: {  	_ =	strace s3  }
0x97: {  	_ =	strace $0x8FFFFFFF  }
0x98: {  	s19 =	sld [smem:$0x3FDB];
	_ =	sdelay $0x1  }
0x99: {  	s4 =	simm.s32 $_scs_section_size  }
0x9a: {  	s5 =	simm.s32 $_size__tile_overlayer_lowered;
	s6 =	simm.s32 $_tile_overlayer_lowered  }
0x9b: {  	s22 =	simm.s32 $0x1BFF;
	s21 =	sshll.u32 s6, $0x1;
	s3 =	sadd.s32 s4, s19  }
0x9c: {  	s7 =	simm.s32 $0x0;
	s20 =	sshll.u32 s5, $0x1;
	s5 =	sadd.s32 s21, s3  }
0x9d: {  	[timem:s7], [sflag:s22] =	dma.local [hbm:s5], s20  }
0x9e: {  	_ =	swait.ge [sflag:s22], s20  }
0x9f: {  	s4 =	ssub.s32 $0x0, s20;
	[sflag:s22] =	ssyncset.done $0x0  }
0xa0: {  	[sflag:s22] =	ssyncadd.s32 s4;
	_ =	sdelay $0x1  }
0xa1: {  	s23 =	simm.s32 $0x1B8B  }
0xa2: {  	_ =	swait.ge [sflag:s23], $0x1  }
0xa3: {  	[sflag:s23] =	ssyncset.done $0x0  }
0xa4: {  	s25 =	simm.s32 $0x1B8E;
	s24 =	sld [smem:$0x3FFE];
	[sflag:s23] =	ssyncadd.s32 $0xFFFFFFFF  }
0xa5: {  	s26 =	simm.s32 $execute0_lowered;
	[smem:$0x3FD2] =	sst s25  }
0xa6: {  	s5 =	sshll.u32 s26, $0x1;
	_ =	strace $0x80000046;
	[dreg:$0x1] =	wrdreg $0xFFFFFFFF  }
0xa7: {  	s28 =	simm.s32 $_size_execute0_lowered;
	s3 =	sadd.s32 s3, s5;
	[dreg:$0x0] =	wrdreg $0x0  }
0xa8: {  	s5 =	sshll.u32 s28, $0x1;
	[dreg:$0x2] =	wrdreg s3  }
0xa9: {  	[dreg:$0x3] =	wrdreg s5  }
0xaa: {  	[dreg:$0x4] =	wrdreg $0xC0  }
0xab: {  	_ =	task [dreg:s7], $0x5FFFF  }
0xac: {  	[dreg:$0x1] =	wrdreg $0xFFFFFFFF  }
0xad: {  	[dreg:$0x0] =	wrdreg $0x60  }
0xae: {  	[dreg:$0x2] =	wrdreg s24  }
0xaf: {  	[dreg:$0x3] =	wrdreg s2  }
0xb0: {  	[dreg:$0x4] =	wrdreg $0x9  }
0xb1: {  	_ =	task.clear_ibuf [dreg:s7], $0x5FFFF;
	_ =	strace $0x90000046  }
0xb2: {  	s29 =	simm.s32 $0x9;
	_ =	strace $0x80000048  }
0xb3: {  	_ =	swait.ge [sflag:s29], $0x1  }
0xb4: {  	[sflag:s29] =	ssyncadd.s32 $0xFFFFFFFF  }
0xb5: {  	_ =	strace $0x90000048  }
0xb6: {  	_ =	sfence  }
0xb7: {  	s30 =	sld [smem:$0x0];
	_ =	sdelay $0x2  }
0xb8: {  	s31 =	sshll.u32 s1, $0xD;
	s1 =	sshrl.u32 s1, $0x2  }
0xb9: {  	s3 =	sand.u32 $0x4000, s31;
	s1 =	sadd.s32 s1, s30  }
0xba: {  	s0 =	sor.u32 s3, s0;
	s1 =	sshll.u32 s1, $0x11  }
0xbb: {  	s0 =	sor.u32 s1, s0  }
0xbc: {  	s0 =	sadd.s32 $0x8F2B, s0  }
0xbd: {  	[sflag:s0] =	ssyncadd.remote.s32 $0x1  }
0xbe: {  	_ =	sfence.sel $0xFFFF  }
0xbf: {  	[dreg:$0x0] =	wrdreg $0xFFFFFFFF;
	(pc) =	sbr.abs _section_cstart, $3  }
0xc0: {  	[dreg:$0x1] =	wrdreg $0xFFFFFFFF  }
0xc1: {  	_ =	task.clear_ibuf [dreg:s7], $0x2FFFF;
	_ =	strace $0x9FFFFFFF  }
0xc2: {  	(tm) =	ssettm $0x7FFFFFFF  }
0xc3: {  	_ =	shalt  }
tec
execute0_lowered:
.L_overlay_start_1:
0x0: {  	(tag) =	ssettag $0x1  }
0x1: {  	v4 =	vlaneseq.u32  }
0x2: {  	v1 =	vimm.s32 $0x0;
	vm0 =	vcmask $0x300;
	v0 =	vmul.u32 $0xC8, v4  }
0x3: {  	v1 =	vsel vm0, $0x3, v1  }
0x4: {  	v4 =	vmul.u32 $0x88, v4;
	v2 =	vor.u32 $0x1, v0;
	v3 =	vor.u32 $0x2, v0  }
0x5: {  	v5 =	vor.u32 $0x3, v0;
	v6 =	vor.u32 $0x4, v0;
	v7 =	vor.u32 $0x5, v0  }
0x6: {  	s0 =	rddreg [dreg:$0x0];
	v8 =	vor.u32 $0x6, v0;
	v9 =	vor.u32 $0x7, v0;
	v10 =	vadd.s32 $0x880, v4  }
0x7: {  	s1 =	rddreg [dreg:$0x1];
	s2 =	simm.s32 $0x0;
	s3 =	srdreg.scid;
	v11 =	vadd.s32 $0x1100, v4;
	v12 =	vadd.s32 $0x1980, v4;
	v13 =	vor.u32 $0x1, v4  }
0x8: {  	s4 =	stileid.u32;
	[smem:$0x7FF] =	sst s2;
	v14 =	vadd.s32 $0x881, v4;
	v15 =	vadd.s32 $0x1101, v4;
	v16 =	vadd.s32 $0x1981, v4  }
0x9: {  	s8 =	simm.s32 $0x6400;
	s9 =	simm.s32 $0x3;
	_ =	strace $0x80000047;
	v17 =	vor.u32 $0x2, v4;
	v18 =	vadd.s32 $0x882, v4;
	v19 =	vadd.s32 $0x1102, v4;
	[tilespmem:$0x1FF80] =	vst v0  }
0xa: {  	s10 =	simm.s32 $0x80;
	s11 =	simm.s32 $0x7080;
	s12 =	simm.s32 $0x9080;
	v20 =	vadd.s32 $0x1982, v4;
	v21 =	vor.u32 $0x3, v4;
	v22 =	vadd.s32 $0x883, v4;
	[tilespmem:$0x1FF90] =	vst v2  }
0xb: {  	s13 =	simm.s32 $0x100;
	s14 =	simm.s32 $0xB080;
	s15 =	simm.s32 $0xD080;
	v23 =	vadd.s32 $0x1103, v4;
	v24 =	vadd.s32 $0x1983, v4;
	v25 =	vor.u32 $0x4, v4;
	[tilespmem:$0x1FFA0] =	vst v3  }
0xc: {  	s16 =	simm.s32 $0x1;
	s17 =	simm.s32 $0xF080;
	s6 =	sand.u32 $0x1, s3;
	v26 =	vadd.s32 $0x884, v4;
	v27 =	vadd.s32 $0x1104, v4;
	v28 =	vadd.s32 $0x1984, v4;
	[tilespmem:$0x1FFB0] =	vst v5  }
0xd: {  	s18 =	simm.s32 $0x11280;
	s19 =	simm.s32 $0x2;
	s7 =	ssub.s32 $0x2, s6;
	v29 =	vor.u32 $0x5, v4;
	v30 =	vadd.s32 $0x885, v4;
	v31 =	vadd.s32 $0x1105, v4;
	[tilespmem:$0x1FFC0] =	vst v6  }
0xe: {  	s3 =	sadd.s32 $0x2600, s0;
	s5 =	sadd.s32 $0x807800, s0;
	s30 =	sshrl.u32 s7, $0x1;
	v32 =	vadd.s32 $0x1985, v4;
	v33 =	vor.u32 $0x6, v4;
	v34 =	vadd.s32 $0x886, v4;
	[tilespmem:$0x1FFD0] =	vst v7  }
0xf: {  	s31 =	sshll.u32 s4, $0x3;
	s6 =	sshll.u32 s6, $0x2;
	v35 =	vadd.s32 $0x1106, v4;
	v36 =	vadd.s32 $0x1986, v4;
	v37 =	vor.u32 $0x7, v4;
	s0 =	ssub.s32 s7, s30;
	[tilespmem:$0x1FFE0] =	vst v8  }
0x10: {  	s20 =	simm.s32 $0x0;
	s6 =	sor.u32 s6, s31;
	v38 =	vadd.s32 $0x887, v4;
	v39 =	vadd.s32 $0x1107, v4;
	v40 =	vadd.s32 $0x1987, v4;
	[tilespmem:$0x1FFF0] =	vst v9;
	s7 =	smax.u32 s0, $0x1  }
.LBB2_1:
0x11: {  	s21 =	simm.s32 $0x0  }
.LBB2_2:
0x12: {  	s23 =	sadd.s32 s6, s21;
	s24 =	simm.s32 $0x0  }
0x13: {  	s25 =	simm.s32 $0x200;
	s26 =	simm.s32 $0x0;
	s22 =	sshll.u32 s23, $0x7  }
.LBB2_3:
0x14: {  	v41 =	vmov s24;
	s0 =	simm.s32 $0x1;
	s28 =	simm.s32 $0x2  }
0x15: {  	s4 =	simm.s32 $0x3;
	s29 =	simm.s32 $0x4;
	s30 =	simm.s32 $0x5;
	v41 =	vshrl.u32 v41, $0x3;
	v42 =	vmov s0;
	v43 =	vmov s28  }
0x16: {  	v44 =	vmov s4;
	v45 =	vmov s29;
	s4 =	simm.s32 $0x6;
	s28 =	simm.s32 $0x7;
	v46 =	vmov s30  }
0x17: {  	v47 =	vmov s4;
	v48 =	vmov s28;
	v42 =	vshrl.u32 v42, $0x3  }
0x18: {  	s29 =	simm.s32 $0xC;
	v43 =	vshrl.u32 v43, $0x3;
	v44 =	vshrl.u32 v44, $0x3;
	v45 =	vshrl.u32 v45, $0x3  }
0x19: {  	s30 =	simm.s32 $0xD;
	v46 =	vshrl.u32 v46, $0x3;
	v41 =	vshll.u32 v41, v1;
	v53 =	vmov s29  }
0x1a: {  	v54 =	vmov s30;
	v48 =	vshrl.u32 v48, $0x3;
	v42 =	vshll.u32 v42, v1  }
0x1b: {  	v43 =	vshll.u32 v43, v1;
	v47 =	vshrl.u32 v47, $0x3;
	v44 =	vshll.u32 v44, v1  }
0x1c: {  	s4 =	sshll.u32 s26, $0x4;
	s28 =	simm.s32 $0xA;
	v45 =	vshll.u32 v45, v1;
	v46 =	vshll.u32 v46, v1;
	v41 =	vbroadcast v41, $0x0  }
0x1d: {  	s0 =	sadd.s32 s22, s4;
	v51 =	vmov s28;
	v53 =	vshrl.u32 v53, $0x3;
	v42 =	vbroadcast v42, $0x0  }
0x1e: {  	v54 =	vshrl.u32 v54, $0x3;
	s0 =	smul.u32 $0x19, s0;
	v43 =	vbroadcast v43, $0x0;
	v44 =	vbroadcast v44, $0x0  }
0x1f: {  	s4 =	simm.s32 $0x8;
	v48 =	vshll.u32 v48, v1;
	v45 =	vbroadcast v45, $0x0;
	v46 =	vbroadcast v46, $0x0  }
0x20: {  	s28 =	simm.s32 $0xE;
	v47 =	vshll.u32 v47, v1;
	v49 =	vmov s4;
	v42 =	vadd.s32 v2, v42;
	s0 =	sadd.s32 s3, s0  }
0x21: {  	v56 =	vmov s28;
	v51 =	vshrl.u32 v51, $0x3;
	v43 =	vadd.s32 v3, v43;
	[tilespmem:s8], [sflag:$0x3] =	stream.linear.gather [hbm4b:s0+s24], $0xC80, $0x38;
	[tilespmem:$0x13480] =	vst v63  }
0x22: {  	s4 =	simm.s32 $0x9;
	v62 =	vshll.u32 v53, v1;
	v48 =	vbroadcast v48, $0x0;
	v44 =	vadd.s32 v5, v44;
	_ =	swait.ge [sflag:s9], $0xC80  }
0x23: {  	v47 =	vbroadcast v47, $0x0;
	v50 =	vmov s4;
	s4 =	simm.s32 $0xB;
	v46 =	vadd.s32 v7, v46;
	[sflag:s9] =	ssyncset.done $0x0  }
0x24: {  	v41 =	vadd.s32 v0, v41;
	v45 =	vadd.s32 v6, v45;
	v52 =	vmov s4;
	s4 =	simm.s32 $0xF;
	[sflag:s9] =	ssyncadd.s32 $0xFFFFF380  }
0x25: {  	v50 =	vshrl.u32 v50, $0x3;
	v47 =	vadd.s32 v8, v47;
	v55 =	vmov s4;
	v42 =	vld.idx.msk [tilespmem:v42+s8+$0x0], $0xffff  }
0x26: {  	v48 =	vadd.s32 v9, v48;
	v50 =	vshll.u32 v50, v1;
	v55 =	vshrl.u32 v55, $0x3;
	v43 =	vld.idx.msk [tilespmem:v43+s8+$0x0], $0xffff  }
0x27: {  	v52 =	vshrl.u32 v52, $0x3;
	v50 =	vbroadcast v50, $0x0;
	v55 =	vshll.u32 v55, v1;
	v44 =	vld.idx.msk [tilespmem:v44+s8+$0x0], $0xffff  }
0x28: {  	v51 =	vshll.u32 v51, v1;
	v60 =	vshll.u32 v52, v1;
	v55 =	vbroadcast v55, $0x0;
	v46 =	vld.idx.msk [tilespmem:v46+s8+$0x0], $0xffff  }
0x29: {  	v59 =	vbroadcast v51, $0x0;
	v61 =	vbroadcast v60, $0x0;
	v50 =	vadd.s32 v2, v50;
	v45 =	vld.idx.msk [tilespmem:v45+s8+$0x0], $0xffff  }
0x2a: {  	v58 =	vshll.u32 v54, v1;
	v63 =	vshrl.u32 v56, $0x3;
	v52 =	vadd.s32 v9, v55;
	v47 =	vld.idx.msk [tilespmem:v47+s8+$0x0], $0xffff;
	[tilespmem:s25+$0xFFFFFE80] =	vst v42  }
0x2b: {  	v57 =	vbroadcast v62, $0x0;
	v48 =	vld.idx.msk [tilespmem:v48+s8+$0x0], $0xffff;
	v55 =	vadd.s32 v3, v59;
	v59 =	vadd.s32 v5, v61;
	[tilespmem:s25+$0xFFFFFF00] =	vst v43  }
0x2c: {  	v49 =	vshrl.u32 v49, $0x3;
	v60 =	vshll.u32 v63, v1;
	v41 =	vld.idx.msk [tilespmem:v41+s8+$0x0], $0xffff;
	[tilespmem:s25+$0xFFFFFF80] =	vst v44;
	v44 =	vbroadcast v58, $0x0  }
0x2d: {  	v62 =	vbroadcast v60, $0x0;
	v61 =	vshll.u32 v49, v1;
	[tilespmem:s25+$0x80] =	vst v46;
	v46 =	vadd.s32 v6, v57  }
0x2e: {  	s4 =	simm.s32 $0x10;
	v49 =	vbroadcast v61, $0x0;
	[tilespmem:s25+$0x0] =	vst v45;
	v43 =	vld.idx.msk [tilespmem:v50+s8+$0x0], $0xffff;
	v45 =	vadd.s32 v7, v44  }
0x2f: {  	s31 =	simm.s32 $0x16;
	s28 =	simm.s32 $0x12;
	v63 =	vmov s4;
	s4 =	simm.s32 $0x11;
	v42 =	vld.idx.msk [tilespmem:v52+s8+$0x0], $0xffff;
	[tilespmem:s25+$0x100] =	vst v47;
	v47 =	vadd.s32 v8, v62  }
0x30: {  	s29 =	simm.s32 $0x14;
	s30 =	simm.s32 $0x15;
	v53 =	vmov s28;
	v50 =	vmov s4;
	s4 =	simm.s32 $0x13;
	[tilespmem:s25+$0x180] =	vst v48;
	v48 =	vadd.s32 v0, v49;
	v49 =	vld.idx.msk [tilespmem:v59+s8+$0x0], $0xffff  }
0x31: {  	s28 =	smov.u32 s25;
	s0 =	simm.s32 $0x17;
	[tilespmem:s25+$0xFFFFFE00] =	vst v41;
	v41 =	vshrl.u32 v63, $0x3;
	v51 =	vmov s4;
	v52 =	vmov s29;
	s29 =	simm.s32 $0x18;
	v44 =	vld.idx.msk [tilespmem:v55+s8+$0x0], $0xffff  }
.LBB2_4:
0x32: {  	p0 =	slt.u32 s29, $0xC0;
	v54 =	vmov s30;
	v55 =	vmov s31;
	v56 =	vmov s0;
	v46 =	vld.idx.msk [tilespmem:v46+s8+$0x0], $0xffff  }
0x33: {  	v50 =	vshrl.u32 v50, $0x3;
	v53 =	vshrl.u32 v53, $0x3;
	s28 =	sadd.s32 $0x400, s28;
	v56 =	vshrl.u32 v56, $0x3;
	v45 =	vld.idx.msk [tilespmem:v45+s8+$0x0], $0xffff  }
0x34: {  	v51 =	vshrl.u32 v51, $0x3;
	v52 =	vshrl.u32 v52, $0x3;
	v56 =	vshll.u32 v56, v1;
	v47 =	vld.idx.msk [tilespmem:v47+s8+$0x0], $0xffff;
	[tilespmem:s28+$0x180] =	vst v42  }
0x35: {  	v42 =	vshll.u32 v50, v1;
	v50 =	vshrl.u32 v54, $0x3;
	v54 =	vbroadcast v56, $0x0;
	v48 =	vld.idx.msk [tilespmem:v48+s8+$0x0], $0xffff;
	[tilespmem:s28+$0xFFFFFE80] =	vst v43  }
0x36: {  	v42 =	vbroadcast v42, $0x0;
	v43 =	vshll.u32 v53, v1;
	v53 =	vshrl.u32 v55, $0x3;
	[tilespmem:s28+$0xFFFFFF00] =	vst v44  }
0x37: {  	v43 =	vbroadcast v43, $0x0;
	v44 =	vshll.u32 v51, v1;
	v51 =	vadd.s32 v9, v54;
	[tilespmem:s28+$0xFFFFFF80] =	vst v49  }
0x38: {  	v49 =	vadd.s32 v2, v42;
	v42 =	vbroadcast v44, $0x0;
	v44 =	vshll.u32 v52, v1;
	[tilespmem:s28+$0x0] =	vst v46  }
0x39: {  	v52 =	vadd.s32 v3, v43;
	v43 =	vbroadcast v44, $0x0;
	v44 =	vshll.u32 v50, v1;
	[tilespmem:s28+$0x80] =	vst v45  }
0x3a: {  	v54 =	vadd.s32 v5, v42;
	v42 =	vbroadcast v44, $0x0;
	v44 =	vshll.u32 v53, v1;
	[tilespmem:s28+$0x100] =	vst v47  }
.Ltmp0:
0x3b: {  	v41 =	vshll.u32 v41, v1;
	v46 =	vadd.s32 v6, v43;
	v44 =	vbroadcast v44, $0x0;
	[tilespmem:s28+$0xFFFFFE00] =	vst v48;
	(pc) =	sbr.rel @p0 .LBB2_4-.Ltmp0, $4  }
0x3c: {  	v48 =	vbroadcast v41, $0x0;
	v45 =	vadd.s32 v7, v42;
	v42 =	vld.idx.msk [tilespmem:v51+s8+$0x0], $0xffff  }
0x3d: {  	s0 =	sadd.s32 $0x1, s29;
	s31 =	sadd.s32 $0x2, s29;
	v41 =	vmov s29;
	v47 =	vadd.s32 v8, v44;
	v43 =	vld.idx.msk [tilespmem:v49+s8+$0x0], $0xffff  }
0x3e: {  	s4 =	sadd.s32 $0x4, s29;
	s30 =	sadd.s32 $0x5, s29;
	v50 =	vmov s0;
	s0 =	sadd.s32 $0x3, s29;
	v41 =	vshrl.u32 v41, $0x3;
	v48 =	vadd.s32 v0, v48;
	v44 =	vld.idx.msk [tilespmem:v52+s8+$0x0], $0xffff  }
0x3f: {  	v53 =	vmov s31;
	s31 =	sadd.s32 $0x6, s29;
	v51 =	vmov s0;
	s0 =	sadd.s32 $0x7, s29;
	s29 =	sadd.s32 $0x8, s29;
	v52 =	vmov s4;
	v49 =	vld.idx.msk [tilespmem:v54+s8+$0x0], $0xffff  }
0x40: {  	v54 =	vmov s30;
	v55 =	vmov s31;
	v56 =	vmov s0  }
0x41: {  	v50 =	vshrl.u32 v50, $0x3;
	v53 =	vshrl.u32 v53, $0x3;
	v51 =	vshrl.u32 v51, $0x3  }
0x42: {  	v52 =	vshrl.u32 v52, $0x3;
	v41 =	vshll.u32 v41, v1;
	v56 =	vshrl.u32 v56, $0x3  }
0x43: {  	v50 =	vshll.u32 v50, v1;
	v54 =	vshrl.u32 v54, $0x3;
	v41 =	vbroadcast v41, $0x0  }
0x44: {  	v53 =	vshll.u32 v53, v1;
	v55 =	vshrl.u32 v55, $0x3;
	v50 =	vbroadcast v50, $0x0  }
0x45: {  	v51 =	vshll.u32 v51, v1;
	v53 =	vbroadcast v53, $0x0;
	v41 =	vadd.s32 v0, v41  }
0x46: {  	v46 =	vld.idx.msk [tilespmem:v46+s8+$0x0], $0xffff;
	s31 =	sadd.s32 $0x400, s28;
	v52 =	vshll.u32 v52, v1;
	v51 =	vbroadcast v51, $0x0;
	v50 =	vadd.s32 v2, v50  }
0x47: {  	v45 =	vld.idx.msk [tilespmem:v45+s8+$0x0], $0xffff;
	[tilespmem:s31+$0x180] =	vst v42;
	v56 =	vshll.u32 v56, v1;
	v52 =	vbroadcast v52, $0x0;
	v42 =	vadd.s32 v3, v53  }
0x48: {  	v47 =	vld.idx.msk [tilespmem:v47+s8+$0x0], $0xffff;
	v60 =	vshll.u32 v54, v1;
	[tilespmem:s31+$0xFFFFFE80] =	vst v43;
	v56 =	vbroadcast v56, $0x0;
	v43 =	vadd.s32 v5, v51  }
0x49: {  	v48 =	vld.idx.msk [tilespmem:v48+s8+$0x0], $0xffff;
	v62 =	vshll.u32 v55, v1;
	v61 =	vbroadcast v60, $0x0;
	[tilespmem:s31+$0xFFFFFF00] =	vst v44;
	v63 =	vadd.s32 v6, v52  }
0x4a: {  	v57 =	vbroadcast v62, $0x0;
	[tilespmem:s31+$0xFFFFFF80] =	vst v49;
	v56 =	vadd.s32 v9, v56;
	v41 =	vld.idx.msk [tilespmem:v41+s8+$0x0], $0xffff  }
0x4b: {  	v58 =	vadd.s32 v7, v61;
	[tilespmem:s31+$0x0] =	vst v46;
	v60 =	vld.idx.msk [tilespmem:v50+s8+$0x0], $0xffff  }
0x4c: {  	v61 =	vadd.s32 v8, v57;
	[tilespmem:s31+$0x80] =	vst v45;
	v42 =	vld.idx.msk [tilespmem:v42+s8+$0x0], $0xffff  }
0x4d: {  	[tilespmem:s31+$0x100] =	vst v47;
	v43 =	vld.idx.msk [tilespmem:v43+s8+$0x0], $0xffff  }
0x4e: {  	s0 =	sadd.s32 $0x400, s31;
	[tilespmem:s31+$0xFFFFFE00] =	vst v48;
	v44 =	vld.idx.msk [tilespmem:v63+s8+$0x0], $0xffff  }
0x4f: {  	v59 =	vld.idx.msk [tilespmem:v56+s8+$0x0], $0xffff;
	[tilespmem:s0+$0xFFFFFE00] =	vst v41  }
0x50: {  	s26 =	sadd.s32 $0x1, s26;
	v62 =	vld.idx.msk [tilespmem:v58+s8+$0x0], $0xffff;
	[tilespmem:s0+$0xFFFFFE80] =	vst v60  }
0x51: {  	p0 =	sne.s32 s26, $0x8;
	v63 =	vld.idx.msk [tilespmem:v61+s8+$0x0], $0xffff;
	[tilespmem:s0+$0xFFFFFF00] =	vst v42  }
.Ltmp1:
0x52: {  	[tilespmem:s0+$0xFFFFFF80] =	vst v43;
	(pc) =	sbr.rel @p0 .LBB2_3-.Ltmp1, $4  }
0x53: {  	[tilespmem:s0+$0x0] =	vst v44  }
0x54: {  	[tilespmem:s0+$0x180] =	vst v59  }
0x55: {  	[tilespmem:s0+$0x80] =	vst v62  }
0x56: {  	s25 =	sadd.s32 $0x10, s25;
	[tilespmem:s0+$0x100] =	vst v63  }
0x57: {  	s22 =	simm.s32 $0x0  }
0x58: {  	[tilespmem:s11], [sflag:$0x1] =	stream.indirect.gather [hbm4b:s5+s10], $0x40, s22, s10, $0xb8;
	[tilespmem:$0x13480] =	vst v63  }
0x59: {  	_ = 	snop  }
0x5a: {  	[tilespmem:s12], [sflag:$0x1] =	stream.indirect.gather [hbm4b:s5+s10], $0x40, s10, s10, $0xb8;
	[tilespmem:$0x13480] =	vst v63  }
0x5b: {  	s23 =	sshll.u32 s23, $0xA;
	s24 =	simm.s32 $0x0  }
0x5c: {  	[tilespmem:s14], [sflag:$0x1] =	stream.indirect.gather [hbm4b:s5+s10], $0x40, s13, s10, $0xb8;
	[tilespmem:$0x13480] =	vst v63  }
.LBB2_7:
0x5d: {  	s0 =	sshll.u32 s24, $0x9  }
0x5e: {  	s26 =	simm.s32 $0x1;
	s4 =	simm.s32 $0x2;
	s25 =	sand.u32 $0x3FFFFE00, s0  }
0x5f: {  	v41 =	vmov s22;
	s31 =	simm.s32 $0x3;
	v43 =	vmov s4;
	s4 =	simm.s32 $0x4;
	s0 =	sor.u32 $0x180, s25  }
0x60: {  	v41 =	vshrl.u32 v41, $0x3;
	[tilespmem:s15], [sflag:$0x1] =	stream.indirect.gather [hbm4b:s5+s10], $0x40, s0, s10, $0xb8;
	[tilespmem:$0x13480] =	vst v63  }
0x61: {  	v42 =	vmov s26;
	s26 =	simm.s32 $0x7;
	v44 =	vmov s31;
	s31 =	simm.s32 $0x5;
	v45 =	vmov s4;
	_ =	swait.ge [sflag:s16], $0x2000  }
0x62: {  	p0 =	seq.s32 s24, $0x0;
	v46 =	vmov s26;
	v47 =	vmov s31;
	v41 =	vshll.u32 v41, v1;
	[sflag:s16] =	ssyncset.done $0x0  }
0x63: {  	s4 =	simm.s32 @!p0 $0x2;
	s26 =	simm.s32 $0x6;
	v42 =	vshrl.u32 v42, $0x3;
	v43 =	vshrl.u32 v43, $0x3;
	v46 =	vshrl.u32 v46, $0x3;
	[sflag:s16] =	ssyncadd.s32 $0xFFFFE000  }
0x64: {  	v44 =	vshrl.u32 v44, $0x3;
	v48 =	vmov s26;
	v46 =	vshll.u32 v46, v1;
	_ =	swait.ge @!p0 [sflag:s4], $0x2000  }
0x65: {  	v45 =	vshrl.u32 v45, $0x3;
	v41 =	vbroadcast v41, $0x0;
	v46 =	vbroadcast v46, $0x0;
	[sflag:s4] =	ssyncset.done @!p0 $0x0  }
0x66: {  	s28 =	simm.s32 $0x7180;
	v42 =	vshll.u32 v42, v1;
	v59 =	vshll.u32 v43, v1;
	v60 =	vshll.u32 v44, v1;
	[sflag:s4] =	ssyncadd.s32 @!p0 $0xFFFFE000  }
0x67: {  	v63 =	vshrl.u32 v47, $0x3;
	v55 =	vbroadcast v42, $0x0;
	v50 =	vadd.s32 v37, v46;
	v49 =	vld [tilespmem:s28+$0xC0]  }
0x68: {  	v61 =	vbroadcast v59, $0x0;
	v43 =	vbroadcast v60, $0x0;
	v52 =	vadd.s32 v4, v41;
	v51 =	vld [tilespmem:s28+$0xFFFFFF00]  }
0x69: {  	v62 =	vshll.u32 v45, v1;
	v44 =	vshll.u32 v63, v1;
	v54 =	vadd.s32 v13, v55;
	v53 =	vld [tilespmem:s28+$0xFFFFFF40]  }
0x6a: {  	v48 =	vshrl.u32 v48, $0x3;
	v42 =	vbroadcast v62, $0x0;
	v57 =	vadd.s32 v17, v61;
	v56 =	vld [tilespmem:s28+$0xFFFFFF80]  }
0x6b: {  	v45 =	vbroadcast v44, $0x0;
	v48 =	vshll.u32 v48, v1;
	v58 =	vadd.s32 v21, v43;
	v47 =	vld [tilespmem:s28+$0xFFFFFFC0]  }
0x6c: {  	v44 =	vbroadcast v48, $0x0;
	v60 =	vadd.s32 v25, v42;
	v59 =	vld [tilespmem:s28+$0x0];
	[tilespmem:v50+s17+$0x0] =	vst.idx.msk $0xffff, v49  }
0x6d: {  	v63 =	vadd.s32 v29, v45;
	v62 =	vld [tilespmem:s28+$0x40];
	[tilespmem:v52+s17+$0x0] =	vst.idx.msk $0xffff, v51  }
0x6e: {  	[tilespmem:v54+s17+$0x0] =	vst.idx.msk $0xffff, v53;
	v52 =	vld [tilespmem:s28+$0x80];
	v53 =	vadd.s32 v33, v44  }
0x6f: {  	v49 =	vadd.s32 v38, v46;
	[tilespmem:v57+s17+$0x0] =	vst.idx.msk $0xffff, v56;
	v48 =	vld [tilespmem:s28+$0xD0]  }
0x70: {  	v56 =	vadd.s32 v14, v55;
	[tilespmem:v58+s17+$0x0] =	vst.idx.msk $0xffff, v47;
	v54 =	vld [tilespmem:s28+$0xFFFFFF50]  }
0x71: {  	v57 =	vadd.s32 v18, v61;
	[tilespmem:v60+s17+$0x0] =	vst.idx.msk $0xffff, v59;
	v47 =	vld [tilespmem:s28+$0xFFFFFF90]  }
0x72: {  	v59 =	vadd.s32 v22, v43;
	[tilespmem:v63+s17+$0x0] =	vst.idx.msk $0xffff, v62;
	v58 =	vld [tilespmem:s28+$0xFFFFFFD0]  }
0x73: {  	v63 =	vadd.s32 v26, v42;
	v62 =	vld [tilespmem:s28+$0x10];
	[tilespmem:v53+s17+$0x0] =	vst.idx.msk $0xffff, v52  }
0x74: {  	v52 =	vld [tilespmem:s28+$0x50];
	v53 =	vadd.s32 v30, v45;
	[tilespmem:v49+s17+$0x0] =	vst.idx.msk $0xffff, v48  }
0x75: {  	v60 =	vadd.s32 v39, v46;
	[tilespmem:v56+s17+$0x0] =	vst.idx.msk $0xffff, v54;
	v48 =	vld [tilespmem:s28+$0xE0]  }
0x76: {  	[tilespmem:v57+s17+$0x0] =	vst.idx.msk $0xffff, v47;
	v47 =	vld [tilespmem:s28+$0x90];
	v54 =	vadd.s32 v34, v44  }
0x77: {  	v56 =	vld [tilespmem:s28+$0xFFFFFF10];
	v57 =	vadd.s32 v10, v41;
	[tilespmem:v59+s17+$0x0] =	vst.idx.msk $0xffff, v58  }
0x78: {  	v59 =	vadd.s32 v15, v55;
	[tilespmem:v63+s17+$0x0] =	vst.idx.msk $0xffff, v62;
	v58 =	vld [tilespmem:s28+$0xFFFFFF60]  }
0x79: {  	v63 =	vadd.s32 v19, v61;
	v6 =	vld [tilespmem:s28+$0xFFFFFFA0];
	[tilespmem:v53+s17+$0x0] =	vst.idx.msk $0xffff, v52  }
0x7a: {  	v5 =	vadd.s32 v23, v43;
	v3 =	vld [tilespmem:s28+$0xFFFFFFE0];
	[tilespmem:v60+s17+$0x0] =	vst.idx.msk $0xffff, v48  }
0x7b: {  	v46 =	vadd.s32 v40, v46;
	[tilespmem:v54+s17+$0x0] =	vst.idx.msk $0xffff, v47;
	v62 =	vld [tilespmem:s28+$0xF0]  }
0x7c: {  	v2 =	vadd.s32 v27, v42;
	v0 =	vld [tilespmem:s28+$0x20];
	[tilespmem:v57+s17+$0x0] =	vst.idx.msk $0xffff, v56  }
0x7d: {  	s31 =	simm.s32 $0x8;
	v51 =	vadd.s32 v35, v44;
	v49 =	vadd.s32 v31, v45;
	[tilespmem:v59+s17+$0x0] =	vst.idx.msk $0xffff, v58;
	v48 =	vld [tilespmem:s28+$0x60]  }
0x7e: {  	s4 =	simm.s32 $0x9;
	v61 =	vadd.s32 v20, v61;
	v56 =	vadd.s32 v11, v41;
	v60 =	vmov s31;
	s31 =	simm.s32 $0xB;
	v50 =	vld [tilespmem:s28+$0xA0];
	[tilespmem:v63+s17+$0x0] =	vst.idx.msk $0xffff, v6  }
0x7f: {  	s26 =	simm.s32 $0xA;
	v53 =	vld [tilespmem:s28+$0xFFFFFF20];
	[tilespmem:v5+s17+$0x0] =	vst.idx.msk $0xffff, v3;
	v47 =	vshrl.u32 v60, $0x3;
	v60 =	vmov s4;
	v52 =	vmov s31;
	s4 =	simm.s32 $0xC  }
0x80: {  	v59 =	vadd.s32 v16, v55;
	s31 =	simm.s32 $0xE;
	v57 =	vld [tilespmem:s28+$0xFFFFFF70];
	v54 =	vmov s4;
	[tilespmem:v46+s17+$0x0] =	vst.idx.msk $0xffff, v62;
	v62 =	vmov s26;
	s26 =	simm.s32 $0xD  }
0x81: {  	s30 =	simm.s32 $0xF;
	s29 =	simm.s32 $0x10;
	[tilespmem:v2+s17+$0x0] =	vst.idx.msk $0xffff, v0;
	v58 =	vld [tilespmem:s28+$0xFFFFFFB0];
	v55 =	vshll.u32 v47, v1;
	v47 =	vmov s31;
	v46 =	vmov s26;
	s26 =	sshll.u32 s24, $0x2  }
.LBB2_8:
0x82: {  	p1 =	slt.u32 s29, $0x78;
	v60 =	vshrl.u32 v60, $0x3;
	v63 =	vmov s30;
	v0 =	vld [tilespmem:s28+$0xFFFFFFF0];
	v43 =	vadd.s32 v24, v43;
	[tilespmem:v49+s17+$0x0] =	vst.idx.msk $0xffff, v48  }
0x83: {  	v48 =	vshrl.u32 v62, $0x3;
	v42 =	vadd.s32 v28, v42;
	v49 =	vshrl.u32 v63, $0x3;
	v62 =	vld [tilespmem:s28+$0x30];
	[tilespmem:v51+s17+$0x0] =	vst.idx.msk $0xffff, v50  }
0x84: {  	v45 =	vadd.s32 v32, v45;
	v50 =	vshrl.u32 v52, $0x3;
	v49 =	vshll.u32 v49, v1;
	[tilespmem:v56+s17+$0x0] =	vst.idx.msk $0xffff, v53;
	v51 =	vld [tilespmem:s28+$0x70]  }
0x85: {  	v44 =	vadd.s32 v36, v44;
	v52 =	vshrl.u32 v54, $0x3;
	v49 =	vbroadcast v49, $0x0;
	[tilespmem:v59+s17+$0x0] =	vst.idx.msk $0xffff, v57;
	v53 =	vld [tilespmem:s28+$0xB0]  }
0x86: {  	v54 =	vshll.u32 v60, v1;
	v57 =	vadd.s32 v12, v41;
	v41 =	vbroadcast v55, $0x0;
	v56 =	vld [tilespmem:s28+$0xFFFFFF30];
	[tilespmem:v61+s17+$0x0] =	vst.idx.msk $0xffff, v58;
	s28 =	sadd.s32 $0x200, s28  }
0x87: {  	v48 =	vshll.u32 v48, v1;
	v55 =	vbroadcast v54, $0x0;
	v54 =	vld [tilespmem:s28+$0xC0];
	v58 =	vadd.s32 v37, v49;
	[tilespmem:v43+s17+$0x0] =	vst.idx.msk $0xffff, v0  }
0x88: {  	v61 =	vbroadcast v48, $0x0;
	v59 =	vadd.s32 v4, v41;
	v43 =	vshll.u32 v50, v1;
	v0 =	vld [tilespmem:s28+$0xFFFFFF00];
	[tilespmem:v42+s17+$0x0] =	vst.idx.msk $0xffff, v62  }
0x89: {  	v50 =	vadd.s32 v13, v55;
	v43 =	vbroadcast v43, $0x0;
	v42 =	vshll.u32 v52, v1;
	v48 =	vld [tilespmem:s28+$0xFFFFFF40];
	[tilespmem:v45+s17+$0x0] =	vst.idx.msk $0xffff, v51  }
0x8a: {  	v52 =	vadd.s32 v17, v61;
	v42 =	vbroadcast v42, $0x0;
	v45 =	vshrl.u32 v46, $0x3;
	v51 =	vld [tilespmem:s28+$0xFFFFFF80];
	[tilespmem:v44+s17+$0x0] =	vst.idx.msk $0xffff, v53  }
0x8b: {  	v47 =	vshrl.u32 v47, $0x3;
	v53 =	vadd.s32 v21, v43;
	v44 =	vshll.u32 v45, v1;
	v46 =	vld [tilespmem:s28+$0xFFFFFFC0];
	[tilespmem:v57+s17+$0x0] =	vst.idx.msk $0xffff, v56  }
0x8c: {  	v57 =	vadd.s32 v25, v42;
	v45 =	vbroadcast v44, $0x0;
	v44 =	vshll.u32 v47, v1;
	v56 =	vld [tilespmem:s28+$0x0];
	[tilespmem:v58+s17+$0x0] =	vst.idx.msk $0xffff, v54  }
0x8d: {  	v47 =	vadd.s32 v38, v49;
	v44 =	vbroadcast v44, $0x0;
	[tilespmem:v59+s17+$0x0] =	vst.idx.msk $0xffff, v0;
	v0 =	vld [tilespmem:s28+$0xD0]  }
0x8e: {  	[tilespmem:v50+s17+$0x0] =	vst.idx.msk $0xffff, v48;
	v48 =	vld [tilespmem:s28+$0x40];
	v50 =	vadd.s32 v29, v45  }
0x8f: {  	[tilespmem:v52+s17+$0x0] =	vst.idx.msk $0xffff, v51;
	v51 =	vld [tilespmem:s28+$0x80];
	v52 =	vadd.s32 v33, v44  }
0x90: {  	v58 =	vadd.s32 v14, v55;
	v54 =	vld [tilespmem:s28+$0xFFFFFF50];
	[tilespmem:v53+s17+$0x0] =	vst.idx.msk $0xffff, v46  }
0x91: {  	v53 =	vadd.s32 v18, v61;
	v46 =	vld [tilespmem:s28+$0xFFFFFF90];
	[tilespmem:v57+s17+$0x0] =	vst.idx.msk $0xffff, v56  }
0x92: {  	v57 =	vadd.s32 v22, v43;
	v56 =	vld [tilespmem:s28+$0xFFFFFFD0];
	[tilespmem:v47+s17+$0x0] =	vst.idx.msk $0xffff, v0  }
0x93: {  	v47 =	vadd.s32 v39, v49;
	[tilespmem:v50+s17+$0x0] =	vst.idx.msk $0xffff, v48;
	v0 =	vld [tilespmem:s28+$0xE0]  }
0x94: {  	v50 =	vadd.s32 v26, v42;
	v48 =	vld [tilespmem:s28+$0x10];
	[tilespmem:v52+s17+$0x0] =	vst.idx.msk $0xffff, v51  }
0x95: {  	v52 =	vadd.s32 v30, v45;
	[tilespmem:v58+s17+$0x0] =	vst.idx.msk $0xffff, v54;
	v51 =	vld [tilespmem:s28+$0x50]  }
0x96: {  	[tilespmem:v53+s17+$0x0] =	vst.idx.msk $0xffff, v46;
	v46 =	vld [tilespmem:s28+$0x90];
	v53 =	vadd.s32 v34, v44  }
0x97: {  	v58 =	vadd.s32 v10, v41;
	v54 =	vld [tilespmem:s28+$0xFFFFFF10];
	[tilespmem:v57+s17+$0x0] =	vst.idx.msk $0xffff, v56  }
0x98: {  	v57 =	vadd.s32 v15, v55;
	v56 =	vld [tilespmem:s28+$0xFFFFFF60];
	[tilespmem:v47+s17+$0x0] =	vst.idx.msk $0xffff, v0  }
0x99: {  	v47 =	vadd.s32 v40, v49;
	[tilespmem:v50+s17+$0x0] =	vst.idx.msk $0xffff, v48;
	v0 =	vld [tilespmem:s28+$0xF0]  }
0x9a: {  	v63 =	vadd.s32 v19, v61;
	v59 =	vld [tilespmem:s28+$0xFFFFFFA0];
	[tilespmem:v52+s17+$0x0] =	vst.idx.msk $0xffff, v51  }
0x9b: {  	v3 =	vadd.s32 v23, v43;
	v2 =	vld [tilespmem:s28+$0xFFFFFFE0];
	[tilespmem:v53+s17+$0x0] =	vst.idx.msk $0xffff, v46  }
0x9c: {  	v6 =	vadd.s32 v27, v42;
	[tilespmem:v58+s17+$0x0] =	vst.idx.msk $0xffff, v54;
	v5 =	vld [tilespmem:s28+$0x20]  }
.Ltmp2:
0x9d: {  	s0 =	sadd.s32 $0x1, s29;
	v49 =	vadd.s32 v31, v45;
	v46 =	vmov s29;
	[tilespmem:v57+s17+$0x0] =	vst.idx.msk $0xffff, v56;
	v48 =	vld [tilespmem:s28+$0x60];
	(pc) =	sbr.rel @p1 .LBB2_8-.Ltmp2, $4  }
0x9e: {  	s4 =	sadd.s32 $0x3, s29;
	v60 =	vmov s0;
	s0 =	sadd.s32 $0x2, s29;
	v51 =	vadd.s32 v35, v44;
	v58 =	vshrl.u32 v46, $0x3;
	v50 =	vld [tilespmem:s28+$0xA0];
	[tilespmem:v47+s17+$0x0] =	vst.idx.msk $0xffff, v0  }
0x9f: {  	v62 =	vmov s0;
	s0 =	sadd.s32 $0x4, s29;
	v52 =	vmov s4;
	s4 =	sadd.s32 $0x5, s29;
	v56 =	vadd.s32 v11, v41;
	v53 =	vld [tilespmem:s28+$0xFFFFFF20];
	[tilespmem:v63+s17+$0x0] =	vst.idx.msk $0xffff, v59  }
0xa0: {  	v54 =	vmov s0;
	v46 =	vmov s4;
	s0 =	sadd.s32 $0x6, s29;
	v59 =	vadd.s32 v16, v55;
	v57 =	vld [tilespmem:s28+$0xFFFFFF70];
	[tilespmem:v3+s17+$0x0] =	vst.idx.msk $0xffff, v2  }
0xa1: {  	s30 =	sadd.s32 $0x7, s29;
	v61 =	vadd.s32 v20, v61;
	s29 =	sadd.s32 $0x8, s29;
	v47 =	vmov s0;
	v55 =	vshll.u32 v58, v1;
	v58 =	vld [tilespmem:s28+$0xFFFFFFB0];
	[tilespmem:v6+s17+$0x0] =	vst.idx.msk $0xffff, v5  }
0xa2: {  	_ =	sdelay $0x2  }
0xa3: {  	v0 =	vshrl.u32 v60, $0x3  }
0xa4: {  	v2 =	vmov s30;
	v3 =	vld [tilespmem:s28+$0xFFFFFFF0];
	v5 =	vadd.s32 v24, v43;
	[tilespmem:v49+s17+$0x0] =	vst.idx.msk $0xffff, v48;
	v6 =	vshrl.u32 v62, $0x3  }
0xa5: {  	v60 =	vld [tilespmem:s28+$0x30];
	v42 =	vadd.s32 v28, v42;
	v62 =	vshrl.u32 v52, $0x3;
	v45 =	vadd.s32 v32, v45;
	[tilespmem:v51+s17+$0x0] =	vst.idx.msk $0xffff, v50  }
0xa6: {  	v63 =	vshrl.u32 v54, $0x3;
	v2 =	vshrl.u32 v2, $0x3;
	v49 =	vld [tilespmem:s28+$0x70];
	v0 =	vshll.u32 v0, v1;
	[tilespmem:v56+s17+$0x0] =	vst.idx.msk $0xffff, v53  }
0xa7: {  	v44 =	vadd.s32 v36, v44;
	v2 =	vshll.u32 v2, v1;
	v51 =	vld [tilespmem:s28+$0xB0];
	v0 =	vbroadcast v0, $0x0;
	[tilespmem:v59+s17+$0x0] =	vst.idx.msk $0xffff, v57  }
0xa8: {  	v52 =	vbroadcast v55, $0x0;
	v41 =	vadd.s32 v12, v41;
	v2 =	vbroadcast v2, $0x0;
	v53 =	vld [tilespmem:s28+$0xFFFFFF30];
	s28 =	sadd.s32 $0x200, s28;
	[tilespmem:v61+s17+$0x0] =	vst.idx.msk $0xffff, v58  }
0xa9: {  	v46 =	vshrl.u32 v46, $0x3;
	v6 =	vshll.u32 v6, v1;
	v57 =	vld [tilespmem:s28+$0xFFFFFF40];
	v58 =	vadd.s32 v13, v0;
	[tilespmem:v5+s17+$0x0] =	vst.idx.msk $0xffff, v3  }
0xaa: {  	v48 =	vshll.u32 v62, v1;
	v6 =	vbroadcast v6, $0x0;
	v54 =	vld [tilespmem:s28+$0xC0];
	v55 =	vadd.s32 v37, v2;
	[tilespmem:v42+s17+$0x0] =	vst.idx.msk $0xffff, v60  }
0xab: {  	v50 =	vshll.u32 v63, v1;
	v48 =	vbroadcast v48, $0x0;
	v3 =	vld [tilespmem:s28+$0xFFFFFF00];
	v5 =	vadd.s32 v4, v52;
	[tilespmem:v45+s17+$0x0] =	vst.idx.msk $0xffff, v49  }
0xac: {  	v46 =	vshll.u32 v46, v1;
	v50 =	vbroadcast v50, $0x0;
	v59 =	vld [tilespmem:s28+$0xFFFFFF80];
	v60 =	vadd.s32 v17, v6;
	[tilespmem:v44+s17+$0x0] =	vst.idx.msk $0xffff, v51  }
0xad: {  	v46 =	vbroadcast v46, $0x0;
	v61 =	vld [tilespmem:s28+$0xFFFFFFC0];
	v62 =	vadd.s32 v21, v48;
	[tilespmem:v41+s17+$0x0] =	vst.idx.msk $0xffff, v53  }
0xae: {  	v47 =	vshrl.u32 v47, $0x3;
	v63 =	vadd.s32 v25, v50;
	v41 =	vld [tilespmem:s28+$0x0];
	[tilespmem:v58+s17+$0x0] =	vst.idx.msk $0xffff, v57  }
0xaf: {  	v47 =	vshll.u32 v47, v1;
	v42 =	vld [tilespmem:s28+$0x40];
	v57 =	vadd.s32 v29, v46;
	[tilespmem:v55+s17+$0x0] =	vst.idx.msk $0xffff, v54  }
0xb0: {  	[tilespmem:v5+s17+$0x0] =	vst.idx.msk $0xffff, v3;
	v3 =	vbroadcast v47, $0x0;
	v47 =	vadd.s32 v38, v2;
	v5 =	vld [tilespmem:s28+$0xD0]  }
0xb1: {  	[tilespmem:v60+s17+$0x0] =	vst.idx.msk $0xffff, v59;
	v59 =	vld [tilespmem:s28+$0xFFFFFF50];
	v60 =	vadd.s32 v14, v0  }
0xb2: {  	v45 =	vld [tilespmem:s28+$0x80];
	[tilespmem:v62+s17+$0x0] =	vst.idx.msk $0xffff, v61;
	v58 =	vadd.s32 v33, v3  }
0xb3: {  	v62 =	vadd.s32 v18, v6;
	v61 =	vld [tilespmem:s28+$0xFFFFFF90];
	[tilespmem:v63+s17+$0x0] =	vst.idx.msk $0xffff, v41  }
0xb4: {  	v41 =	vld [tilespmem:s28+$0xFFFFFFD0];
	v63 =	vadd.s32 v22, v48;
	[tilespmem:v57+s17+$0x0] =	vst.idx.msk $0xffff, v42  }
0xb5: {  	v43 =	vld [tilespmem:s28+$0x10];
	v57 =	vadd.s32 v26, v50;
	[tilespmem:v47+s17+$0x0] =	vst.idx.msk $0xffff, v5  }
0xb6: {  	v42 =	vadd.s32 v39, v2;
	[tilespmem:v60+s17+$0x0] =	vst.idx.msk $0xffff, v59;
	v5 =	vld [tilespmem:s28+$0xE0]  }
0xb7: {  	[tilespmem:v58+s17+$0x0] =	vst.idx.msk $0xffff, v45;
	v45 =	vld [tilespmem:s28+$0x50];
	v58 =	vadd.s32 v30, v46  }
0xb8: {  	[tilespmem:v62+s17+$0x0] =	vst.idx.msk $0xffff, v61;
	v61 =	vld [tilespmem:s28+$0xFFFFFF10];
	v62 =	vadd.s32 v10, v52  }
0xb9: {  	v60 =	vadd.s32 v34, v3;
	v59 =	vld [tilespmem:s28+$0x90];
	[tilespmem:v63+s17+$0x0] =	vst.idx.msk $0xffff, v41  }
0xba: {  	v56 =	vadd.s32 v15, v0;
	v63 =	vld [tilespmem:s28+$0xFFFFFF60];
	[tilespmem:v57+s17+$0x0] =	vst.idx.msk $0xffff, v43  }
0xbb: {  	v57 =	vadd.s32 v19, v6;
	[tilespmem:v42+s17+$0x0] =	vst.idx.msk $0xffff, v5;
	v42 =	vld [tilespmem:s28+$0xFFFFFFA0]  }
0xbc: {  	v47 =	vadd.s32 v23, v48;
	[tilespmem:v58+s17+$0x0] =	vst.idx.msk $0xffff, v45;
	v45 =	vld [tilespmem:s28+$0xFFFFFFE0]  }
0xbd: {  	v2 =	vadd.s32 v40, v2;
	[tilespmem:v62+s17+$0x0] =	vst.idx.msk $0xffff, v61;
	v5 =	vld [tilespmem:s28+$0xF0]  }
0xbe: {  	v58 =	vld [tilespmem:s28+$0x20];
	[tilespmem:v60+s17+$0x0] =	vst.idx.msk $0xffff, v59;
	v59 =	vadd.s32 v27, v50  }
0xbf: {  	v61 =	vadd.s32 v31, v46;
	[tilespmem:v56+s17+$0x0] =	vst.idx.msk $0xffff, v63;
	v60 =	vld [tilespmem:s28+$0x60]  }
0xc0: {  	v63 =	vadd.s32 v35, v3;
	v62 =	vld [tilespmem:s28+$0xA0];
	[tilespmem:v57+s17+$0x0] =	vst.idx.msk $0xffff, v42  }
0xc1: {  	v0 =	vadd.s32 v16, v0;
	v57 =	vld [tilespmem:s28+$0xFFFFFF70];
	[tilespmem:v47+s17+$0x0] =	vst.idx.msk $0xffff, v45  }
0xc2: {  	[tilespmem:v2+s17+$0x0] =	vst.idx.msk $0xffff, v5;
	v2 =	vld [tilespmem:s28+$0xFFFFFF20];
	v5 =	vadd.s32 v11, v52  }
0xc3: {  	v6 =	vadd.s32 v20, v6;
	v43 =	vld [tilespmem:s28+$0xFFFFFFB0];
	[tilespmem:v59+s17+$0x0] =	vst.idx.msk $0xffff, v58  }
0xc4: {  	v58 =	vld [tilespmem:s28+$0xFFFFFFF0];
	v59 =	vadd.s32 v24, v48;
	[tilespmem:v61+s17+$0x0] =	vst.idx.msk $0xffff, v60  }
0xc5: {  	v61 =	vadd.s32 v28, v50;
	v60 =	vld [tilespmem:s28+$0x30];
	[tilespmem:v63+s17+$0x0] =	vst.idx.msk $0xffff, v62  }
0xc6: {  	v3 =	vadd.s32 v36, v3;
	[tilespmem:v0+s17+$0x0] =	vst.idx.msk $0xffff, v57;
	v0 =	vld [tilespmem:s28+$0xB0]  }
0xc7: {  	[tilespmem:v5+s17+$0x0] =	vst.idx.msk $0xffff, v2;
	v2 =	vld [tilespmem:s28+$0x70];
	v5 =	vadd.s32 v32, v46  }
0xc8: {  	v63 =	vadd.s32 v12, v52;
	[tilespmem:v6+s17+$0x0] =	vst.idx.msk $0xffff, v43;
	v62 =	vld [tilespmem:s28+$0xFFFFFF30]  }
0xc9: {  	[tilespmem:v59+s17+$0x0] =	vst.idx.msk $0xffff, v58  }
0xca: {  	s0 =	sshll.u32 s24, $0x16;
	[tilespmem:v61+s17+$0x0] =	vst.idx.msk $0xffff, v60  }
0xcb: {  	s0 =	sadd.s32 s23, s0;
	[tilespmem:v3+s17+$0x0] =	vst.idx.msk $0xffff, v0  }
0xcc: {  	s0 =	sshrl.u32 s0, $0x3;
	[tilespmem:v5+s17+$0x0] =	vst.idx.msk $0xffff, v2  }
0xcd: {  	s4 =	sadd.s32 s1, s0;
	s0 =	simm.s32 $0xF080;
	[tilespmem:v63+s17+$0x0] =	vst.idx.msk $0xffff, v62  }
0xce: {  	[hbm4b:s4+s2] =	stream.linear.scatter [tilespmem:s0], [sflag:$0x2], $0x80, $0x38;
	[tilespmem:$0x13480] =	vst v63  }
0xcf: {  	s28 =	sadd.s32 $0x10, s4;
	s0 =	simm.s32 $0xF108  }
0xd0: {  	[hbm4b:s28+s2] =	stream.linear.scatter [tilespmem:s0], [sflag:$0x2], $0x80, $0x38;
	[tilespmem:$0x13480] =	vst v63  }
0xd1: {  	s0 =	simm.s32 $0xF190;
	s28 =	sadd.s32 $0x20, s4  }
0xd2: {  	[hbm4b:s28+s2] =	stream.linear.scatter [tilespmem:s0], [sflag:$0x2], $0x80, $0x38;
	[tilespmem:$0x13480] =	vst v63  }
0xd3: {  	s0 =	simm.s32 $0xF218;
	s28 =	sadd.s32 $0x30, s4  }
0xd4: {  	[hbm4b:s28+s2] =	stream.linear.scatter [tilespmem:s0], [sflag:$0x2], $0x80, $0x38;
	[tilespmem:$0x13480] =	vst v63  }
0xd5: {  	s0 =	simm.s32 $0xF2A0;
	s28 =	sadd.s32 $0x40, s4  }
0xd6: {  	[hbm4b:s28+s2] =	stream.linear.scatter [tilespmem:s0], [sflag:$0x2], $0x80, $0x38;
	[tilespmem:$0x13480] =	vst v63  }
0xd7: {  	s30 =	simm.s32 $0x2200;
	s0 =	simm.s32 $0xF328;
	s28 =	sadd.s32 $0x50, s4  }
0xd8: {  	[hbm4b:s28+s2] =	stream.linear.scatter [tilespmem:s0], [sflag:$0x2], $0x80, $0x38;
	[tilespmem:$0x13480] =	vst v63  }
0xd9: {  	s31 =	sadd.s32 $0x70, s4;
	s0 =	simm.s32 $0xF3B0;
	s28 =	sadd.s32 $0x60, s4  }
0xda: {  	[hbm4b:s28+s2] =	stream.linear.scatter [tilespmem:s0], [sflag:$0x2], $0x80, $0x38;
	[tilespmem:$0x13480] =	vst v63  }
0xdb: {  	s29 =	sadd.s32 $0x4000, s4;
	s28 =	simm.s32 $0x440;
	s0 =	simm.s32 $0xF438  }
.LBB2_10:
0xdc: {  	[hbm4b:s31+s2] =	stream.linear.scatter [tilespmem:s0], [sflag:$0x2], $0x80, $0x38;
	[tilespmem:$0x13480] =	vst v63  }
0xdd: {  	s0 =	smov.u32 s28;
	s4 =	smov.u32 s30  }
0xde: {  	s28 =	sshra.s32 s4, $0x2;
	s4 =	sadd.s32 $0x1100, s30;
	s31 =	sadd.s32 $0xF080, s0  }
0xdf: {  	[hbm4b:s29+s2] =	stream.linear.scatter [tilespmem:s31], [sflag:$0x2], $0x80, $0x38;
	[tilespmem:$0x13480] =	vst v63  }
0xe0: {  	p1 =	sne.s32 s30, $0x7700;
	s30 =	sadd.s32 $0xF108, s0;
	s31 =	sadd.s32 $0x10, s29  }
0xe1: {  	[hbm4b:s31+s2] =	stream.linear.scatter [tilespmem:s30], [sflag:$0x2], $0x80, $0x38;
	[tilespmem:$0x13480] =	vst v63  }
0xe2: {  	s30 =	sadd.s32 $0xF190, s0;
	s31 =	sadd.s32 $0x20, s29  }
0xe3: {  	[hbm4b:s31+s2] =	stream.linear.scatter [tilespmem:s30], [sflag:$0x2], $0x80, $0x38;
	[tilespmem:$0x13480] =	vst v63  }
0xe4: {  	s30 =	sadd.s32 $0xF218, s0;
	s31 =	sadd.s32 $0x30, s29  }
0xe5: {  	[hbm4b:s31+s2] =	stream.linear.scatter [tilespmem:s30], [sflag:$0x2], $0x80, $0x38;
	[tilespmem:$0x13480] =	vst v63  }
0xe6: {  	s30 =	sadd.s32 $0xF2A0, s0;
	s31 =	sadd.s32 $0x40, s29  }
0xe7: {  	[hbm4b:s31+s2] =	stream.linear.scatter [tilespmem:s30], [sflag:$0x2], $0x80, $0x38;
	[tilespmem:$0x13480] =	vst v63  }
.Ltmp3:
0xe8: {  	s30 =	sadd.s32 $0xF328, s0;
	s31 =	sadd.s32 $0x50, s29;
	(pc) =	sbr.rel @p1 .LBB2_10-.Ltmp3, $4  }
0xe9: {  	[hbm4b:s31+s2] =	stream.linear.scatter [tilespmem:s30], [sflag:$0x2], $0x80, $0x38;
	[tilespmem:$0x13480] =	vst v63  }
0xea: {  	s30 =	sadd.s32 $0xF3B0, s0;
	s31 =	sadd.s32 $0x60, s29;
	s0 =	sadd.s32 $0xF438, s0  }
0xeb: {  	[hbm4b:s31+s2] =	stream.linear.scatter [tilespmem:s30], [sflag:$0x2], $0x80, $0x38;
	[tilespmem:$0x13480] =	vst v63  }
0xec: {  	s31 =	sadd.s32 $0x70, s29;
	s29 =	sadd.s32 $0x4000, s29;
	s30 =	smov.u32 s4  }
0xed: {  	[hbm4b:s31+s2] =	stream.linear.scatter [tilespmem:s0], [sflag:$0x2], $0x80, $0x38;
	[tilespmem:$0x13480] =	vst v63  }
0xee: {  	s4 =	sadd.s32 $0xF080, s28  }
0xef: {  	[hbm4b:s29+s2] =	stream.linear.scatter [tilespmem:s4], [sflag:$0x2], $0x80, $0x38;
	[tilespmem:$0x13480] =	vst v63  }
0xf0: {  	s0 =	sadd.s32 $0xF108, s28;
	s4 =	sadd.s32 $0x10, s29  }
0xf1: {  	[hbm4b:s4+s2] =	stream.linear.scatter [tilespmem:s0], [sflag:$0x2], $0x80, $0x38;
	[tilespmem:$0x13480] =	vst v63  }
0xf2: {  	s0 =	sadd.s32 $0xF190, s28;
	s4 =	sadd.s32 $0x20, s29  }
0xf3: {  	[hbm4b:s4+s2] =	stream.linear.scatter [tilespmem:s0], [sflag:$0x2], $0x80, $0x38;
	[tilespmem:$0x13480] =	vst v63  }
0xf4: {  	s0 =	sadd.s32 $0xF218, s28;
	s4 =	sadd.s32 $0x30, s29  }
0xf5: {  	[hbm4b:s4+s2] =	stream.linear.scatter [tilespmem:s0], [sflag:$0x2], $0x80, $0x38;
	[tilespmem:$0x13480] =	vst v63  }
0xf6: {  	s0 =	sadd.s32 $0xF2A0, s28;
	s4 =	sadd.s32 $0x40, s29  }
0xf7: {  	[hbm4b:s4+s2] =	stream.linear.scatter [tilespmem:s0], [sflag:$0x2], $0x80, $0x38;
	[tilespmem:$0x13480] =	vst v63  }
0xf8: {  	s0 =	sadd.s32 $0xF328, s28;
	s4 =	sadd.s32 $0x50, s29  }
0xf9: {  	[hbm4b:s4+s2] =	stream.linear.scatter [tilespmem:s0], [sflag:$0x2], $0x80, $0x38;
	[tilespmem:$0x13480] =	vst v63  }
0xfa: {  	s0 =	sadd.s32 $0xF3B0, s28;
	s4 =	sadd.s32 $0x60, s29  }
0xfb: {  	[hbm4b:s4+s2] =	stream.linear.scatter [tilespmem:s0], [sflag:$0x2], $0x80, $0x38;
	[tilespmem:$0x13480] =	vst v63  }
0xfc: {  	s0 =	sadd.s32 $0xF438, s28;
	s28 =	sor.u32 $0x1, s26  }
0xfd: {  	s4 =	sadd.s32 $0x70, s29;
	p1 =	sgt.u32 s28, $0xC4  }
0xfe: {  	[hbm4b:s4+s2] =	stream.linear.scatter [tilespmem:s0], [sflag:$0x2], $0x80, $0x38;
	[tilespmem:$0x13480] =	vst v63  }
0xff: {  	s0 =	sadd.s32 @!p1 $0x200, s25;
	s4 =	simm.s32 @!p1 $0x80;
	s29 =	simm.s32 @!p1 $0x7080  }
0x100: {  	[tilespmem:s29], [sflag:$0x1] =	stream.indirect.gather @!p1 [hbm4b:s5+s4], $0x40, s0, s4, $0xb8;
	[tilespmem:$0x13480] =	vst v63  }
0x101: {  	s4 =	simm.s32 $0x0;
	s0 =	simm.s32 $0x1  }
0x102: {  	s29 =	simm.s32 $0x7;
	v0 =	vmov s4;
	s4 =	simm.s32 $0x2;
	v2 =	vmov s0  }
0x103: {  	s0 =	simm.s32 $0x3;
	v41 =	vmov s29;
	v0 =	vshrl.u32 v0, $0x3;
	v3 =	vmov s4  }
0x104: {  	_ =	swait.ge [sflag:s16], $0x2000;
	s4 =	simm.s32 $0x4;
	v5 =	vmov s0;
	s0 =	simm.s32 $0x5;
	v41 =	vshrl.u32 v41, $0x3;
	v2 =	vshrl.u32 v2, $0x3  }
0x105: {  	[sflag:s16] =	ssyncset.done $0x0;
	v6 =	vmov s4;
	v44 =	vmov s0;
	v0 =	vshll.u32 v0, v1  }
0x106: {  	[sflag:s16] =	ssyncadd.s32 $0xFFFFE000;
	s4 =	simm.s32 @!p0 $0x2;
	s0 =	simm.s32 $0x6;
	v41 =	vshll.u32 v41, v1;
	v3 =	vshrl.u32 v3, $0x3;
	v5 =	vshrl.u32 v5, $0x3  }
0x107: {  	_ =	swait.ge @!p0 [sflag:s4], $0x2000;
	v45 =	vmov s0;
	v46 =	vbroadcast v41, $0x0;
	v6 =	vshrl.u32 v6, $0x3  }
0x108: {  	v41 =	vbroadcast v0, $0x0;
	v0 =	vshll.u32 v2, v1;
	v2 =	vshll.u32 v3, v1;
	[sflag:s4] =	ssyncset.done @!p0 $0x0  }
0x109: {  	s29 =	simm.s32 $0x9270;
	v5 =	vshll.u32 v5, v1;
	v0 =	vbroadcast v0, $0x0;
	v2 =	vbroadcast v2, $0x0;
	[sflag:s4] =	ssyncadd.s32 @!p0 $0xFFFFE000  }
0x10a: {  	v43 =	vbroadcast v5, $0x0;
	v5 =	vshll.u32 v6, v1;
	v47 =	vadd.s32 v37, v46;
	v3 =	vld [tilespmem:s29+$0xFFFFFFD0]  }
0x10b: {  	v42 =	vbroadcast v5, $0x0;
	v5 =	vshrl.u32 v44, $0x3;
	v6 =	vld [tilespmem:s29+$0xFFFFFE90];
	v52 =	vadd.s32 v17, v2  }
0x10c: {  	v63 =	vshrl.u32 v45, $0x3;
	v50 =	vld [tilespmem:s29+$0xFFFFFE50];
	v51 =	vadd.s32 v13, v0;
	v5 =	vshll.u32 v5, v1  }
0x10d: {  	v53 =	vld [tilespmem:s29+$0xFFFFFED0];
	v54 =	vadd.s32 v21, v43;
	v45 =	vbroadcast v5, $0x0;
	v5 =	vshll.u32 v63, v1  }
0x10e: {  	v55 =	vld [tilespmem:s29+$0xFFFFFF10];
	v56 =	vadd.s32 v25, v42;
	v44 =	vbroadcast v5, $0x0  }
0x10f: {  	v59 =	vld [tilespmem:s29+$0xFFFFFF50];
	v60 =	vadd.s32 v29, v45;
	[tilespmem:v47+s18+$0x0] =	vst.idx.msk $0xffff, v3  }
0x110: {  	v61 =	vadd.s32 v33, v44;
	[tilespmem:v52+s18+$0x0] =	vst.idx.msk $0xffff, v6;
	v6 =	vld [tilespmem:s29+$0xFFFFFF90]  }
0x111: {  	v5 =	vadd.s32 v38, v46;
	[tilespmem:v51+s18+$0x0] =	vst.idx.msk $0xffff, v50;
	v3 =	vld [tilespmem:s29+$0xFFFFFFE0]  }
0x112: {  	v62 =	vadd.s32 v14, v0;
	[tilespmem:v54+s18+$0x0] =	vst.idx.msk $0xffff, v53;
	v50 =	vld [tilespmem:s29+$0xFFFFFE60]  }
0x113: {  	v63 =	vadd.s32 v18, v2;
	v52 =	vld [tilespmem:s29+$0xFFFFFEA0];
	[tilespmem:v56+s18+$0x0] =	vst.idx.msk $0xffff, v55  }
0x114: {  	v49 =	vadd.s32 v4, v41;
	v48 =	vld [tilespmem:s29+$0xFFFFFE10];
	[tilespmem:v60+s18+$0x0] =	vst.idx.msk $0xffff, v59  }
0x115: {  	v54 =	vld [tilespmem:s29+$0xFFFFFEE0];
	v55 =	vadd.s32 v22, v43;
	[tilespmem:v61+s18+$0x0] =	vst.idx.msk $0xffff, v6  }
0x116: {  	v58 =	vadd.s32 v26, v42;
	v57 =	vld [tilespmem:s29+$0xFFFFFF20];
	[tilespmem:v5+s18+$0x0] =	vst.idx.msk $0xffff, v3  }
0x117: {  	v59 =	vadd.s32 v30, v45;
	v6 =	vld [tilespmem:s29+$0xFFFFFF60];
	[tilespmem:v62+s18+$0x0] =	vst.idx.msk $0xffff, v50  }
0x118: {  	[tilespmem:v63+s18+$0x0] =	vst.idx.msk $0xffff, v52;
	v62 =	vld [tilespmem:s29+$0xFFFFFFA0];
	v63 =	vadd.s32 v34, v44  }
0x119: {  	[tilespmem:v49+s18+$0x0] =	vst.idx.msk $0xffff, v48;
	v5 =	vadd.s32 v39, v46;
	v3 =	vld [tilespmem:s29+$0xFFFFFFF0]  }
0x11a: {  	v60 =	vld [tilespmem:s29+$0xFFFFFE20];
	v61 =	vadd.s32 v10, v41;
	[tilespmem:v55+s18+$0x0] =	vst.idx.msk $0xffff, v54  }
0x11b: {  	v55 =	vadd.s32 v15, v0;
	v54 =	vld [tilespmem:s29+$0xFFFFFE70];
	[tilespmem:v58+s18+$0x0] =	vst.idx.msk $0xffff, v57  }
0x11c: {  	v58 =	vadd.s32 v23, v43;
	[tilespmem:v59+s18+$0x0] =	vst.idx.msk $0xffff, v6;
	v6 =	vld [tilespmem:s29+$0xFFFFFEF0]  }
0x11d: {  	v7 =	vld [tilespmem:s29+$0xFFFFFF30];
	[tilespmem:v63+s18+$0x0] =	vst.idx.msk $0xffff, v62;
	v63 =	vadd.s32 v27, v42  }
0x11e: {  	v47 =	vadd.s32 v19, v2;
	[tilespmem:v5+s18+$0x0] =	vst.idx.msk $0xffff, v3;
	v5 =	vadd.s32 v40, v46;
	v46 =	vld [tilespmem:s29+$0xFFFFFEB0]  }
0x11f: {  	s4 =	simm.s32 $0x8;
	[tilespmem:v61+s18+$0x0] =	vst.idx.msk $0xffff, v60;
	v3 =	vld [tilespmem:s29+$0x0]  }
0x120: {  	v49 =	vadd.s32 v31, v45;
	v62 =	vmov s4;
	s4 =	simm.s32 $0x9;
	v48 =	vld [tilespmem:s29+$0xFFFFFF70];
	[tilespmem:v55+s18+$0x0] =	vst.idx.msk $0xffff, v54  }
0x121: {  	v51 =	vadd.s32 v35, v44;
	v56 =	vadd.s32 v11, v41;
	v61 =	vmov s4;
	s4 =	simm.s32 $0xB;
	v50 =	vld [tilespmem:s29+$0xFFFFFFB0];
	[tilespmem:v58+s18+$0x0] =	vst.idx.msk $0xffff, v6  }
0x122: {  	s0 =	simm.s32 $0xA;
	v59 =	vadd.s32 v16, v0;
	v60 =	vadd.s32 v20, v2;
	v54 =	vld [tilespmem:s29+$0xFFFFFE30];
	v52 =	vmov s4;
	s4 =	simm.s32 $0xD;
	[tilespmem:v63+s18+$0x0] =	vst.idx.msk $0xffff, v7  }
0x123: {  	v53 =	vshrl.u32 v62, $0x3;
	v62 =	vmov s0;
	s0 =	simm.s32 $0xC;
	v57 =	vld [tilespmem:s29+$0xFFFFFE80];
	[tilespmem:v47+s18+$0x0] =	vst.idx.msk $0xffff, v46;
	v46 =	vmov s4;
	s4 =	simm.s32 $0xE  }
0x124: {  	s31 =	simm.s32 $0xF;
	s30 =	simm.s32 $0x10;
	v55 =	vmov s0;
	v53 =	vshll.u32 v53, v1;
	[tilespmem:v5+s18+$0x0] =	vst.idx.msk $0xffff, v3;
	v47 =	vmov s4;
	v58 =	vld [tilespmem:s29+$0xFFFFFEC0]  }
.LBB2_12:
0x125: {  	p0 =	slt.u32 s30, $0x78;
	v0 =	vshrl.u32 v61, $0x3;
	v2 =	vmov s31;
	v3 =	vld [tilespmem:s29+$0xFFFFFF00];
	v5 =	vadd.s32 v24, v43;
	[tilespmem:v49+s18+$0x0] =	vst.idx.msk $0xffff, v48  }
0x126: {  	v6 =	vshrl.u32 v62, $0x3;
	v42 =	vadd.s32 v28, v42;
	v2 =	vshrl.u32 v2, $0x3;
	v43 =	vld [tilespmem:s29+$0xFFFFFF40];
	[tilespmem:v51+s18+$0x0] =	vst.idx.msk $0xffff, v50  }
0x127: {  	v48 =	vshrl.u32 v52, $0x3;
	v45 =	vadd.s32 v32, v45;
	v2 =	vshll.u32 v2, v1;
	[tilespmem:v56+s18+$0x0] =	vst.idx.msk $0xffff, v54;
	v49 =	vld [tilespmem:s29+$0xFFFFFF80]  }
0x128: {  	v44 =	vadd.s32 v36, v44;
	v50 =	vshrl.u32 v55, $0x3;
	v2 =	vbroadcast v2, $0x0;
	[tilespmem:v59+s18+$0x0] =	vst.idx.msk $0xffff, v57;
	v51 =	vld [tilespmem:s29+$0xFFFFFFC0]  }
0x129: {  	v0 =	vshll.u32 v0, v1;
	v54 =	vadd.s32 v12, v41;
	v41 =	vbroadcast v53, $0x0;
	v52 =	vld [tilespmem:s29+$0xFFFFFE40];
	[tilespmem:v60+s18+$0x0] =	vst.idx.msk $0xffff, v58;
	s29 =	sadd.s32 $0x200, s29  }
0x12a: {  	v6 =	vshll.u32 v6, v1;
	v0 =	vbroadcast v0, $0x0;
	v53 =	vld [tilespmem:s29+$0xFFFFFFD0];
	v55 =	vadd.s32 v37, v2;
	[tilespmem:v5+s18+$0x0] =	vst.idx.msk $0xffff, v3  }
0x12b: {  	v48 =	vshll.u32 v48, v1;
	v6 =	vbroadcast v6, $0x0;
	v5 =	vadd.s32 v4, v41;
	v3 =	vld [tilespmem:s29+$0xFFFFFE10];
	[tilespmem:v42+s18+$0x0] =	vst.idx.msk $0xffff, v43  }
0x12c: {  	v57 =	vadd.s32 v13, v0;
	v43 =	vbroadcast v48, $0x0;
	v42 =	vshll.u32 v50, v1;
	v56 =	vld [tilespmem:s29+$0xFFFFFE50];
	[tilespmem:v45+s18+$0x0] =	vst.idx.msk $0xffff, v49  }
0x12d: {  	v49 =	vadd.s32 v17, v6;
	v42 =	vbroadcast v42, $0x0;
	v45 =	vshrl.u32 v46, $0x3;
	v48 =	vld [tilespmem:s29+$0xFFFFFE90];
	[tilespmem:v44+s18+$0x0] =	vst.idx.msk $0xffff, v51  }
0x12e: {  	v47 =	vshrl.u32 v47, $0x3;
	v50 =	vadd.s32 v21, v43;
	v44 =	vshll.u32 v45, v1;
	v46 =	vld [tilespmem:s29+$0xFFFFFED0];
	[tilespmem:v54+s18+$0x0] =	vst.idx.msk $0xffff, v52  }
0x12f: {  	v52 =	vadd.s32 v25, v42;
	v45 =	vbroadcast v44, $0x0;
	v44 =	vshll.u32 v47, v1;
	v51 =	vld [tilespmem:s29+$0xFFFFFF10];
	[tilespmem:v55+s18+$0x0] =	vst.idx.msk $0xffff, v53  }
0x130: {  	v44 =	vbroadcast v44, $0x0;
	[tilespmem:v5+s18+$0x0] =	vst.idx.msk $0xffff, v3;
	v3 =	vld [tilespmem:s29+$0xFFFFFFE0];
	v5 =	vadd.s32 v38, v2  }
0x131: {  	v53 =	vadd.s32 v29, v45;
	[tilespmem:v57+s18+$0x0] =	vst.idx.msk $0xffff, v56;
	v47 =	vld [tilespmem:s29+$0xFFFFFF50]  }
0x132: {  	[tilespmem:v49+s18+$0x0] =	vst.idx.msk $0xffff, v48;
	v48 =	vld [tilespmem:s29+$0xFFFFFF90];
	v49 =	vadd.s32 v33, v44  }
0x133: {  	v55 =	vadd.s32 v14, v0;
	v54 =	vld [tilespmem:s29+$0xFFFFFE60];
	[tilespmem:v50+s18+$0x0] =	vst.idx.msk $0xffff, v46  }
0x134: {  	v50 =	vadd.s32 v18, v6;
	v46 =	vld [tilespmem:s29+$0xFFFFFEA0];
	[tilespmem:v52+s18+$0x0] =	vst.idx.msk $0xffff, v51  }
0x135: {  	v52 =	vadd.s32 v22, v43;
	v51 =	vld [tilespmem:s29+$0xFFFFFEE0];
	[tilespmem:v5+s18+$0x0] =	vst.idx.msk $0xffff, v3  }
0x136: {  	v5 =	vadd.s32 v39, v2;
	[tilespmem:v53+s18+$0x0] =	vst.idx.msk $0xffff, v47;
	v3 =	vld [tilespmem:s29+$0xFFFFFFF0]  }
0x137: {  	v53 =	vadd.s32 v26, v42;
	v47 =	vld [tilespmem:s29+$0xFFFFFF20];
	[tilespmem:v49+s18+$0x0] =	vst.idx.msk $0xffff, v48  }
0x138: {  	v49 =	vadd.s32 v30, v45;
	[tilespmem:v55+s18+$0x0] =	vst.idx.msk $0xffff, v54;
	v48 =	vld [tilespmem:s29+$0xFFFFFF60]  }
0x139: {  	[tilespmem:v50+s18+$0x0] =	vst.idx.msk $0xffff, v46;
	v46 =	vld [tilespmem:s29+$0xFFFFFFA0];
	v50 =	vadd.s32 v34, v44  }
0x13a: {  	v55 =	vadd.s32 v10, v41;
	v54 =	vld [tilespmem:s29+$0xFFFFFE20];
	[tilespmem:v52+s18+$0x0] =	vst.idx.msk $0xffff, v51  }
0x13b: {  	v52 =	vadd.s32 v15, v0;
	v51 =	vld [tilespmem:s29+$0xFFFFFE70];
	[tilespmem:v5+s18+$0x0] =	vst.idx.msk $0xffff, v3  }
0x13c: {  	v2 =	vadd.s32 v40, v2;
	[tilespmem:v53+s18+$0x0] =	vst.idx.msk $0xffff, v47;
	v3 =	vld [tilespmem:s29+$0x0]  }
0x13d: {  	v47 =	vadd.s32 v19, v6;
	v5 =	vld [tilespmem:s29+$0xFFFFFEB0];
	[tilespmem:v49+s18+$0x0] =	vst.idx.msk $0xffff, v48  }
0x13e: {  	v58 =	vadd.s32 v23, v43;
	v53 =	vld [tilespmem:s29+$0xFFFFFEF0];
	[tilespmem:v50+s18+$0x0] =	vst.idx.msk $0xffff, v46  }
0x13f: {  	v7 =	vadd.s32 v27, v42;
	[tilespmem:v55+s18+$0x0] =	vst.idx.msk $0xffff, v54;
	v63 =	vld [tilespmem:s29+$0xFFFFFF30]  }
.Ltmp4:
0x140: {  	s0 =	sadd.s32 $0x1, s30;
	v49 =	vadd.s32 v31, v45;
	v46 =	vmov s30;
	[tilespmem:v52+s18+$0x0] =	vst.idx.msk $0xffff, v51;
	v48 =	vld [tilespmem:s29+$0xFFFFFF70];
	(pc) =	sbr.rel @p0 .LBB2_12-.Ltmp4, $4  }
0x141: {  	s4 =	sadd.s32 $0x3, s30;
	v61 =	vmov s0;
	s0 =	sadd.s32 $0x2, s30;
	v60 =	vshrl.u32 v46, $0x3;
	v51 =	vadd.s32 v35, v44;
	v50 =	vld [tilespmem:s29+$0xFFFFFFB0];
	[tilespmem:v2+s18+$0x0] =	vst.idx.msk $0xffff, v3  }
0x142: {  	v62 =	vmov s0;
	s0 =	sadd.s32 $0x4, s30;
	v56 =	vadd.s32 v11, v41;
	v52 =	vmov s4;
	s4 =	sadd.s32 $0x5, s30;
	v54 =	vld [tilespmem:s29+$0xFFFFFE30];
	[tilespmem:v47+s18+$0x0] =	vst.idx.msk $0xffff, v5  }
0x143: {  	v59 =	vadd.s32 v16, v0;
	v55 =	vmov s0;
	s0 =	sadd.s32 $0x6, s30;
	v46 =	vmov s4;
	v57 =	vld [tilespmem:s29+$0xFFFFFE80];
	[tilespmem:v58+s18+$0x0] =	vst.idx.msk $0xffff, v53  }
0x144: {  	s31 =	sadd.s32 $0x7, s30;
	s30 =	sadd.s32 $0x8, s30;
	v47 =	vmov s0;
	v53 =	vshll.u32 v60, v1;
	v60 =	vadd.s32 v20, v6;
	v58 =	vld [tilespmem:s29+$0xFFFFFEC0];
	[tilespmem:v7+s18+$0x0] =	vst.idx.msk $0xffff, v63  }
0x145: {  	_ =	sdelay $0x2  }
0x146: {  	v0 =	vshrl.u32 v61, $0x3  }
0x147: {  	v2 =	vmov s31;
	v3 =	vld [tilespmem:s29+$0xFFFFFF00];
	v5 =	vadd.s32 v24, v43;
	[tilespmem:v49+s18+$0x0] =	vst.idx.msk $0xffff, v48;
	v6 =	vshrl.u32 v62, $0x3  }
0x148: {  	v7 =	vld [tilespmem:s29+$0xFFFFFF40];
	v42 =	vadd.s32 v28, v42;
	v62 =	vshrl.u32 v52, $0x3;
	v2 =	vshrl.u32 v2, $0x3;
	[tilespmem:v51+s18+$0x0] =	vst.idx.msk $0xffff, v50  }
0x149: {  	v45 =	vadd.s32 v32, v45;
	v63 =	vshrl.u32 v55, $0x3;
	v48 =	vld [tilespmem:s29+$0xFFFFFF80];
	v2 =	vshll.u32 v2, v1;
	[tilespmem:v56+s18+$0x0] =	vst.idx.msk $0xffff, v54  }
0x14a: {  	v44 =	vadd.s32 v36, v44;
	v0 =	vshll.u32 v0, v1;
	v50 =	vld [tilespmem:s29+$0xFFFFFFC0];
	v2 =	vbroadcast v2, $0x0;
	[tilespmem:v59+s18+$0x0] =	vst.idx.msk $0xffff, v57  }
0x14b: {  	v41 =	vadd.s32 v12, v41;
	v46 =	vshrl.u32 v46, $0x3;
	v0 =	vbroadcast v0, $0x0;
	v59 =	vld [tilespmem:s29+$0xFFFFFE40];
	s29 =	sadd.s32 $0x200, s29;
	[tilespmem:v60+s18+$0x0] =	vst.idx.msk $0xffff, v58  }
0x14c: {  	v51 =	vbroadcast v53, $0x0;
	v6 =	vshll.u32 v6, v1;
	v60 =	vld [tilespmem:s29+$0xFFFFFFD0];
	v61 =	vadd.s32 v37, v2;
	[tilespmem:v5+s18+$0x0] =	vst.idx.msk $0xffff, v3  }
0x14d: {  	v43 =	vshll.u32 v62, v1;
	v6 =	vbroadcast v6, $0x0;
	v62 =	vadd.s32 v13, v0;
	[tilespmem:v42+s18+$0x0] =	vst.idx.msk $0xffff, v7;
	v7 =	vld [tilespmem:s29+$0xFFFFFE50]  }
0x14e: {  	v49 =	vshll.u32 v63, v1;
	v43 =	vbroadcast v43, $0x0;
	v3 =	vld [tilespmem:s29+$0xFFFFFE10];
	v5 =	vadd.s32 v4, v51;
	[tilespmem:v45+s18+$0x0] =	vst.idx.msk $0xffff, v48  }
0x14f: {  	v46 =	vshll.u32 v46, v1;
	v49 =	vbroadcast v49, $0x0;
	v63 =	vld [tilespmem:s29+$0xFFFFFE90];
	v56 =	vadd.s32 v17, v6;
	[tilespmem:v44+s18+$0x0] =	vst.idx.msk $0xffff, v50  }
0x150: {  	v46 =	vbroadcast v46, $0x0;
	v57 =	vadd.s32 v21, v43;
	v44 =	vld [tilespmem:s29+$0xFFFFFED0];
	[tilespmem:v41+s18+$0x0] =	vst.idx.msk $0xffff, v59  }
0x151: {  	v47 =	vshrl.u32 v47, $0x3;
	v58 =	vld [tilespmem:s29+$0xFFFFFF10];
	v59 =	vadd.s32 v25, v49;
	[tilespmem:v61+s18+$0x0] =	vst.idx.msk $0xffff, v60  }
0x152: {  	v47 =	vshll.u32 v47, v1;
	v42 =	vadd.s32 v29, v46;
	[tilespmem:v62+s18+$0x0] =	vst.idx.msk $0xffff, v7;
	v7 =	vld [tilespmem:s29+$0xFFFFFF50]  }
0x153: {  	[tilespmem:v5+s18+$0x0] =	vst.idx.msk $0xffff, v3;
	v3 =	vbroadcast v47, $0x0;
	v47 =	vadd.s32 v38, v2;
	v5 =	vld [tilespmem:s29+$0xFFFFFFE0]  }
0x154: {  	[tilespmem:v56+s18+$0x0] =	vst.idx.msk $0xffff, v63;
	v63 =	vadd.s32 v14, v0;
	v62 =	vld [tilespmem:s29+$0xFFFFFE60]  }
0x155: {  	v60 =	vld [tilespmem:s29+$0xFFFFFF90];
	v61 =	vadd.s32 v33, v3;
	[tilespmem:v57+s18+$0x0] =	vst.idx.msk $0xffff, v44  }
0x156: {  	v56 =	vld [tilespmem:s29+$0xFFFFFEA0];
	v57 =	vadd.s32 v18, v6;
	[tilespmem:v59+s18+$0x0] =	vst.idx.msk $0xffff, v58  }
0x157: {  	v58 =	vld [tilespmem:s29+$0xFFFFFEE0];
	v59 =	vadd.s32 v22, v43;
	[tilespmem:v42+s18+$0x0] =	vst.idx.msk $0xffff, v7  }
0x158: {  	v42 =	vld [tilespmem:s29+$0xFFFFFF20];
	[tilespmem:v47+s18+$0x0] =	vst.idx.msk $0xffff, v5;
	v47 =	vadd.s32 v26, v49  }
0x159: {  	v7 =	vadd.s32 v39, v2;
	[tilespmem:v63+s18+$0x0] =	vst.idx.msk $0xffff, v62;
	v5 =	vld [tilespmem:s29+$0xFFFFFFF0]  }
0x15a: {  	[tilespmem:v61+s18+$0x0] =	vst.idx.msk $0xffff, v60;
	v60 =	vld [tilespmem:s29+$0xFFFFFF60];
	v61 =	vadd.s32 v30, v46  }
0x15b: {  	v63 =	vld [tilespmem:s29+$0xFFFFFE20];
	[tilespmem:v57+s18+$0x0] =	vst.idx.msk $0xffff, v56;
	v57 =	vadd.s32 v10, v51  }
0x15c: {  	v62 =	vadd.s32 v34, v3;
	v44 =	vld [tilespmem:s29+$0xFFFFFFA0];
	[tilespmem:v59+s18+$0x0] =	vst.idx.msk $0xffff, v58  }
0x15d: {  	v58 =	vld [tilespmem:s29+$0xFFFFFE70];
	v59 =	vadd.s32 v15, v0;
	[tilespmem:v47+s18+$0x0] =	vst.idx.msk $0xffff, v42  }
0x15e: {  	v42 =	vadd.s32 v19, v6;
	[tilespmem:v7+s18+$0x0] =	vst.idx.msk $0xffff, v5;
	v7 =	vld [tilespmem:s29+$0xFFFFFEB0]  }
0x15f: {  	[tilespmem:v61+s18+$0x0] =	vst.idx.msk $0xffff, v60;
	v60 =	vld [tilespmem:s29+$0xFFFFFEF0];
	v61 =	vadd.s32 v23, v43  }
0x160: {  	v2 =	vadd.s32 v40, v2;
	[tilespmem:v57+s18+$0x0] =	vst.idx.msk $0xffff, v63;
	v5 =	vld [tilespmem:s29+$0x0]  }
0x161: {  	v63 =	vadd.s32 v27, v49;
	[tilespmem:v62+s18+$0x0] =	vst.idx.msk $0xffff, v44;
	v62 =	vld [tilespmem:s29+$0xFFFFFF30]  }
0x162: {  	v57 =	vadd.s32 v31, v46;
	[tilespmem:v59+s18+$0x0] =	vst.idx.msk $0xffff, v58;
	v56 =	vld [tilespmem:s29+$0xFFFFFF70]  }
0x163: {  	v59 =	vadd.s32 v35, v3;
	v58 =	vld [tilespmem:s29+$0xFFFFFFB0];
	[tilespmem:v42+s18+$0x0] =	vst.idx.msk $0xffff, v7  }
0x164: {  	v0 =	vadd.s32 v16, v0;
	v7 =	vld [tilespmem:s29+$0xFFFFFE80];
	[tilespmem:v61+s18+$0x0] =	vst.idx.msk $0xffff, v60  }
0x165: {  	[tilespmem:v2+s18+$0x0] =	vst.idx.msk $0xffff, v5;
	v2 =	vld [tilespmem:s29+$0xFFFFFE30];
	v5 =	vadd.s32 v11, v51  }
0x166: {  	v6 =	vadd.s32 v20, v6;
	v42 =	vld [tilespmem:s29+$0xFFFFFEC0];
	[tilespmem:v63+s18+$0x0] =	vst.idx.msk $0xffff, v62  }
0x167: {  	v43 =	vadd.s32 v24, v43;
	v60 =	vld [tilespmem:s29+$0xFFFFFF00];
	[tilespmem:v57+s18+$0x0] =	vst.idx.msk $0xffff, v56  }
0x168: {  	v62 =	vadd.s32 v28, v49;
	v61 =	vld [tilespmem:s29+$0xFFFFFF40];
	[tilespmem:v59+s18+$0x0] =	vst.idx.msk $0xffff, v58  }
0x169: {  	v3 =	vadd.s32 v36, v3;
	[tilespmem:v0+s18+$0x0] =	vst.idx.msk $0xffff, v7;
	v0 =	vld [tilespmem:s29+$0xFFFFFFC0]  }
0x16a: {  	[tilespmem:v5+s18+$0x0] =	vst.idx.msk $0xffff, v2;
	v2 =	vld [tilespmem:s29+$0xFFFFFF80];
	v5 =	vadd.s32 v32, v46  }
0x16b: {  	v63 =	vadd.s32 v12, v51;
	[tilespmem:v6+s18+$0x0] =	vst.idx.msk $0xffff, v42;
	v7 =	vld [tilespmem:s29+$0xFFFFFE40]  }
0x16c: {  	[tilespmem:v43+s18+$0x0] =	vst.idx.msk $0xffff, v60  }
0x16d: {  	s0 =	sshll.u32 s28, $0x14;
	[tilespmem:v62+s18+$0x0] =	vst.idx.msk $0xffff, v61  }
0x16e: {  	s0 =	sadd.s32 s23, s0;
	[tilespmem:v3+s18+$0x0] =	vst.idx.msk $0xffff, v0  }
0x16f: {  	s0 =	sshrl.u32 s0, $0x3;
	[tilespmem:v5+s18+$0x0] =	vst.idx.msk $0xffff, v2  }
0x170: {  	s4 =	sadd.s32 s1, s0;
	s0 =	simm.s32 $0x11280;
	[tilespmem:v63+s18+$0x0] =	vst.idx.msk $0xffff, v7  }
0x171: {  	[hbm4b:s4+s2] =	stream.linear.scatter [tilespmem:s0], [sflag:$0x2], $0x80, $0x38;
	[tilespmem:$0x13480] =	vst v63  }
0x172: {  	s28 =	sadd.s32 $0x10, s4;
	s0 =	simm.s32 $0x11308  }
0x173: {  	[hbm4b:s28+s2] =	stream.linear.scatter [tilespmem:s0], [sflag:$0x2], $0x80, $0x38;
	[tilespmem:$0x13480] =	vst v63  }
0x174: {  	s0 =	simm.s32 $0x11390;
	s28 =	sadd.s32 $0x20, s4  }
0x175: {  	[hbm4b:s28+s2] =	stream.linear.scatter [tilespmem:s0], [sflag:$0x2], $0x80, $0x38;
	[tilespmem:$0x13480] =	vst v63  }
0x176: {  	s0 =	simm.s32 $0x11418;
	s28 =	sadd.s32 $0x30, s4  }
0x177: {  	[hbm4b:s28+s2] =	stream.linear.scatter [tilespmem:s0], [sflag:$0x2], $0x80, $0x38;
	[tilespmem:$0x13480] =	vst v63  }
0x178: {  	s0 =	simm.s32 $0x114A0;
	s28 =	sadd.s32 $0x40, s4  }
0x179: {  	[hbm4b:s28+s2] =	stream.linear.scatter [tilespmem:s0], [sflag:$0x2], $0x80, $0x38;
	[tilespmem:$0x13480] =	vst v63  }
0x17a: {  	s30 =	simm.s32 $0x2200;
	s0 =	simm.s32 $0x11528;
	s28 =	sadd.s32 $0x50, s4  }
0x17b: {  	[hbm4b:s28+s2] =	stream.linear.scatter [tilespmem:s0], [sflag:$0x2], $0x80, $0x38;
	[tilespmem:$0x13480] =	vst v63  }
0x17c: {  	s31 =	sadd.s32 $0x70, s4;
	s0 =	simm.s32 $0x115B0;
	s28 =	sadd.s32 $0x60, s4  }
0x17d: {  	[hbm4b:s28+s2] =	stream.linear.scatter [tilespmem:s0], [sflag:$0x2], $0x80, $0x38;
	[tilespmem:$0x13480] =	vst v63  }
0x17e: {  	s29 =	sadd.s32 $0x4000, s4;
	s28 =	simm.s32 $0x440;
	s0 =	simm.s32 $0x11638  }
.LBB2_14:
0x17f: {  	[hbm4b:s31+s2] =	stream.linear.scatter [tilespmem:s0], [sflag:$0x2], $0x80, $0x38;
	[tilespmem:$0x13480] =	vst v63  }
0x180: {  	s0 =	smov.u32 s28;
	s4 =	smov.u32 s30  }
0x181: {  	s28 =	sshra.s32 s4, $0x2;
	s4 =	sadd.s32 $0x1100, s30;
	s31 =	sadd.s32 $0x11280, s0  }
0x182: {  	[hbm4b:s29+s2] =	stream.linear.scatter [tilespmem:s31], [sflag:$0x2], $0x80, $0x38;
	[tilespmem:$0x13480] =	vst v63  }
0x183: {  	p0 =	sne.s32 s30, $0x7700;
	s30 =	sadd.s32 $0x11308, s0;
	s31 =	sadd.s32 $0x10, s29  }
0x184: {  	[hbm4b:s31+s2] =	stream.linear.scatter [tilespmem:s30], [sflag:$0x2], $0x80, $0x38;
	[tilespmem:$0x13480] =	vst v63  }
0x185: {  	s30 =	sadd.s32 $0x11390, s0;
	s31 =	sadd.s32 $0x20, s29  }
0x186: {  	[hbm4b:s31+s2] =	stream.linear.scatter [tilespmem:s30], [sflag:$0x2], $0x80, $0x38;
	[tilespmem:$0x13480] =	vst v63  }
0x187: {  	s30 =	sadd.s32 $0x11418, s0;
	s31 =	sadd.s32 $0x30, s29  }
0x188: {  	[hbm4b:s31+s2] =	stream.linear.scatter [tilespmem:s30], [sflag:$0x2], $0x80, $0x38;
	[tilespmem:$0x13480] =	vst v63  }
0x189: {  	s30 =	sadd.s32 $0x114A0, s0;
	s31 =	sadd.s32 $0x40, s29  }
0x18a: {  	[hbm4b:s31+s2] =	stream.linear.scatter [tilespmem:s30], [sflag:$0x2], $0x80, $0x38;
	[tilespmem:$0x13480] =	vst v63  }
.Ltmp5:
0x18b: {  	s30 =	sadd.s32 $0x11528, s0;
	s31 =	sadd.s32 $0x50, s29;
	(pc) =	sbr.rel @p0 .LBB2_14-.Ltmp5, $4  }
0x18c: {  	[hbm4b:s31+s2] =	stream.linear.scatter [tilespmem:s30], [sflag:$0x2], $0x80, $0x38;
	[tilespmem:$0x13480] =	vst v63  }
0x18d: {  	s30 =	sadd.s32 $0x115B0, s0;
	s31 =	sadd.s32 $0x60, s29;
	s0 =	sadd.s32 $0x11638, s0  }
0x18e: {  	[hbm4b:s31+s2] =	stream.linear.scatter [tilespmem:s30], [sflag:$0x2], $0x80, $0x38;
	[tilespmem:$0x13480] =	vst v63  }
0x18f: {  	s31 =	sadd.s32 $0x70, s29;
	s29 =	sadd.s32 $0x4000, s29;
	s30 =	smov.u32 s4  }
0x190: {  	[hbm4b:s31+s2] =	stream.linear.scatter [tilespmem:s0], [sflag:$0x2], $0x80, $0x38;
	[tilespmem:$0x13480] =	vst v63  }
0x191: {  	s4 =	sadd.s32 $0x11280, s28  }
0x192: {  	[hbm4b:s29+s2] =	stream.linear.scatter [tilespmem:s4], [sflag:$0x2], $0x80, $0x38;
	[tilespmem:$0x13480] =	vst v63  }
0x193: {  	s0 =	sadd.s32 $0x11308, s28;
	s4 =	sadd.s32 $0x10, s29  }
0x194: {  	[hbm4b:s4+s2] =	stream.linear.scatter [tilespmem:s0], [sflag:$0x2], $0x80, $0x38;
	[tilespmem:$0x13480] =	vst v63  }
0x195: {  	s0 =	sadd.s32 $0x11390, s28;
	s4 =	sadd.s32 $0x20, s29  }
0x196: {  	[hbm4b:s4+s2] =	stream.linear.scatter [tilespmem:s0], [sflag:$0x2], $0x80, $0x38;
	[tilespmem:$0x13480] =	vst v63  }
0x197: {  	s0 =	sadd.s32 $0x11418, s28;
	s4 =	sadd.s32 $0x30, s29  }
0x198: {  	[hbm4b:s4+s2] =	stream.linear.scatter [tilespmem:s0], [sflag:$0x2], $0x80, $0x38;
	[tilespmem:$0x13480] =	vst v63  }
0x199: {  	s0 =	sadd.s32 $0x114A0, s28;
	s4 =	sadd.s32 $0x40, s29  }
0x19a: {  	[hbm4b:s4+s2] =	stream.linear.scatter [tilespmem:s0], [sflag:$0x2], $0x80, $0x38;
	[tilespmem:$0x13480] =	vst v63  }
0x19b: {  	s0 =	sadd.s32 $0x11528, s28;
	s4 =	sadd.s32 $0x50, s29  }
0x19c: {  	[hbm4b:s4+s2] =	stream.linear.scatter [tilespmem:s0], [sflag:$0x2], $0x80, $0x38;
	[tilespmem:$0x13480] =	vst v63  }
0x19d: {  	s0 =	sadd.s32 $0x115B0, s28;
	s4 =	sadd.s32 $0x60, s29  }
0x19e: {  	[hbm4b:s4+s2] =	stream.linear.scatter [tilespmem:s0], [sflag:$0x2], $0x80, $0x38;
	[tilespmem:$0x13480] =	vst v63  }
0x19f: {  	s0 =	sadd.s32 $0x11638, s28;
	s28 =	sor.u32 $0x2, s26  }
0x1a0: {  	s4 =	sadd.s32 $0x70, s29;
	p0 =	sgt.u32 s28, $0xC4  }
0x1a1: {  	[hbm4b:s4+s2] =	stream.linear.scatter [tilespmem:s0], [sflag:$0x2], $0x80, $0x38;
	[tilespmem:$0x13480] =	vst v63  }
0x1a2: {  	s0 =	sadd.s32 @!p0 $0x280, s25;
	s4 =	simm.s32 @!p0 $0x80;
	s29 =	simm.s32 @!p0 $0x9080  }
0x1a3: {  	[tilespmem:s29], [sflag:$0x1] =	stream.indirect.gather @!p0 [hbm4b:s5+s4], $0x40, s0, s4, $0xb8;
	[tilespmem:$0x13480] =	vst v63  }
0x1a4: {  	s4 =	simm.s32 $0x0;
	s0 =	simm.s32 $0x1;
	s29 =	simm.s32 $0x7  }
0x1a5: {  	v0 =	vmov s4;
	s4 =	simm.s32 $0x2;
	v2 =	vmov s0;
	s0 =	simm.s32 $0x3;
	v7 =	vmov s29  }
0x1a6: {  	_ =	swait.ge [sflag:s16], $0x2000;
	v0 =	vshrl.u32 v0, $0x3;
	v3 =	vmov s4;
	s4 =	simm.s32 $0x4;
	v5 =	vmov s0  }
0x1a7: {  	[sflag:s16] =	ssyncset.done $0x0;
	s0 =	simm.s32 $0x5;
	v7 =	vshrl.u32 v7, $0x3;
	v2 =	vshrl.u32 v2, $0x3;
	v6 =	vmov s4  }
0x1a8: {  	[sflag:s16] =	ssyncadd.s32 $0xFFFFE000;
	v44 =	vmov s0;
	s4 =	simm.s32 $0x6;
	v0 =	vshll.u32 v0, v1;
	v7 =	vshll.u32 v7, v1  }
0x1a9: {  	v3 =	vshrl.u32 v3, $0x3;
	v5 =	vshrl.u32 v5, $0x3;
	_ =	swait.ge [sflag:s19], $0x2000;
	v45 =	vmov s4  }
0x1aa: {  	v7 =	vbroadcast v7, $0x0;
	v6 =	vshrl.u32 v6, $0x3;
	v41 =	vbroadcast v0, $0x0;
	[sflag:s19] =	ssyncset.done $0x0  }
0x1ab: {  	s29 =	simm.s32 $0xB270;
	v0 =	vshll.u32 v2, v1;
	v2 =	vshll.u32 v3, v1;
	v5 =	vshll.u32 v5, v1;
	[sflag:s19] =	ssyncadd.s32 $0xFFFFE000  }
0x1ac: {  	v0 =	vbroadcast v0, $0x0;
	v2 =	vbroadcast v2, $0x0;
	v46 =	vadd.s32 v37, v7;
	v3 =	vld [tilespmem:s29+$0xFFFFFFD0]  }
0x1ad: {  	v43 =	vbroadcast v5, $0x0;
	v5 =	vshll.u32 v6, v1;
	v48 =	vadd.s32 v4, v41;
	v47 =	vld [tilespmem:s29+$0xFFFFFE10]  }
0x1ae: {  	v42 =	vbroadcast v5, $0x0;
	v5 =	vshrl.u32 v44, $0x3;
	v6 =	vld [tilespmem:s29+$0xFFFFFE90];
	v51 =	vadd.s32 v17, v2  }
0x1af: {  	v60 =	vshrl.u32 v45, $0x3;
	v49 =	vld [tilespmem:s29+$0xFFFFFE50];
	v50 =	vadd.s32 v13, v0;
	v5 =	vshll.u32 v5, v1  }
0x1b0: {  	v52 =	vld [tilespmem:s29+$0xFFFFFED0];
	v53 =	vadd.s32 v21, v43;
	v45 =	vbroadcast v5, $0x0;
	v5 =	vshll.u32 v60, v1  }
0x1b1: {  	v54 =	vld [tilespmem:s29+$0xFFFFFF10];
	v55 =	vadd.s32 v25, v42;
	v44 =	vbroadcast v5, $0x0;
	[tilespmem:v46+s17+$0x0] =	vst.idx.msk $0xffff, v3  }
0x1b2: {  	v61 =	vld [tilespmem:s29+$0xFFFFFF50];
	v62 =	vadd.s32 v29, v45;
	[tilespmem:v48+s17+$0x0] =	vst.idx.msk $0xffff, v47  }
0x1b3: {  	v63 =	vadd.s32 v33, v44;
	[tilespmem:v51+s17+$0x0] =	vst.idx.msk $0xffff, v6;
	v6 =	vld [tilespmem:s29+$0xFFFFFF90]  }
0x1b4: {  	v5 =	vadd.s32 v38, v7;
	[tilespmem:v50+s17+$0x0] =	vst.idx.msk $0xffff, v49;
	v3 =	vld [tilespmem:s29+$0xFFFFFFE0]  }
0x1b5: {  	v57 =	vadd.s32 v14, v0;
	[tilespmem:v53+s17+$0x0] =	vst.idx.msk $0xffff, v52;
	v49 =	vld [tilespmem:s29+$0xFFFFFE60]  }
0x1b6: {  	v58 =	vadd.s32 v18, v2;
	v51 =	vld [tilespmem:s29+$0xFFFFFEA0];
	[tilespmem:v55+s17+$0x0] =	vst.idx.msk $0xffff, v54  }
0x1b7: {  	v59 =	vadd.s32 v22, v43;
	v53 =	vld [tilespmem:s29+$0xFFFFFEE0];
	[tilespmem:v62+s17+$0x0] =	vst.idx.msk $0xffff, v61  }
0x1b8: {  	v47 =	vadd.s32 v26, v42;
	v46 =	vld [tilespmem:s29+$0xFFFFFF20];
	[tilespmem:v63+s17+$0x0] =	vst.idx.msk $0xffff, v6  }
0x1b9: {  	v60 =	vadd.s32 v30, v45;
	v6 =	vld [tilespmem:s29+$0xFFFFFF60];
	[tilespmem:v5+s17+$0x0] =	vst.idx.msk $0xffff, v3  }
0x1ba: {  	v63 =	vld [tilespmem:s29+$0xFFFFFE20];
	[tilespmem:v57+s17+$0x0] =	vst.idx.msk $0xffff, v49;
	v57 =	vadd.s32 v10, v41  }
0x1bb: {  	v5 =	vadd.s32 v39, v7;
	[tilespmem:v58+s17+$0x0] =	vst.idx.msk $0xffff, v51;
	v3 =	vld [tilespmem:s29+$0xFFFFFFF0]  }
0x1bc: {  	v62 =	vadd.s32 v34, v44;
	v61 =	vld [tilespmem:s29+$0xFFFFFFA0];
	[tilespmem:v59+s17+$0x0] =	vst.idx.msk $0xffff, v53  }
0x1bd: {  	v59 =	vadd.s32 v15, v0;
	v58 =	vld [tilespmem:s29+$0xFFFFFE70];
	[tilespmem:v47+s17+$0x0] =	vst.idx.msk $0xffff, v46  }
0x1be: {  	v47 =	vadd.s32 v23, v43;
	[tilespmem:v60+s17+$0x0] =	vst.idx.msk $0xffff, v6;
	v6 =	vld [tilespmem:s29+$0xFFFFFEF0]  }
0x1bf: {  	v8 =	vld [tilespmem:s29+$0xFFFFFF30];
	[tilespmem:v57+s17+$0x0] =	vst.idx.msk $0xffff, v63;
	v63 =	vadd.s32 v27, v42  }
0x1c0: {  	v46 =	vadd.s32 v19, v2;
	[tilespmem:v5+s17+$0x0] =	vst.idx.msk $0xffff, v3;
	v5 =	vadd.s32 v40, v7;
	v7 =	vld [tilespmem:s29+$0xFFFFFEB0]  }
0x1c1: {  	s4 =	simm.s32 $0x8;
	[tilespmem:v62+s17+$0x0] =	vst.idx.msk $0xffff, v61;
	v3 =	vld [tilespmem:s29+$0x0]  }
0x1c2: {  	v49 =	vadd.s32 v31, v45;
	v62 =	vmov s4;
	s4 =	simm.s32 $0x9;
	v48 =	vld [tilespmem:s29+$0xFFFFFF70];
	[tilespmem:v59+s17+$0x0] =	vst.idx.msk $0xffff, v58  }
0x1c3: {  	v56 =	vadd.s32 v11, v41;
	v51 =	vadd.s32 v35, v44;
	v61 =	vmov s4;
	s4 =	simm.s32 $0xB;
	v50 =	vld [tilespmem:s29+$0xFFFFFFB0];
	[tilespmem:v47+s17+$0x0] =	vst.idx.msk $0xffff, v6  }
0x1c4: {  	s0 =	simm.s32 $0xA;
	v60 =	vadd.s32 v20, v2;
	v53 =	vshrl.u32 v62, $0x3;
	v54 =	vld [tilespmem:s29+$0xFFFFFE30];
	v52 =	vmov s4;
	s4 =	simm.s32 $0xD;
	[tilespmem:v63+s17+$0x0] =	vst.idx.msk $0xffff, v8  }
0x1c5: {  	v62 =	vmov s0;
	s0 =	simm.s32 $0xC;
	v59 =	vadd.s32 v16, v0;
	v57 =	vld [tilespmem:s29+$0xFFFFFE80];
	[tilespmem:v46+s17+$0x0] =	vst.idx.msk $0xffff, v7;
	v46 =	vmov s4;
	s4 =	simm.s32 $0xE  }
0x1c6: {  	s31 =	simm.s32 $0xF;
	s30 =	simm.s32 $0x10;
	v55 =	vmov s0;
	v53 =	vshll.u32 v53, v1;
	[tilespmem:v5+s17+$0x0] =	vst.idx.msk $0xffff, v3;
	v47 =	vmov s4;
	v58 =	vld [tilespmem:s29+$0xFFFFFEC0]  }
.LBB2_16:
0x1c7: {  	p0 =	slt.u32 s30, $0x78;
	v0 =	vshrl.u32 v61, $0x3;
	v2 =	vmov s31;
	v3 =	vld [tilespmem:s29+$0xFFFFFF00];
	v5 =	vadd.s32 v24, v43;
	[tilespmem:v49+s17+$0x0] =	vst.idx.msk $0xffff, v48  }
0x1c8: {  	v6 =	vshrl.u32 v62, $0x3;
	v42 =	vadd.s32 v28, v42;
	v2 =	vshrl.u32 v2, $0x3;
	v7 =	vld [tilespmem:s29+$0xFFFFFF40];
	[tilespmem:v51+s17+$0x0] =	vst.idx.msk $0xffff, v50  }
0x1c9: {  	v43 =	vshrl.u32 v52, $0x3;
	v45 =	vadd.s32 v32, v45;
	v2 =	vshll.u32 v2, v1;
	[tilespmem:v56+s17+$0x0] =	vst.idx.msk $0xffff, v54;
	v48 =	vld [tilespmem:s29+$0xFFFFFF80]  }
0x1ca: {  	v49 =	vshrl.u32 v55, $0x3;
	v44 =	vadd.s32 v36, v44;
	v2 =	vbroadcast v2, $0x0;
	[tilespmem:v59+s17+$0x0] =	vst.idx.msk $0xffff, v57;
	v50 =	vld [tilespmem:s29+$0xFFFFFFC0]  }
0x1cb: {  	v52 =	vadd.s32 v12, v41;
	v41 =	vbroadcast v53, $0x0;
	v0 =	vshll.u32 v0, v1;
	v51 =	vld [tilespmem:s29+$0xFFFFFE40];
	[tilespmem:v60+s17+$0x0] =	vst.idx.msk $0xffff, v58;
	s29 =	sadd.s32 $0x200, s29  }
0x1cc: {  	v6 =	vshll.u32 v6, v1;
	v0 =	vbroadcast v0, $0x0;
	v53 =	vld [tilespmem:s29+$0xFFFFFFD0];
	v54 =	vadd.s32 v37, v2;
	[tilespmem:v5+s17+$0x0] =	vst.idx.msk $0xffff, v3  }
0x1cd: {  	v43 =	vshll.u32 v43, v1;
	v6 =	vbroadcast v6, $0x0;
	v5 =	vadd.s32 v4, v41;
	v3 =	vld [tilespmem:s29+$0xFFFFFE10];
	[tilespmem:v42+s17+$0x0] =	vst.idx.msk $0xffff, v7  }
0x1ce: {  	v43 =	vbroadcast v43, $0x0;
	v55 =	vadd.s32 v13, v0;
	v42 =	vshll.u32 v49, v1;
	v7 =	vld [tilespmem:s29+$0xFFFFFE50];
	[tilespmem:v45+s17+$0x0] =	vst.idx.msk $0xffff, v48  }
0x1cf: {  	v49 =	vadd.s32 v17, v6;
	v42 =	vbroadcast v42, $0x0;
	v45 =	vshrl.u32 v46, $0x3;
	v48 =	vld [tilespmem:s29+$0xFFFFFE90];
	[tilespmem:v44+s17+$0x0] =	vst.idx.msk $0xffff, v50  }
0x1d0: {  	v47 =	vshrl.u32 v47, $0x3;
	v50 =	vadd.s32 v21, v43;
	v44 =	vshll.u32 v45, v1;
	v46 =	vld [tilespmem:s29+$0xFFFFFED0];
	[tilespmem:v52+s17+$0x0] =	vst.idx.msk $0xffff, v51  }
0x1d1: {  	v52 =	vadd.s32 v25, v42;
	v45 =	vbroadcast v44, $0x0;
	v44 =	vshll.u32 v47, v1;
	v51 =	vld [tilespmem:s29+$0xFFFFFF10];
	[tilespmem:v54+s17+$0x0] =	vst.idx.msk $0xffff, v53  }
0x1d2: {  	v44 =	vbroadcast v44, $0x0;
	[tilespmem:v5+s17+$0x0] =	vst.idx.msk $0xffff, v3;
	v3 =	vld [tilespmem:s29+$0xFFFFFFE0];
	v5 =	vadd.s32 v38, v2  }
0x1d3: {  	v47 =	vadd.s32 v29, v45;
	[tilespmem:v55+s17+$0x0] =	vst.idx.msk $0xffff, v7;
	v7 =	vld [tilespmem:s29+$0xFFFFFF50]  }
0x1d4: {  	[tilespmem:v49+s17+$0x0] =	vst.idx.msk $0xffff, v48;
	v48 =	vld [tilespmem:s29+$0xFFFFFF90];
	v49 =	vadd.s32 v33, v44  }
0x1d5: {  	v54 =	vadd.s32 v14, v0;
	v53 =	vld [tilespmem:s29+$0xFFFFFE60];
	[tilespmem:v50+s17+$0x0] =	vst.idx.msk $0xffff, v46  }
0x1d6: {  	v50 =	vadd.s32 v18, v6;
	v46 =	vld [tilespmem:s29+$0xFFFFFEA0];
	[tilespmem:v52+s17+$0x0] =	vst.idx.msk $0xffff, v51  }
0x1d7: {  	v52 =	vadd.s32 v22, v43;
	v51 =	vld [tilespmem:s29+$0xFFFFFEE0];
	[tilespmem:v5+s17+$0x0] =	vst.idx.msk $0xffff, v3  }
0x1d8: {  	v5 =	vadd.s32 v39, v2;
	[tilespmem:v47+s17+$0x0] =	vst.idx.msk $0xffff, v7;
	v3 =	vld [tilespmem:s29+$0xFFFFFFF0]  }
0x1d9: {  	v47 =	vadd.s32 v26, v42;
	v7 =	vld [tilespmem:s29+$0xFFFFFF20];
	[tilespmem:v49+s17+$0x0] =	vst.idx.msk $0xffff, v48  }
0x1da: {  	v49 =	vadd.s32 v30, v45;
	[tilespmem:v54+s17+$0x0] =	vst.idx.msk $0xffff, v53;
	v48 =	vld [tilespmem:s29+$0xFFFFFF60]  }
0x1db: {  	[tilespmem:v50+s17+$0x0] =	vst.idx.msk $0xffff, v46;
	v46 =	vld [tilespmem:s29+$0xFFFFFFA0];
	v50 =	vadd.s32 v34, v44  }
0x1dc: {  	v54 =	vadd.s32 v10, v41;
	v53 =	vld [tilespmem:s29+$0xFFFFFE20];
	[tilespmem:v52+s17+$0x0] =	vst.idx.msk $0xffff, v51  }
0x1dd: {  	v52 =	vadd.s32 v15, v0;
	v51 =	vld [tilespmem:s29+$0xFFFFFE70];
	[tilespmem:v5+s17+$0x0] =	vst.idx.msk $0xffff, v3  }
0x1de: {  	v2 =	vadd.s32 v40, v2;
	[tilespmem:v47+s17+$0x0] =	vst.idx.msk $0xffff, v7;
	v3 =	vld [tilespmem:s29+$0x0]  }
0x1df: {  	v7 =	vadd.s32 v19, v6;
	v5 =	vld [tilespmem:s29+$0xFFFFFEB0];
	[tilespmem:v49+s17+$0x0] =	vst.idx.msk $0xffff, v48  }
0x1e0: {  	v58 =	vadd.s32 v23, v43;
	v47 =	vld [tilespmem:s29+$0xFFFFFEF0];
	[tilespmem:v50+s17+$0x0] =	vst.idx.msk $0xffff, v46  }
0x1e1: {  	v8 =	vadd.s32 v27, v42;
	[tilespmem:v54+s17+$0x0] =	vst.idx.msk $0xffff, v53;
	v63 =	vld [tilespmem:s29+$0xFFFFFF30]  }
.Ltmp6:
0x1e2: {  	s0 =	sadd.s32 $0x1, s30;
	v49 =	vadd.s32 v31, v45;
	v46 =	vmov s30;
	[tilespmem:v52+s17+$0x0] =	vst.idx.msk $0xffff, v51;
	v48 =	vld [tilespmem:s29+$0xFFFFFF70];
	(pc) =	sbr.rel @p0 .LBB2_16-.Ltmp6, $4  }
0x1e3: {  	s4 =	sadd.s32 $0x3, s30;
	v61 =	vmov s0;
	s0 =	sadd.s32 $0x2, s30;
	v53 =	vshrl.u32 v46, $0x3;
	v51 =	vadd.s32 v35, v44;
	v50 =	vld [tilespmem:s29+$0xFFFFFFB0];
	[tilespmem:v2+s17+$0x0] =	vst.idx.msk $0xffff, v3  }
0x1e4: {  	v62 =	vmov s0;
	s0 =	sadd.s32 $0x4, s30;
	v56 =	vadd.s32 v11, v41;
	v52 =	vmov s4;
	s4 =	sadd.s32 $0x5, s30;
	v54 =	vld [tilespmem:s29+$0xFFFFFE30];
	[tilespmem:v7+s17+$0x0] =	vst.idx.msk $0xffff, v5  }
0x1e5: {  	v59 =	vadd.s32 v16, v0;
	v55 =	vmov s0;
	s0 =	sadd.s32 $0x6, s30;
	v46 =	vmov s4;
	v57 =	vld [tilespmem:s29+$0xFFFFFE80];
	[tilespmem:v58+s17+$0x0] =	vst.idx.msk $0xffff, v47  }
0x1e6: {  	s31 =	sadd.s32 $0x7, s30;
	v60 =	vadd.s32 v20, v6;
	v53 =	vshll.u32 v53, v1;
	s30 =	sadd.s32 $0x8, s30;
	v47 =	vmov s0;
	v58 =	vld [tilespmem:s29+$0xFFFFFEC0];
	[tilespmem:v8+s17+$0x0] =	vst.idx.msk $0xffff, v63  }
0x1e7: {  	_ =	sdelay $0x3  }
0x1e8: {  	v0 =	vshrl.u32 v61, $0x3;
	v2 =	vmov s31;
	v3 =	vld [tilespmem:s29+$0xFFFFFF00];
	v5 =	vadd.s32 v24, v43;
	[tilespmem:v49+s17+$0x0] =	vst.idx.msk $0xffff, v48  }
0x1e9: {  	v6 =	vshrl.u32 v62, $0x3;
	v7 =	vld [tilespmem:s29+$0xFFFFFF40];
	v8 =	vadd.s32 v28, v42;
	v42 =	vshrl.u32 v52, $0x3;
	[tilespmem:v51+s17+$0x0] =	vst.idx.msk $0xffff, v50  }
0x1ea: {  	v45 =	vadd.s32 v32, v45;
	v2 =	vshrl.u32 v2, $0x3;
	v43 =	vld [tilespmem:s29+$0xFFFFFF80];
	v6 =	vshll.u32 v6, v1;
	[tilespmem:v56+s17+$0x0] =	vst.idx.msk $0xffff, v54  }
0x1eb: {  	v44 =	vadd.s32 v36, v44;
	v2 =	vshll.u32 v2, v1;
	v6 =	vbroadcast v6, $0x0;
	[tilespmem:v59+s17+$0x0] =	vst.idx.msk $0xffff, v57;
	v59 =	vld [tilespmem:s29+$0xFFFFFFC0]  }
0x1ec: {  	v0 =	vshll.u32 v0, v1;
	v56 =	vshrl.u32 v55, $0x3;
	v2 =	vbroadcast v2, $0x0;
	v61 =	vld [tilespmem:s29+$0xFFFFFE40];
	s29 =	sadd.s32 $0x200, s29  }
0x1ed: {  	v0 =	vbroadcast v0, $0x0;
	v48 =	vshll.u32 v56, v1;
	[tilespmem:v60+s17+$0x0] =	vst.idx.msk $0xffff, v58;
	v55 =	vld [tilespmem:s29+$0xFFFFFE90];
	v56 =	vadd.s32 v17, v6  }
0x1ee: {  	v50 =	vbroadcast v53, $0x0;
	v42 =	vshll.u32 v42, v1;
	v62 =	vld [tilespmem:s29+$0xFFFFFFD0];
	v63 =	vadd.s32 v37, v2;
	[tilespmem:v5+s17+$0x0] =	vst.idx.msk $0xffff, v3  }
0x1ef: {  	v42 =	vbroadcast v42, $0x0;
	[tilespmem:v8+s17+$0x0] =	vst.idx.msk $0xffff, v7;
	v7 =	vld [tilespmem:s29+$0xFFFFFE50];
	v8 =	vadd.s32 v13, v0  }
0x1f0: {  	v46 =	vshrl.u32 v46, $0x3;
	v3 =	vld [tilespmem:s29+$0xFFFFFE10];
	v5 =	vadd.s32 v4, v50;
	[tilespmem:v45+s17+$0x0] =	vst.idx.msk $0xffff, v43  }
0x1f1: {  	v46 =	vshll.u32 v46, v1;
	v48 =	vbroadcast v48, $0x0;
	v57 =	vld [tilespmem:s29+$0xFFFFFED0];
	v58 =	vadd.s32 v21, v42;
	[tilespmem:v44+s17+$0x0] =	vst.idx.msk $0xffff, v59  }
0x1f2: {  	v41 =	vadd.s32 v12, v41;
	v46 =	vbroadcast v46, $0x0;
	[tilespmem:v56+s17+$0x0] =	vst.idx.msk $0xffff, v55  }
0x1f3: {  	v47 =	vshrl.u32 v47, $0x3;
	v60 =	vadd.s32 v25, v48;
	v59 =	vld [tilespmem:s29+$0xFFFFFF10];
	[tilespmem:v63+s17+$0x0] =	vst.idx.msk $0xffff, v62  }
0x1f4: {  	v47 =	vshll.u32 v47, v1;
	[tilespmem:v8+s17+$0x0] =	vst.idx.msk $0xffff, v7;
	v7 =	vld [tilespmem:s29+$0xFFFFFF50];
	v8 =	vadd.s32 v29, v46  }
0x1f5: {  	[tilespmem:v5+s17+$0x0] =	vst.idx.msk $0xffff, v3;
	v3 =	vbroadcast v47, $0x0;
	v47 =	vadd.s32 v38, v2;
	v5 =	vld [tilespmem:s29+$0xFFFFFFE0]  }
0x1f6: {  	[tilespmem:v58+s17+$0x0] =	vst.idx.msk $0xffff, v57;
	v58 =	vadd.s32 v18, v6;
	v57 =	vld [tilespmem:s29+$0xFFFFFEA0]  }
0x1f7: {  	[tilespmem:v41+s17+$0x0] =	vst.idx.msk $0xffff, v61;
	v61 =	vld [tilespmem:s29+$0xFFFFFF90];
	v62 =	vadd.s32 v33, v3  }
0x1f8: {  	v56 =	vadd.s32 v14, v0;
	v63 =	vld [tilespmem:s29+$0xFFFFFE60];
	[tilespmem:v60+s17+$0x0] =	vst.idx.msk $0xffff, v59  }
0x1f9: {  	v59 =	vld [tilespmem:s29+$0xFFFFFEE0];
	v60 =	vadd.s32 v22, v42;
	[tilespmem:v8+s17+$0x0] =	vst.idx.msk $0xffff, v7  }
0x1fa: {  	v8 =	vld [tilespmem:s29+$0xFFFFFF20];
	[tilespmem:v47+s17+$0x0] =	vst.idx.msk $0xffff, v5;
	v47 =	vadd.s32 v26, v48  }
0x1fb: {  	v7 =	vadd.s32 v39, v2;
	[tilespmem:v58+s17+$0x0] =	vst.idx.msk $0xffff, v57;
	v5 =	vld [tilespmem:s29+$0xFFFFFFF0]  }
0x1fc: {  	[tilespmem:v62+s17+$0x0] =	vst.idx.msk $0xffff, v61;
	v61 =	vld [tilespmem:s29+$0xFFFFFF60];
	v62 =	vadd.s32 v30, v46  }
0x1fd: {  	v57 =	vld [tilespmem:s29+$0xFFFFFE20];
	v58 =	vadd.s32 v10, v50;
	[tilespmem:v56+s17+$0x0] =	vst.idx.msk $0xffff, v63  }
0x1fe: {  	v56 =	vadd.s32 v34, v3;
	v63 =	vld [tilespmem:s29+$0xFFFFFFA0];
	[tilespmem:v60+s17+$0x0] =	vst.idx.msk $0xffff, v59  }
0x1ff: {  	v59 =	vld [tilespmem:s29+$0xFFFFFE70];
	v60 =	vadd.s32 v15, v0;
	[tilespmem:v47+s17+$0x0] =	vst.idx.msk $0xffff, v8  }
0x200: {  	v8 =	vadd.s32 v19, v6;
	[tilespmem:v7+s17+$0x0] =	vst.idx.msk $0xffff, v5;
	v7 =	vld [tilespmem:s29+$0xFFFFFEB0]  }
0x201: {  	[tilespmem:v62+s17+$0x0] =	vst.idx.msk $0xffff, v61;
	v61 =	vld [tilespmem:s29+$0xFFFFFEF0];
	v62 =	vadd.s32 v23, v42  }
0x202: {  	v2 =	vadd.s32 v40, v2;
	[tilespmem:v58+s17+$0x0] =	vst.idx.msk $0xffff, v57;
	v5 =	vld [tilespmem:s29+$0x0]  }
0x203: {  	[tilespmem:v56+s17+$0x0] =	vst.idx.msk $0xffff, v63;
	v63 =	vld [tilespmem:s29+$0xFFFFFF30];
	v56 =	vadd.s32 v27, v48  }
0x204: {  	v58 =	vadd.s32 v31, v46;
	[tilespmem:v60+s17+$0x0] =	vst.idx.msk $0xffff, v59;
	v57 =	vld [tilespmem:s29+$0xFFFFFF70]  }
0x205: {  	v60 =	vadd.s32 v35, v3;
	v59 =	vld [tilespmem:s29+$0xFFFFFFB0];
	[tilespmem:v8+s17+$0x0] =	vst.idx.msk $0xffff, v7  }
0x206: {  	v0 =	vadd.s32 v16, v0;
	v7 =	vld [tilespmem:s29+$0xFFFFFE80];
	[tilespmem:v62+s17+$0x0] =	vst.idx.msk $0xffff, v61  }
0x207: {  	[tilespmem:v2+s17+$0x0] =	vst.idx.msk $0xffff, v5;
	v2 =	vld [tilespmem:s29+$0xFFFFFE30];
	v5 =	vadd.s32 v11, v50  }
0x208: {  	v6 =	vadd.s32 v20, v6;
	v8 =	vld [tilespmem:s29+$0xFFFFFEC0];
	[tilespmem:v56+s17+$0x0] =	vst.idx.msk $0xffff, v63  }
0x209: {  	v42 =	vadd.s32 v24, v42;
	v43 =	vld [tilespmem:s29+$0xFFFFFF00];
	[tilespmem:v58+s17+$0x0] =	vst.idx.msk $0xffff, v57  }
0x20a: {  	v62 =	vadd.s32 v28, v48;
	v61 =	vld [tilespmem:s29+$0xFFFFFF40];
	[tilespmem:v60+s17+$0x0] =	vst.idx.msk $0xffff, v59  }
0x20b: {  	v3 =	vadd.s32 v36, v3;
	[tilespmem:v0+s17+$0x0] =	vst.idx.msk $0xffff, v7;
	v0 =	vld [tilespmem:s29+$0xFFFFFFC0]  }
0x20c: {  	[tilespmem:v5+s17+$0x0] =	vst.idx.msk $0xffff, v2;
	v2 =	vld [tilespmem:s29+$0xFFFFFF80];
	v5 =	vadd.s32 v32, v46  }
0x20d: {  	v63 =	vadd.s32 v12, v50;
	[tilespmem:v6+s17+$0x0] =	vst.idx.msk $0xffff, v8;
	v7 =	vld [tilespmem:s29+$0xFFFFFE40]  }
0x20e: {  	[tilespmem:v42+s17+$0x0] =	vst.idx.msk $0xffff, v43  }
0x20f: {  	s0 =	sshll.u32 s28, $0x14;
	[tilespmem:v62+s17+$0x0] =	vst.idx.msk $0xffff, v61  }
0x210: {  	s0 =	sadd.s32 s23, s0;
	[tilespmem:v3+s17+$0x0] =	vst.idx.msk $0xffff, v0  }
0x211: {  	s0 =	sshrl.u32 s0, $0x3;
	[tilespmem:v5+s17+$0x0] =	vst.idx.msk $0xffff, v2  }
0x212: {  	s4 =	sadd.s32 s1, s0;
	s0 =	simm.s32 $0xF080;
	[tilespmem:v63+s17+$0x0] =	vst.idx.msk $0xffff, v7  }
0x213: {  	[hbm4b:s4+s2] =	stream.linear.scatter [tilespmem:s0], [sflag:$0x2], $0x80, $0x38;
	[tilespmem:$0x13480] =	vst v63  }
0x214: {  	s28 =	sadd.s32 $0x10, s4;
	s0 =	simm.s32 $0xF108  }
0x215: {  	[hbm4b:s28+s2] =	stream.linear.scatter [tilespmem:s0], [sflag:$0x2], $0x80, $0x38;
	[tilespmem:$0x13480] =	vst v63  }
0x216: {  	s0 =	simm.s32 $0xF190;
	s28 =	sadd.s32 $0x20, s4  }
0x217: {  	[hbm4b:s28+s2] =	stream.linear.scatter [tilespmem:s0], [sflag:$0x2], $0x80, $0x38;
	[tilespmem:$0x13480] =	vst v63  }
0x218: {  	s0 =	simm.s32 $0xF218;
	s28 =	sadd.s32 $0x30, s4  }
0x219: {  	[hbm4b:s28+s2] =	stream.linear.scatter [tilespmem:s0], [sflag:$0x2], $0x80, $0x38;
	[tilespmem:$0x13480] =	vst v63  }
0x21a: {  	s0 =	simm.s32 $0xF2A0;
	s28 =	sadd.s32 $0x40, s4  }
0x21b: {  	[hbm4b:s28+s2] =	stream.linear.scatter [tilespmem:s0], [sflag:$0x2], $0x80, $0x38;
	[tilespmem:$0x13480] =	vst v63  }
0x21c: {  	s30 =	simm.s32 $0x2200;
	s0 =	simm.s32 $0xF328;
	s28 =	sadd.s32 $0x50, s4  }
0x21d: {  	[hbm4b:s28+s2] =	stream.linear.scatter [tilespmem:s0], [sflag:$0x2], $0x80, $0x38;
	[tilespmem:$0x13480] =	vst v63  }
0x21e: {  	s31 =	sadd.s32 $0x70, s4;
	s0 =	simm.s32 $0xF3B0;
	s28 =	sadd.s32 $0x60, s4  }
0x21f: {  	[hbm4b:s28+s2] =	stream.linear.scatter [tilespmem:s0], [sflag:$0x2], $0x80, $0x38;
	[tilespmem:$0x13480] =	vst v63  }
0x220: {  	s29 =	sadd.s32 $0x4000, s4;
	s28 =	simm.s32 $0x440;
	s0 =	simm.s32 $0xF438  }
.LBB2_18:
0x221: {  	[hbm4b:s31+s2] =	stream.linear.scatter [tilespmem:s0], [sflag:$0x2], $0x80, $0x38;
	[tilespmem:$0x13480] =	vst v63  }
0x222: {  	s0 =	smov.u32 s28;
	s4 =	smov.u32 s30  }
0x223: {  	s28 =	sshra.s32 s4, $0x2;
	s4 =	sadd.s32 $0x1100, s30;
	s31 =	sadd.s32 $0xF080, s0  }
0x224: {  	[hbm4b:s29+s2] =	stream.linear.scatter [tilespmem:s31], [sflag:$0x2], $0x80, $0x38;
	[tilespmem:$0x13480] =	vst v63  }
0x225: {  	p0 =	sne.s32 s30, $0x7700;
	s30 =	sadd.s32 $0xF108, s0;
	s31 =	sadd.s32 $0x10, s29  }
0x226: {  	[hbm4b:s31+s2] =	stream.linear.scatter [tilespmem:s30], [sflag:$0x2], $0x80, $0x38;
	[tilespmem:$0x13480] =	vst v63  }
0x227: {  	s30 =	sadd.s32 $0xF190, s0;
	s31 =	sadd.s32 $0x20, s29  }
0x228: {  	[hbm4b:s31+s2] =	stream.linear.scatter [tilespmem:s30], [sflag:$0x2], $0x80, $0x38;
	[tilespmem:$0x13480] =	vst v63  }
0x229: {  	s30 =	sadd.s32 $0xF218, s0;
	s31 =	sadd.s32 $0x30, s29  }
0x22a: {  	[hbm4b:s31+s2] =	stream.linear.scatter [tilespmem:s30], [sflag:$0x2], $0x80, $0x38;
	[tilespmem:$0x13480] =	vst v63  }
0x22b: {  	s30 =	sadd.s32 $0xF2A0, s0;
	s31 =	sadd.s32 $0x40, s29  }
0x22c: {  	[hbm4b:s31+s2] =	stream.linear.scatter [tilespmem:s30], [sflag:$0x2], $0x80, $0x38;
	[tilespmem:$0x13480] =	vst v63  }
.Ltmp7:
0x22d: {  	s30 =	sadd.s32 $0xF328, s0;
	s31 =	sadd.s32 $0x50, s29;
	(pc) =	sbr.rel @p0 .LBB2_18-.Ltmp7, $4  }
0x22e: {  	[hbm4b:s31+s2] =	stream.linear.scatter [tilespmem:s30], [sflag:$0x2], $0x80, $0x38;
	[tilespmem:$0x13480] =	vst v63  }
0x22f: {  	s30 =	sadd.s32 $0xF3B0, s0;
	s31 =	sadd.s32 $0x60, s29;
	s0 =	sadd.s32 $0xF438, s0  }
0x230: {  	[hbm4b:s31+s2] =	stream.linear.scatter [tilespmem:s30], [sflag:$0x2], $0x80, $0x38;
	[tilespmem:$0x13480] =	vst v63  }
0x231: {  	s31 =	sadd.s32 $0x70, s29;
	s29 =	sadd.s32 $0x4000, s29;
	s30 =	smov.u32 s4  }
0x232: {  	[hbm4b:s31+s2] =	stream.linear.scatter [tilespmem:s0], [sflag:$0x2], $0x80, $0x38;
	[tilespmem:$0x13480] =	vst v63  }
0x233: {  	s30 =	sadd.s32 $0xF080, s28  }
0x234: {  	[hbm4b:s29+s2] =	stream.linear.scatter [tilespmem:s30], [sflag:$0x2], $0x80, $0x38;
	[tilespmem:$0x13480] =	vst v63  }
0x235: {  	s31 =	sadd.s32 $0xF108, s28;
	s4 =	sadd.s32 $0x10, s29  }
0x236: {  	[hbm4b:s4+s2] =	stream.linear.scatter [tilespmem:s31], [sflag:$0x2], $0x80, $0x38;
	[tilespmem:$0x13480] =	vst v63  }
0x237: {  	s30 =	sadd.s32 $0xF190, s28;
	s31 =	sadd.s32 $0x20, s29  }
0x238: {  	[hbm4b:s31+s2] =	stream.linear.scatter [tilespmem:s30], [sflag:$0x2], $0x80, $0x38;
	[tilespmem:$0x13480] =	vst v63  }
0x239: {  	s30 =	sadd.s32 $0xF218, s28;
	s31 =	sadd.s32 $0x30, s29  }
0x23a: {  	[hbm4b:s31+s2] =	stream.linear.scatter [tilespmem:s30], [sflag:$0x2], $0x80, $0x38;
	[tilespmem:$0x13480] =	vst v63  }
0x23b: {  	s30 =	sadd.s32 $0xF2A0, s28;
	s31 =	sadd.s32 $0x40, s29  }
0x23c: {  	[hbm4b:s31+s2] =	stream.linear.scatter [tilespmem:s30], [sflag:$0x2], $0x80, $0x38;
	[tilespmem:$0x13480] =	vst v63  }
0x23d: {  	s26 =	sor.u32 $0x3, s26;
	s30 =	sadd.s32 $0xF328, s28;
	s31 =	sadd.s32 $0x50, s29  }
0x23e: {  	[hbm4b:s31+s2] =	stream.linear.scatter [tilespmem:s30], [sflag:$0x2], $0x80, $0x38;
	[tilespmem:$0x13480] =	vst v63  }
0x23f: {  	p0 =	sgt.u32 s26, $0xC4;
	s30 =	sadd.s32 $0xF3B0, s28;
	s31 =	sadd.s32 $0x60, s29  }
0x240: {  	[hbm4b:s31+s2] =	stream.linear.scatter [tilespmem:s30], [sflag:$0x2], $0x80, $0x38;
	[tilespmem:$0x13480] =	vst v63  }
0x241: {  	s0 =	sadd.s32 @!p0 $0x300, s25;
	s30 =	sadd.s32 $0xF438, s28;
	s31 =	sadd.s32 $0x70, s29  }
0x242: {  	[hbm4b:s31+s2] =	stream.linear.scatter [tilespmem:s30], [sflag:$0x2], $0x80, $0x38;
	[tilespmem:$0x13480] =	vst v63  }
0x243: {  	s25 =	simm.s32 @!p0 $0xB080;
	s30 =	simm.s32 $0x2;
	s31 =	simm.s32 $0x3  }
0x244: {  	s4 =	simm.s32 @!p0 $0x80;
	v3 =	vmov s30;
	s30 =	simm.s32 $0x7;
	v5 =	vmov s31;
	s31 =	simm.s32 $0x5  }
0x245: {  	[tilespmem:s25], [sflag:$0x1] =	stream.indirect.gather @!p0 [hbm4b:s5+s4], $0x40, s0, s4, $0xb8;
	v7 =	vmov s30;
	[tilespmem:$0x13480] =	vst v63  }
0x246: {  	s4 =	simm.s32 $0x0;
	s25 =	simm.s32 $0x1;
	v8 =	vmov s31;
	v3 =	vshrl.u32 v3, $0x3;
	v5 =	vshrl.u32 v5, $0x3;
	_ =	swait.ge [sflag:s16], $0x2000  }
0x247: {  	s30 =	simm.s32 $0x6;
	v0 =	vmov s4;
	v2 =	vmov s25;
	v7 =	vshrl.u32 v7, $0x3;
	[sflag:s16] =	ssyncset.done $0x0  }
0x248: {  	s25 =	simm.s32 $0x4;
	v44 =	vmov s30;
	v5 =	vshll.u32 v5, v1;
	v0 =	vshrl.u32 v0, $0x3;
	[sflag:s16] =	ssyncadd.s32 $0xFFFFE000  }
0x249: {  	v6 =	vmov s25;
	v2 =	vshrl.u32 v2, $0x3;
	v7 =	vshll.u32 v7, v1;
	_ =	swait.ge [sflag:s19], $0x2000  }
0x24a: {  	v43 =	vbroadcast v5, $0x0;
	v0 =	vshll.u32 v0, v1;
	v7 =	vbroadcast v7, $0x0;
	[sflag:s19] =	ssyncset.done $0x0  }
0x24b: {  	s25 =	simm.s32 $0xD270;
	v41 =	vbroadcast v0, $0x0;
	v0 =	vshll.u32 v2, v1;
	v2 =	vshll.u32 v3, v1;
	[sflag:s19] =	ssyncadd.s32 $0xFFFFE000  }
0x24c: {  	v6 =	vshrl.u32 v6, $0x3;
	v46 =	vadd.s32 v37, v7;
	v2 =	vbroadcast v2, $0x0;
	v3 =	vld [tilespmem:s25+$0xFFFFFFD0]  }
0x24d: {  	v5 =	vshll.u32 v6, v1;
	v0 =	vbroadcast v0, $0x0;
	v48 =	vadd.s32 v4, v41;
	v47 =	vld [tilespmem:s25+$0xFFFFFE10]  }
0x24e: {  	v42 =	vbroadcast v5, $0x0;
	v5 =	vshrl.u32 v8, $0x3;
	v6 =	vld [tilespmem:s25+$0xFFFFFE90];
	v51 =	vadd.s32 v17, v2  }
0x24f: {  	v44 =	vshrl.u32 v44, $0x3;
	v5 =	vshll.u32 v5, v1;
	v49 =	vld [tilespmem:s25+$0xFFFFFE50];
	v50 =	vadd.s32 v13, v0  }
0x250: {  	v52 =	vadd.s32 v21, v43;
	v8 =	vld [tilespmem:s25+$0xFFFFFED0];
	v45 =	vbroadcast v5, $0x0;
	v5 =	vshll.u32 v44, v1  }
0x251: {  	v53 =	vld [tilespmem:s25+$0xFFFFFF10];
	v54 =	vadd.s32 v25, v42;
	v44 =	vbroadcast v5, $0x0;
	[tilespmem:v46+s18+$0x0] =	vst.idx.msk $0xffff, v3  }
0x252: {  	v62 =	vld [tilespmem:s25+$0xFFFFFF50];
	v63 =	vadd.s32 v29, v45;
	[tilespmem:v48+s18+$0x0] =	vst.idx.msk $0xffff, v47  }
0x253: {  	v56 =	vadd.s32 v33, v44;
	[tilespmem:v51+s18+$0x0] =	vst.idx.msk $0xffff, v6;
	v6 =	vld [tilespmem:s25+$0xFFFFFF90]  }
0x254: {  	v5 =	vadd.s32 v38, v7;
	[tilespmem:v50+s18+$0x0] =	vst.idx.msk $0xffff, v49;
	v3 =	vld [tilespmem:s25+$0xFFFFFFE0]  }
0x255: {  	v58 =	vadd.s32 v18, v2;
	[tilespmem:v52+s18+$0x0] =	vst.idx.msk $0xffff, v8;
	v8 =	vld [tilespmem:s25+$0xFFFFFEA0]  }
0x256: {  	v57 =	vadd.s32 v14, v0;
	[tilespmem:v54+s18+$0x0] =	vst.idx.msk $0xffff, v53;
	v49 =	vld [tilespmem:s25+$0xFFFFFE60]  }
0x257: {  	v59 =	vadd.s32 v22, v43;
	v52 =	vld [tilespmem:s25+$0xFFFFFEE0];
	[tilespmem:v63+s18+$0x0] =	vst.idx.msk $0xffff, v62  }
0x258: {  	v61 =	vadd.s32 v26, v42;
	v60 =	vld [tilespmem:s25+$0xFFFFFF20];
	[tilespmem:v56+s18+$0x0] =	vst.idx.msk $0xffff, v6  }
0x259: {  	v62 =	vadd.s32 v30, v45;
	v6 =	vld [tilespmem:s25+$0xFFFFFF60];
	[tilespmem:v5+s18+$0x0] =	vst.idx.msk $0xffff, v3  }
0x25a: {  	v63 =	vadd.s32 v34, v44;
	[tilespmem:v58+s18+$0x0] =	vst.idx.msk $0xffff, v8;
	v8 =	vld [tilespmem:s25+$0xFFFFFFA0]  }
0x25b: {  	v5 =	vadd.s32 v39, v7;
	[tilespmem:v57+s18+$0x0] =	vst.idx.msk $0xffff, v49;
	v3 =	vld [tilespmem:s25+$0xFFFFFFF0]  }
0x25c: {  	v56 =	vld [tilespmem:s25+$0xFFFFFE20];
	v57 =	vadd.s32 v10, v41;
	[tilespmem:v59+s18+$0x0] =	vst.idx.msk $0xffff, v52  }
0x25d: {  	v59 =	vadd.s32 v15, v0;
	[tilespmem:v61+s18+$0x0] =	vst.idx.msk $0xffff, v60;
	v58 =	vld [tilespmem:s25+$0xFFFFFE70]  }
0x25e: {  	v47 =	vadd.s32 v23, v43;
	[tilespmem:v62+s18+$0x0] =	vst.idx.msk $0xffff, v6;
	v6 =	vld [tilespmem:s25+$0xFFFFFEF0]  }
0x25f: {  	[tilespmem:v63+s18+$0x0] =	vst.idx.msk $0xffff, v8;
	v8 =	vld [tilespmem:s25+$0xFFFFFF30];
	v63 =	vadd.s32 v27, v42  }
0x260: {  	v46 =	vadd.s32 v19, v2;
	[tilespmem:v5+s18+$0x0] =	vst.idx.msk $0xffff, v3;
	v5 =	vadd.s32 v40, v7;
	v7 =	vld [tilespmem:s25+$0xFFFFFEB0]  }
0x261: {  	[tilespmem:v57+s18+$0x0] =	vst.idx.msk $0xffff, v56;
	v3 =	vld [tilespmem:s25+$0x0]  }
0x262: {  	s31 =	simm.s32 $0x8;
	s4 =	simm.s32 $0x9;
	v51 =	vadd.s32 v35, v44;
	v49 =	vadd.s32 v31, v45;
	v48 =	vld [tilespmem:s25+$0xFFFFFF70];
	[tilespmem:v59+s18+$0x0] =	vst.idx.msk $0xffff, v58  }
0x263: {  	v61 =	vmov s4;
	s4 =	simm.s32 $0xC;
	v60 =	vadd.s32 v20, v2;
	v62 =	vmov s31;
	v50 =	vld [tilespmem:s25+$0xFFFFFFB0];
	[tilespmem:v47+s18+$0x0] =	vst.idx.msk $0xffff, v6  }
0x264: {  	s30 =	simm.s32 $0xA;
	v55 =	vmov s4;
	s31 =	simm.s32 $0xB;
	v53 =	vshrl.u32 v62, $0x3;
	v56 =	vadd.s32 v11, v41;
	v54 =	vld [tilespmem:s25+$0xFFFFFE30];
	[tilespmem:v63+s18+$0x0] =	vst.idx.msk $0xffff, v8  }
0x265: {  	v62 =	vmov s30;
	v52 =	vmov s31;
	s30 =	simm.s32 $0xD;
	s31 =	simm.s32 $0xE;
	v59 =	vadd.s32 v16, v0;
	v57 =	vld [tilespmem:s25+$0xFFFFFE80];
	[tilespmem:v46+s18+$0x0] =	vst.idx.msk $0xffff, v7  }
0x266: {  	s29 =	simm.s32 $0xF;
	s28 =	simm.s32 $0x10;
	v53 =	vshll.u32 v53, v1;
	v47 =	vmov s31;
	v46 =	vmov s30;
	[tilespmem:v5+s18+$0x0] =	vst.idx.msk $0xffff, v3;
	v58 =	vld [tilespmem:s25+$0xFFFFFEC0]  }
.LBB2_20:
0x267: {  	p0 =	slt.u32 s28, $0x78;
	v0 =	vshrl.u32 v61, $0x3;
	v2 =	vmov s29;
	v3 =	vld [tilespmem:s25+$0xFFFFFF00];
	v5 =	vadd.s32 v24, v43;
	[tilespmem:v49+s18+$0x0] =	vst.idx.msk $0xffff, v48  }
0x268: {  	v6 =	vshrl.u32 v62, $0x3;
	v8 =	vadd.s32 v28, v42;
	v2 =	vshrl.u32 v2, $0x3;
	v7 =	vld [tilespmem:s25+$0xFFFFFF40];
	[tilespmem:v51+s18+$0x0] =	vst.idx.msk $0xffff, v50  }
0x269: {  	v42 =	vshrl.u32 v52, $0x3;
	v45 =	vadd.s32 v32, v45;
	v2 =	vshll.u32 v2, v1;
	[tilespmem:v56+s18+$0x0] =	vst.idx.msk $0xffff, v54;
	v48 =	vld [tilespmem:s25+$0xFFFFFF80]  }
0x26a: {  	v49 =	vshrl.u32 v55, $0x3;
	v44 =	vadd.s32 v36, v44;
	v2 =	vbroadcast v2, $0x0;
	[tilespmem:v59+s18+$0x0] =	vst.idx.msk $0xffff, v57;
	v50 =	vld [tilespmem:s25+$0xFFFFFFC0]  }
0x26b: {  	v52 =	vadd.s32 v12, v41;
	v41 =	vbroadcast v53, $0x0;
	v0 =	vshll.u32 v0, v1;
	v51 =	vld [tilespmem:s25+$0xFFFFFE40];
	[tilespmem:v60+s18+$0x0] =	vst.idx.msk $0xffff, v58;
	s25 =	sadd.s32 $0x200, s25  }
0x26c: {  	v6 =	vshll.u32 v6, v1;
	v0 =	vbroadcast v0, $0x0;
	v53 =	vld [tilespmem:s25+$0xFFFFFFD0];
	v54 =	vadd.s32 v37, v2;
	[tilespmem:v5+s18+$0x0] =	vst.idx.msk $0xffff, v3  }
0x26d: {  	v42 =	vshll.u32 v42, v1;
	v6 =	vbroadcast v6, $0x0;
	v5 =	vadd.s32 v4, v41;
	v3 =	vld [tilespmem:s25+$0xFFFFFE10];
	[tilespmem:v8+s18+$0x0] =	vst.idx.msk $0xffff, v7  }
0x26e: {  	v43 =	vbroadcast v42, $0x0;
	v42 =	vshll.u32 v49, v1;
	v8 =	vadd.s32 v13, v0;
	v7 =	vld [tilespmem:s25+$0xFFFFFE50];
	[tilespmem:v45+s18+$0x0] =	vst.idx.msk $0xffff, v48  }
0x26f: {  	v42 =	vbroadcast v42, $0x0;
	v49 =	vadd.s32 v17, v6;
	v45 =	vshrl.u32 v46, $0x3;
	v48 =	vld [tilespmem:s25+$0xFFFFFE90];
	[tilespmem:v44+s18+$0x0] =	vst.idx.msk $0xffff, v50  }
0x270: {  	v47 =	vshrl.u32 v47, $0x3;
	v50 =	vadd.s32 v21, v43;
	v44 =	vshll.u32 v45, v1;
	v46 =	vld [tilespmem:s25+$0xFFFFFED0];
	[tilespmem:v52+s18+$0x0] =	vst.idx.msk $0xffff, v51  }
0x271: {  	v52 =	vadd.s32 v25, v42;
	v45 =	vbroadcast v44, $0x0;
	v44 =	vshll.u32 v47, v1;
	v51 =	vld [tilespmem:s25+$0xFFFFFF10];
	[tilespmem:v54+s18+$0x0] =	vst.idx.msk $0xffff, v53  }
0x272: {  	v44 =	vbroadcast v44, $0x0;
	[tilespmem:v5+s18+$0x0] =	vst.idx.msk $0xffff, v3;
	v3 =	vld [tilespmem:s25+$0xFFFFFFE0];
	v5 =	vadd.s32 v38, v2  }
0x273: {  	[tilespmem:v8+s18+$0x0] =	vst.idx.msk $0xffff, v7;
	v7 =	vld [tilespmem:s25+$0xFFFFFF50];
	v8 =	vadd.s32 v29, v45  }
0x274: {  	[tilespmem:v49+s18+$0x0] =	vst.idx.msk $0xffff, v48;
	v47 =	vld [tilespmem:s25+$0xFFFFFF90];
	v48 =	vadd.s32 v33, v44  }
0x275: {  	v53 =	vadd.s32 v14, v0;
	v49 =	vld [tilespmem:s25+$0xFFFFFE60];
	[tilespmem:v50+s18+$0x0] =	vst.idx.msk $0xffff, v46  }
0x276: {  	v50 =	vadd.s32 v18, v6;
	v46 =	vld [tilespmem:s25+$0xFFFFFEA0];
	[tilespmem:v52+s18+$0x0] =	vst.idx.msk $0xffff, v51  }
0x277: {  	v52 =	vadd.s32 v22, v43;
	v51 =	vld [tilespmem:s25+$0xFFFFFEE0];
	[tilespmem:v5+s18+$0x0] =	vst.idx.msk $0xffff, v3  }
0x278: {  	v5 =	vadd.s32 v39, v2;
	[tilespmem:v8+s18+$0x0] =	vst.idx.msk $0xffff, v7;
	v3 =	vld [tilespmem:s25+$0xFFFFFFF0]  }
0x279: {  	v8 =	vadd.s32 v26, v42;
	v7 =	vld [tilespmem:s25+$0xFFFFFF20];
	[tilespmem:v48+s18+$0x0] =	vst.idx.msk $0xffff, v47  }
0x27a: {  	v48 =	vadd.s32 v30, v45;
	[tilespmem:v53+s18+$0x0] =	vst.idx.msk $0xffff, v49;
	v47 =	vld [tilespmem:s25+$0xFFFFFF60]  }
0x27b: {  	v49 =	vadd.s32 v34, v44;
	[tilespmem:v50+s18+$0x0] =	vst.idx.msk $0xffff, v46;
	v46 =	vld [tilespmem:s25+$0xFFFFFFA0]  }
0x27c: {  	v53 =	vadd.s32 v10, v41;
	v50 =	vld [tilespmem:s25+$0xFFFFFE20];
	[tilespmem:v52+s18+$0x0] =	vst.idx.msk $0xffff, v51  }
0x27d: {  	v52 =	vadd.s32 v15, v0;
	v51 =	vld [tilespmem:s25+$0xFFFFFE70];
	[tilespmem:v5+s18+$0x0] =	vst.idx.msk $0xffff, v3  }
0x27e: {  	v2 =	vadd.s32 v40, v2;
	[tilespmem:v8+s18+$0x0] =	vst.idx.msk $0xffff, v7;
	v3 =	vld [tilespmem:s25+$0x0]  }
0x27f: {  	v7 =	vadd.s32 v19, v6;
	v5 =	vld [tilespmem:s25+$0xFFFFFEB0];
	[tilespmem:v48+s18+$0x0] =	vst.idx.msk $0xffff, v47  }
0x280: {  	v47 =	vadd.s32 v23, v43;
	v8 =	vld [tilespmem:s25+$0xFFFFFEF0];
	[tilespmem:v49+s18+$0x0] =	vst.idx.msk $0xffff, v46  }
0x281: {  	v9 =	vadd.s32 v27, v42;
	[tilespmem:v53+s18+$0x0] =	vst.idx.msk $0xffff, v50;
	v63 =	vld [tilespmem:s25+$0xFFFFFF30]  }
.Ltmp8:
0x282: {  	s0 =	sadd.s32 $0x1, s28;
	v46 =	vmov s28;
	v49 =	vadd.s32 v31, v45;
	[tilespmem:v52+s18+$0x0] =	vst.idx.msk $0xffff, v51;
	v48 =	vld [tilespmem:s25+$0xFFFFFF70];
	(pc) =	sbr.rel @p0 .LBB2_20-.Ltmp8, $4  }
0x283: {  	s4 =	sadd.s32 $0x3, s28;
	v61 =	vmov s0;
	s0 =	sadd.s32 $0x2, s28;
	v53 =	vshrl.u32 v46, $0x3;
	v51 =	vadd.s32 v35, v44;
	v50 =	vld [tilespmem:s25+$0xFFFFFFB0];
	[tilespmem:v2+s18+$0x0] =	vst.idx.msk $0xffff, v3  }
0x284: {  	v62 =	vmov s0;
	s0 =	sadd.s32 $0x4, s28;
	v56 =	vadd.s32 v11, v41;
	v52 =	vmov s4;
	s4 =	sadd.s32 $0x5, s28;
	v54 =	vld [tilespmem:s25+$0xFFFFFE30];
	[tilespmem:v7+s18+$0x0] =	vst.idx.msk $0xffff, v5  }
0x285: {  	v55 =	vmov s0;
	s0 =	sadd.s32 $0x6, s28;
	v59 =	vadd.s32 v16, v0;
	v46 =	vmov s4;
	v57 =	vld [tilespmem:s25+$0xFFFFFE80];
	[tilespmem:v47+s18+$0x0] =	vst.idx.msk $0xffff, v8  }
0x286: {  	s29 =	sadd.s32 $0x7, s28;
	v60 =	vadd.s32 v20, v6;
	v53 =	vshll.u32 v53, v1;
	s28 =	sadd.s32 $0x8, s28;
	v47 =	vmov s0;
	v58 =	vld [tilespmem:s25+$0xFFFFFEC0];
	[tilespmem:v9+s18+$0x0] =	vst.idx.msk $0xffff, v63  }
0x287: {  	_ =	sdelay $0x2  }
0x288: {  	v0 =	vshrl.u32 v61, $0x3;
	v2 =	vmov s29  }
0x289: {  	v3 =	vld [tilespmem:s25+$0xFFFFFF00];
	v5 =	vadd.s32 v24, v43;
	[tilespmem:v49+s18+$0x0] =	vst.idx.msk $0xffff, v48;
	v6 =	vshrl.u32 v62, $0x3;
	v8 =	vadd.s32 v28, v42  }
0x28a: {  	v7 =	vld [tilespmem:s25+$0xFFFFFF40];
	v9 =	vshrl.u32 v52, $0x3;
	v2 =	vshrl.u32 v2, $0x3;
	[tilespmem:v51+s18+$0x0] =	vst.idx.msk $0xffff, v50;
	v6 =	vshll.u32 v6, v1  }
0x28b: {  	v44 =	vadd.s32 v36, v44;
	v2 =	vshll.u32 v2, v1;
	[tilespmem:v56+s18+$0x0] =	vst.idx.msk $0xffff, v54;
	v61 =	vld [tilespmem:s25+$0xFFFFFFC0];
	v6 =	vbroadcast v6, $0x0  }
0x28c: {  	v41 =	vadd.s32 v12, v41;
	s30 =	sadd.s32 $0x200, s25;
	v0 =	vshll.u32 v0, v1;
	v2 =	vbroadcast v2, $0x0;
	[tilespmem:v59+s18+$0x0] =	vst.idx.msk $0xffff, v57;
	v62 =	vld [tilespmem:s25+$0xFFFFFE40]  }
0x28d: {  	v43 =	vadd.s32 v32, v45;
	v0 =	vbroadcast v0, $0x0;
	v57 =	vld [tilespmem:s30+$0xFFFFFE90];
	[tilespmem:v60+s18+$0x0] =	vst.idx.msk $0xffff, v58;
	v58 =	vadd.s32 v17, v6  }
0x28e: {  	v49 =	vbroadcast v53, $0x0;
	v63 =	vld [tilespmem:s30+$0xFFFFFFD0];
	v9 =	vshll.u32 v9, v1;
	v56 =	vadd.s32 v37, v2;
	[tilespmem:v5+s18+$0x0] =	vst.idx.msk $0xffff, v3  }
0x28f: {  	v45 =	vshrl.u32 v55, $0x3;
	v9 =	vbroadcast v9, $0x0;
	[tilespmem:v8+s18+$0x0] =	vst.idx.msk $0xffff, v7;
	v7 =	vld [tilespmem:s30+$0xFFFFFE50];
	v8 =	vadd.s32 v13, v0  }
0x290: {  	v46 =	vshrl.u32 v46, $0x3;
	v45 =	vshll.u32 v45, v1;
	v3 =	vld [tilespmem:s30+$0xFFFFFE10];
	v5 =	vadd.s32 v4, v49;
	[tilespmem:v44+s18+$0x0] =	vst.idx.msk $0xffff, v61  }
0x291: {  	v46 =	vshll.u32 v46, v1;
	v45 =	vbroadcast v45, $0x0;
	v59 =	vld [tilespmem:s30+$0xFFFFFED0];
	v60 =	vadd.s32 v21, v9;
	[tilespmem:v41+s18+$0x0] =	vst.idx.msk $0xffff, v62  }
0x292: {  	v42 =	vld [tilespmem:s25+$0xFFFFFF80];
	v46 =	vbroadcast v46, $0x0;
	[tilespmem:v58+s18+$0x0] =	vst.idx.msk $0xffff, v57  }
0x293: {  	v47 =	vshrl.u32 v47, $0x3;
	v61 =	vld [tilespmem:s30+$0xFFFFFF10];
	v62 =	vadd.s32 v25, v45;
	[tilespmem:v56+s18+$0x0] =	vst.idx.msk $0xffff, v63  }
0x294: {  	v47 =	vshll.u32 v47, v1;
	[tilespmem:v8+s18+$0x0] =	vst.idx.msk $0xffff, v7;
	v7 =	vld [tilespmem:s30+$0xFFFFFF50];
	v8 =	vadd.s32 v29, v46  }
0x295: {  	[tilespmem:v5+s18+$0x0] =	vst.idx.msk $0xffff, v3;
	v3 =	vbroadcast v47, $0x0;
	v47 =	vadd.s32 v38, v2;
	v5 =	vld [tilespmem:s30+$0xFFFFFFE0]  }
0x296: {  	[tilespmem:v60+s18+$0x0] =	vst.idx.msk $0xffff, v59;
	v60 =	vadd.s32 v18, v6;
	v59 =	vld [tilespmem:s30+$0xFFFFFEA0]  }
0x297: {  	[tilespmem:v43+s18+$0x0] =	vst.idx.msk $0xffff, v42;
	v63 =	vld [tilespmem:s30+$0xFFFFFF90];
	v56 =	vadd.s32 v33, v3  }
0x298: {  	v58 =	vadd.s32 v14, v0;
	v57 =	vld [tilespmem:s30+$0xFFFFFE60];
	[tilespmem:v62+s18+$0x0] =	vst.idx.msk $0xffff, v61  }
0x299: {  	v61 =	vld [tilespmem:s30+$0xFFFFFEE0];
	v62 =	vadd.s32 v22, v9;
	[tilespmem:v8+s18+$0x0] =	vst.idx.msk $0xffff, v7  }
0x29a: {  	v8 =	vld [tilespmem:s30+$0xFFFFFF20];
	[tilespmem:v47+s18+$0x0] =	vst.idx.msk $0xffff, v5;
	v47 =	vadd.s32 v26, v45  }
0x29b: {  	v7 =	vadd.s32 v39, v2;
	[tilespmem:v60+s18+$0x0] =	vst.idx.msk $0xffff, v59;
	v5 =	vld [tilespmem:s30+$0xFFFFFFF0]  }
0x29c: {  	[tilespmem:v56+s18+$0x0] =	vst.idx.msk $0xffff, v63;
	v63 =	vld [tilespmem:s30+$0xFFFFFF60];
	v56 =	vadd.s32 v30, v46  }
0x29d: {  	v59 =	vld [tilespmem:s30+$0xFFFFFE20];
	v60 =	vadd.s32 v10, v49;
	[tilespmem:v58+s18+$0x0] =	vst.idx.msk $0xffff, v57  }
0x29e: {  	v58 =	vadd.s32 v34, v3;
	v57 =	vld [tilespmem:s30+$0xFFFFFFA0];
	[tilespmem:v62+s18+$0x0] =	vst.idx.msk $0xffff, v61  }
0x29f: {  	v61 =	vld [tilespmem:s30+$0xFFFFFE70];
	v62 =	vadd.s32 v15, v0;
	[tilespmem:v47+s18+$0x0] =	vst.idx.msk $0xffff, v8  }
0x2a0: {  	v8 =	vadd.s32 v19, v6;
	[tilespmem:v7+s18+$0x0] =	vst.idx.msk $0xffff, v5;
	v7 =	vld [tilespmem:s30+$0xFFFFFEB0]  }
0x2a1: {  	v54 =	vadd.s32 v23, v9;
	[tilespmem:v56+s18+$0x0] =	vst.idx.msk $0xffff, v63;
	v63 =	vld [tilespmem:s30+$0xFFFFFEF0]  }
0x2a2: {  	v2 =	vadd.s32 v40, v2;
	[tilespmem:v60+s18+$0x0] =	vst.idx.msk $0xffff, v59;
	v5 =	vld [tilespmem:s30+$0x0]  }
0x2a3: {  	v55 =	vld [tilespmem:s30+$0xFFFFFF30];
	v56 =	vadd.s32 v27, v45;
	[tilespmem:v58+s18+$0x0] =	vst.idx.msk $0xffff, v57  }
0x2a4: {  	[tilespmem:v62+s18+$0x0] =	vst.idx.msk $0xffff, v61;
	v57 =	vld [tilespmem:s30+$0xFFFFFF70];
	v58 =	vadd.s32 v31, v46  }
0x2a5: {  	v60 =	vadd.s32 v35, v3;
	v59 =	vld [tilespmem:s30+$0xFFFFFFB0];
	[tilespmem:v8+s18+$0x0] =	vst.idx.msk $0xffff, v7  }
0x2a6: {  	v0 =	vadd.s32 v16, v0;
	v7 =	vld [tilespmem:s30+$0xFFFFFE80];
	[tilespmem:v54+s18+$0x0] =	vst.idx.msk $0xffff, v63  }
0x2a7: {  	[tilespmem:v2+s18+$0x0] =	vst.idx.msk $0xffff, v5;
	v2 =	vld [tilespmem:s30+$0xFFFFFE30];
	v5 =	vadd.s32 v11, v49  }
0x2a8: {  	v6 =	vadd.s32 v20, v6;
	[tilespmem:v56+s18+$0x0] =	vst.idx.msk $0xffff, v55;
	v8 =	vld [tilespmem:s30+$0xFFFFFEC0]  }
0x2a9: {  	v9 =	vadd.s32 v24, v9;
	v42 =	vld [tilespmem:s30+$0xFFFFFF00];
	[tilespmem:v58+s18+$0x0] =	vst.idx.msk $0xffff, v57  }
0x2aa: {  	v62 =	vadd.s32 v28, v45;
	v61 =	vld [tilespmem:s30+$0xFFFFFF40];
	[tilespmem:v60+s18+$0x0] =	vst.idx.msk $0xffff, v59  }
0x2ab: {  	v3 =	vadd.s32 v36, v3;
	[tilespmem:v0+s18+$0x0] =	vst.idx.msk $0xffff, v7;
	v0 =	vld [tilespmem:s30+$0xFFFFFFC0]  }
0x2ac: {  	[tilespmem:v5+s18+$0x0] =	vst.idx.msk $0xffff, v2;
	v2 =	vld [tilespmem:s30+$0xFFFFFF80];
	v5 =	vadd.s32 v32, v46  }
0x2ad: {  	v63 =	vadd.s32 v12, v49;
	[tilespmem:v6+s18+$0x0] =	vst.idx.msk $0xffff, v8;
	v7 =	vld [tilespmem:s30+$0xFFFFFE40]  }
0x2ae: {  	[tilespmem:v9+s18+$0x0] =	vst.idx.msk $0xffff, v42  }
0x2af: {  	s0 =	sshll.u32 s26, $0x14;
	[tilespmem:v62+s18+$0x0] =	vst.idx.msk $0xffff, v61  }
0x2b0: {  	s0 =	sadd.s32 s23, s0;
	[tilespmem:v3+s18+$0x0] =	vst.idx.msk $0xffff, v0  }
0x2b1: {  	s0 =	sshrl.u32 s0, $0x3;
	[tilespmem:v5+s18+$0x0] =	vst.idx.msk $0xffff, v2  }
0x2b2: {  	s31 =	simm.s32 $0x11280;
	s4 =	sadd.s32 s1, s0;
	[tilespmem:v63+s18+$0x0] =	vst.idx.msk $0xffff, v7  }
0x2b3: {  	[hbm4b:s4+s2] =	stream.linear.scatter [tilespmem:s31], [sflag:$0x2], $0x80, $0x38;
	[tilespmem:$0x13480] =	vst v63  }
0x2b4: {  	s25 =	simm.s32 $0x11308;
	s26 =	sadd.s32 $0x10, s4  }
0x2b5: {  	[hbm4b:s26+s2] =	stream.linear.scatter [tilespmem:s25], [sflag:$0x2], $0x80, $0x38;
	[tilespmem:$0x13480] =	vst v63  }
0x2b6: {  	s28 =	simm.s32 $0x2200;
	s30 =	simm.s32 $0x11390;
	s31 =	sadd.s32 $0x20, s4  }
0x2b7: {  	[hbm4b:s31+s2] =	stream.linear.scatter [tilespmem:s30], [sflag:$0x2], $0x80, $0x38;
	[tilespmem:$0x13480] =	vst v63  }
0x2b8: {  	s0 =	simm.s32 $0x11638;
	s25 =	simm.s32 $0x11418;
	s26 =	sadd.s32 $0x30, s4  }
0x2b9: {  	[hbm4b:s26+s2] =	stream.linear.scatter [tilespmem:s25], [sflag:$0x2], $0x80, $0x38;
	[tilespmem:$0x13480] =	vst v63  }
0x2ba: {  	s29 =	sadd.s32 $0x70, s4;
	s30 =	simm.s32 $0x114A0;
	s31 =	sadd.s32 $0x40, s4  }
0x2bb: {  	[hbm4b:s31+s2] =	stream.linear.scatter [tilespmem:s30], [sflag:$0x2], $0x80, $0x38;
	[tilespmem:$0x13480] =	vst v63  }
0x2bc: {  	s25 =	simm.s32 $0x11528;
	s26 =	sadd.s32 $0x50, s4;
	s30 =	simm.s32 $0x115B0  }
0x2bd: {  	[hbm4b:s26+s2] =	stream.linear.scatter [tilespmem:s25], [sflag:$0x2], $0x80, $0x38;
	[tilespmem:$0x13480] =	vst v63  }
0x2be: {  	s31 =	sadd.s32 $0x60, s4;
	s25 =	simm.s32 $0x440;
	s26 =	sadd.s32 $0x4000, s4  }
0x2bf: {  	[hbm4b:s31+s2] =	stream.linear.scatter [tilespmem:s30], [sflag:$0x2], $0x80, $0x38;
	[tilespmem:$0x13480] =	vst v63  }
.LBB2_22:
0x2c0: {  	[hbm4b:s29+s2] =	stream.linear.scatter [tilespmem:s0], [sflag:$0x2], $0x80, $0x38;
	[tilespmem:$0x13480] =	vst v63  }
0x2c1: {  	s0 =	smov.u32 s25;
	s4 =	smov.u32 s28  }
0x2c2: {  	s25 =	sshra.s32 s4, $0x2;
	s4 =	sadd.s32 $0x1100, s28;
	s29 =	sadd.s32 $0x11280, s0  }
0x2c3: {  	[hbm4b:s26+s2] =	stream.linear.scatter [tilespmem:s29], [sflag:$0x2], $0x80, $0x38;
	[tilespmem:$0x13480] =	vst v63  }
0x2c4: {  	p0 =	sne.s32 s28, $0x7700;
	s28 =	sadd.s32 $0x11308, s0;
	s29 =	sadd.s32 $0x10, s26  }
0x2c5: {  	[hbm4b:s29+s2] =	stream.linear.scatter [tilespmem:s28], [sflag:$0x2], $0x80, $0x38;
	[tilespmem:$0x13480] =	vst v63  }
0x2c6: {  	s28 =	sadd.s32 $0x11390, s0;
	s29 =	sadd.s32 $0x20, s26  }
0x2c7: {  	[hbm4b:s29+s2] =	stream.linear.scatter [tilespmem:s28], [sflag:$0x2], $0x80, $0x38;
	[tilespmem:$0x13480] =	vst v63  }
0x2c8: {  	s28 =	sadd.s32 $0x11418, s0;
	s29 =	sadd.s32 $0x30, s26  }
0x2c9: {  	[hbm4b:s29+s2] =	stream.linear.scatter [tilespmem:s28], [sflag:$0x2], $0x80, $0x38;
	[tilespmem:$0x13480] =	vst v63  }
0x2ca: {  	s28 =	sadd.s32 $0x114A0, s0;
	s29 =	sadd.s32 $0x40, s26  }
0x2cb: {  	[hbm4b:s29+s2] =	stream.linear.scatter [tilespmem:s28], [sflag:$0x2], $0x80, $0x38;
	[tilespmem:$0x13480] =	vst v63  }
.Ltmp9:
0x2cc: {  	s28 =	sadd.s32 $0x11528, s0;
	s29 =	sadd.s32 $0x50, s26;
	(pc) =	sbr.rel @p0 .LBB2_22-.Ltmp9, $4  }
0x2cd: {  	[hbm4b:s29+s2] =	stream.linear.scatter [tilespmem:s28], [sflag:$0x2], $0x80, $0x38;
	[tilespmem:$0x13480] =	vst v63  }
0x2ce: {  	s28 =	sadd.s32 $0x115B0, s0;
	s29 =	sadd.s32 $0x60, s26;
	s0 =	sadd.s32 $0x11638, s0  }
0x2cf: {  	[hbm4b:s29+s2] =	stream.linear.scatter [tilespmem:s28], [sflag:$0x2], $0x80, $0x38;
	[tilespmem:$0x13480] =	vst v63  }
0x2d0: {  	s29 =	sadd.s32 $0x70, s26;
	s26 =	sadd.s32 $0x4000, s26;
	s28 =	smov.u32 s4  }
0x2d1: {  	[hbm4b:s29+s2] =	stream.linear.scatter [tilespmem:s0], [sflag:$0x2], $0x80, $0x38;
	[tilespmem:$0x13480] =	vst v63  }
0x2d2: {  	s30 =	sadd.s32 $0x11280, s25  }
0x2d3: {  	[hbm4b:s26+s2] =	stream.linear.scatter [tilespmem:s30], [sflag:$0x2], $0x80, $0x38;
	[tilespmem:$0x13480] =	vst v63  }
0x2d4: {  	s31 =	sadd.s32 $0x11308, s25;
	s4 =	sadd.s32 $0x10, s26  }
0x2d5: {  	[hbm4b:s4+s2] =	stream.linear.scatter [tilespmem:s31], [sflag:$0x2], $0x80, $0x38;
	[tilespmem:$0x13480] =	vst v63  }
0x2d6: {  	s28 =	sadd.s32 $0x11390, s25;
	s29 =	sadd.s32 $0x20, s26  }
0x2d7: {  	[hbm4b:s29+s2] =	stream.linear.scatter [tilespmem:s28], [sflag:$0x2], $0x80, $0x38;
	[tilespmem:$0x13480] =	vst v63  }
0x2d8: {  	s30 =	sadd.s32 $0x11418, s25;
	s31 =	sadd.s32 $0x30, s26  }
0x2d9: {  	[hbm4b:s31+s2] =	stream.linear.scatter [tilespmem:s30], [sflag:$0x2], $0x80, $0x38;
	[tilespmem:$0x13480] =	vst v63  }
0x2da: {  	s24 =	sadd.s32 $0x1, s24;
	s28 =	sadd.s32 $0x114A0, s25;
	s29 =	sadd.s32 $0x40, s26  }
0x2db: {  	[hbm4b:s29+s2] =	stream.linear.scatter [tilespmem:s28], [sflag:$0x2], $0x80, $0x38;
	[tilespmem:$0x13480] =	vst v63  }
0x2dc: {  	p0 =	sne.s32 s24, $0x32;
	s30 =	sadd.s32 $0x11528, s25;
	s31 =	sadd.s32 $0x50, s26  }
0x2dd: {  	[hbm4b:s31+s2] =	stream.linear.scatter [tilespmem:s30], [sflag:$0x2], $0x80, $0x38;
	[tilespmem:$0x13480] =	vst v63  }
.Ltmp10:
0x2de: {  	_ = 	snop;
	(pc) =	sbr.rel @p0 .LBB2_7-.Ltmp10, $4  }
0x2df: {  	s28 =	sadd.s32 $0x115B0, s25;
	s29 =	sadd.s32 $0x60, s26  }
0x2e0: {  	[hbm4b:s29+s2] =	stream.linear.scatter [tilespmem:s28], [sflag:$0x2], $0x80, $0x38;
	[tilespmem:$0x13480] =	vst v63  }
0x2e1: {  	s30 =	sadd.s32 $0x11638, s25;
	s31 =	sadd.s32 $0x70, s26  }
0x2e2: {  	[hbm4b:s31+s2] =	stream.linear.scatter [tilespmem:s30], [sflag:$0x2], $0x80, $0x38;
	[tilespmem:$0x13480] =	vst v63  }
0x2e3: {  	_ =	swait.ge [sflag:s19], $0x2000  }
0x2e4: {  	[sflag:s19] =	ssyncset.done $0x0  }
0x2e5: {  	[sflag:s19] =	ssyncadd.s32 $0xFFFFE000  }
0x2e6: {  	_ =	swait.ge [sflag:s19], $0x2000  }
0x2e7: {  	v0 =	vld [tilespmem:$0x1FF80]  }
0x2e8: {  	s21 =	sadd.s32 $0x1, s21;
	v2 =	vld [tilespmem:$0x1FF90]  }
0x2e9: {  	p0 =	sne.s32 s21, $0x4;
	v3 =	vld [tilespmem:$0x1FFA0]  }
.Ltmp11:
0x2ea: {  	v5 =	vld [tilespmem:$0x1FFB0];
	(pc) =	sbr.rel @p0 .LBB2_2-.Ltmp11, $4  }
0x2eb: {  	v6 =	vld [tilespmem:$0x1FFC0]  }
0x2ec: {  	v7 =	vld [tilespmem:$0x1FFD0]  }
0x2ed: {  	[sflag:s19] =	ssyncset.done $0x0;
	v8 =	vld [tilespmem:$0x1FFE0]  }
0x2ee: {  	v9 =	vld [tilespmem:$0x1FFF0];
	[sflag:s19] =	ssyncadd.s32 $0xFFFFE000  }
0x2ef: {  	s20 =	sadd.s32 $0x1, s20  }
0x2f0: {  	p0 =	sne.s32 s20, s7  }
.Ltmp12:
0x2f1: {  	_ = 	snop;
	(pc) =	sbr.rel @p0 .LBB2_1-.Ltmp12, $1  }
0x2f2: {  	_ =	sdelay $0x3  }
0x2f3: {  	_ =	sfence.sel $0x180000  }
0x2f4: {  	[bflag:$0x0] =	sbarrier.arrive $0xFFFF  }
0x2f5: {  	_ =	strace $0x90000047  }
0x2f6: {  	s0 =	stileid.u32;
	[bflag:$0x2] =	sbarrier.arrive $0xFFFF  }
0x2f7: {  	p0 =	sne.s32 s0, $0x0;
	s0 =	rddreg [dreg:$0x2]  }
0x2f8: {  	s0 =	sadd.s32 @!p0 $0x100000, s0  }
0x2f9: {  	[sflag:s0] =	ssyncadd.tile.s32 @!p0 $0x1;
	_ =	shalt  }
.Lfunc_end2:
_tile_overlayer_lowered:
.L_overlay_start_2:
0x2fa: {  	(tag) =	ssettag $0x2  }
0x2fb: {  	s0 =	rddreg [dreg:$0x0];
	s2 =	stileid.u32  }
0x2fc: {  	s1 =	rddreg [dreg:$0x1];
	p0 =	sne.s32 s2, $0x0  }
0x2fd: {  	s3 =	rddreg [dreg:$0x2];
	[bflag:$0x3] =	sbarrier.arrive $0xFFFF;
	s2 =	simm.s32 @!p0 $0x1C03  }
0x2fe: {  	[timem:s3], [sflag:s2] =	dma.local @!p0 [hbm:s0], s1  }
0x2ff: {  	s0 =	simm.s32 @!p0 $0x3  }
0x300: {  	_ =	swait.ge @!p0 [sflag:s0], s1  }
0x301: {  	s1 =	ssub.s32 @!p0 $0x0, s1;
	[sflag:s0] =	ssyncset.done @!p0 $0x0  }
0x302: {  	[sflag:s0] =	ssyncadd.s32 @!p0 s1  }
0x303: {  	[bflag:$0x3] =	sbarrier.arrive $0xFFFF  }
0x304: {  	_ =	shalt  }

</sc_bundles>
